<compile_context>
chip_gen: v7x
topology: tpu7x:2x2x1
jax: 0.10.2.dev20260603
libtpu: 0.0.44.dev20260713+nightly
codegen_flags: <defaults>
</compile_context>

<pallas_src>
import jax
import jax.numpy as jnp
from jax import lax
from jax.experimental import pallas as pl
from jax.experimental.pallas import tpu as pltpu
from jax.experimental.pallas import tpu_sc as plsc

N_NODES = 10000
N_EDGES = 320000
F = 128
L = 16
FT = 4

NC = 2
NS = 16
NW = NC * NS

NPH = 10
PHE = N_EDGES // NPH
UNROLL = 8
XWORDS = N_NODES * FT


def _sc_body(xt_hbm, packed_hbm, out_hbm, x_v, acc_v, idx_v):
    c = lax.axis_index("c")
    s = lax.axis_index("s")
    t = c * NS + s
    pltpu.sync_copy(xt_hbm.at[t, 0], x_v)

    def zstep(i, carry):
        acc_v[pl.ds(i * L, L)] = jnp.zeros((L,), jnp.float32)
        return carry

    lax.fori_loop(0, XWORDS // L, zstep, 0)

    for ph in range(NPH):
        pltpu.sync_copy(packed_hbm.at[ph, 0], idx_v)

        @plsc.parallel_loop(0, PHE // L, unroll=UNROLL)
        def _(k):
            p = idx_v[pl.ds(k * L, L)]
            s4 = p & 0xFFFF
            d4 = lax.shift_right_logical(p, 16)
            for f in range(FT):
                v = plsc.load_gather(x_v, [s4 + f])
                plsc.addupdate_scatter(acc_v, [d4 + f], v)

    pltpu.sync_copy(acc_v, out_hbm.at[t, 0])


@jax.jit
def _sc_scatter(xt, packed):
    mesh = plsc.VectorSubcoreMesh(core_axis_name="c", subcore_axis_name="s",
                                  num_cores=NC, num_subcores=NS)
    return pl.kernel(
        _sc_body,
        out_type=jax.ShapeDtypeStruct((NW, 1, XWORDS), jnp.float32),
        mesh=mesh,
        compiler_params=pltpu.CompilerParams(needs_layout_passes=False),
        scratch_types=[
            pltpu.VMEM((XWORDS,), jnp.float32),
            pltpu.VMEM((XWORDS,), jnp.float32),
            pltpu.VMEM((PHE,), jnp.int32),
        ],
    )(xt, packed)


def _tc_body(h_ref, w_ref, b_ref, g_ref, be_ref, out_ref):
    y = lax.dot_general(h_ref[...], w_ref[...], (((1,), (1,)), ((), ())),
                        preferred_element_type=jnp.float32,
                        precision=lax.Precision.HIGHEST)
    y = jnp.maximum(y + b_ref[...], 0.0)
    mean = jnp.mean(y, axis=0, keepdims=True)
    var = jnp.mean(jnp.square(y - mean), axis=0, keepdims=True)
    out_ref[...] = (y - mean) * lax.rsqrt(var + 1e-5) * g_ref[...] + be_ref[...]


@jax.jit
def _tc_finish(h, W, b, gamma, beta):
    return pl.pallas_call(
        _tc_body,
        out_shape=jax.ShapeDtypeStruct((N_NODES, F), jnp.float32),
    )(h, W, b.reshape(1, F), gamma.reshape(1, F), beta.reshape(1, F))


def kernel(x, edge_index, W, b, gamma, beta):
    xt = x.reshape(N_NODES, NW, FT).transpose(1, 0, 2).reshape(NW, 1, XWORDS)
    src = edge_index[0].astype(jnp.int32)
    dst = edge_index[1].astype(jnp.int32)
    packed = ((src << 2) | (dst << 18)).reshape(NPH, 1, PHE)
    out = _sc_scatter(xt, packed)
    h = out.reshape(NW, N_NODES, FT).transpose(1, 0, 2).reshape(N_NODES, F)
    return _tc_finish(h, W, b, gamma, beta)

# --- scband reference (transcript-rebuilt; emitter-appended) ---
"""Pipeline reference for scband-encoder-layer-66279935312082 (READ-ONLY COPY).

The authoritative reference and input builder live on the scoring server;
editing this copy changes nothing except your own understanding.
"""

import jax, jax.numpy as jnp
import numpy as np

N_NODES = 10000
N_EDGES = 320000
IN_FEATS = 128
OUT_FEATS = 128

def setup_inputs(seed: int = 0) -> dict:
    key = jax.random.key(seed)
    k1, k2, k3, k4 = jax.random.split(key, 4)
    x = jax.random.normal(k1, (N_NODES, IN_FEATS), dtype=jnp.float32)
    edge_index = jax.random.randint(k2, (2, N_EDGES), 0, N_NODES, dtype=jnp.int64)
    # Linear params (PyTorch nn.Linear default init: U(-1/sqrt(fan_in), 1/sqrt(fan_in)))
    bound = 1.0 / np.sqrt(IN_FEATS)
    W = jax.random.uniform(k3, (OUT_FEATS, IN_FEATS), minval=-bound, maxval=bound, dtype=jnp.float32)
    b = jax.random.uniform(k4, (OUT_FEATS,), minval=-bound, maxval=bound, dtype=jnp.float32)
    # BatchNorm1d affine params
    gamma = jnp.ones((OUT_FEATS,), dtype=jnp.float32)
    beta = jnp.zeros((OUT_FEATS,), dtype=jnp.float32)
    return {"x": x, "edge_index": edge_index, "W": W, "b": b, "gamma": gamma, "beta": beta}

def reference(x, edge_index, W, b, gamma, beta):
    # DGL update_all(copy_src('h'), sum('m','h')): h_dst = sum_{edges (s->d)} x[s]
    src = edge_index[0]
    dst = edge_index[1]
    m = jnp.take(x, src, axis=0)                       # gather (SparseCore)
    h = jax.ops.segment_sum(m, dst, num_segments=N_NODES)  # scatter-add
    # Linear
    h = h @ W.T + b
    # Activation (relu)
    h = jax.nn.relu(h)
    # BatchNorm1d (training-style batch statistics, biased variance, eps=1e-5)
    mean = jnp.mean(h, axis=0)
    var = jnp.var(h, axis=0)
    h = (h - mean) / jnp.sqrt(var + 1e-5) * gamma + beta
    # Dropout: identity in eval / deterministic reference
    return h

if __name__ == "__main__":
    import jax
    _d = setup_inputs()
    print(jax.jit(kernel)(*tuple(_d.values())))

</pallas_src>

<mosaic_0001>
#map = affine_map<(d0, d1) -> (0, 0, 0)>
module attributes {stable_mosaic.version = 14 : i64} {
  func.func @_sc_body(%arg0: i32, %arg1: i32, %arg2: memref<32x1x40000xf32, #tpu.memory_space<hbm>>, %arg3: memref<10x1x32000xi32, #tpu.memory_space<hbm>>, %arg4: memref<32x1x40000xf32, #tpu.memory_space<hbm>>, %arg5: memref<40000xf32, #tpu.memory_space<vmem>>, %arg6: memref<40000xf32, #tpu.memory_space<vmem>>, %arg7: memref<32000xi32, #tpu.memory_space<vmem>>) attributes {dimension_semantics = [#tpu.dimension_semantics<core_parallel>, #tpu.dimension_semantics<subcore_parallel>], iteration_bounds = array<i64: 2, 16>, scalar_prefetch = 0 : i64, scratch_operands = 3 : i64, tpu.core_type = #tpu.core_type<sc_vector_subcore>, window_params = [{transform_indices = #map}, {transform_indices = #map}, {transform_indices = #map}]} {
    %mul3A = arith.constant 16 : i32
    %mul3A_0 = arith.muli %arg0, %mul3A : i32
    %add3A = arith.addi %mul3A_0, %arg1 : i32
    %run_scoped3A = arith.constant 0 : i32
    "tpu.region"() ({
      %run_scoped3A_56 = tpu.sem_alloc : memref<!tpu.dma_semaphore, #tpu.memory_space<semaphore_mem>>
      %dma_start3A = arith.constant 0 : i32
      %dma_start3A_57 = tpu.memref_slice %arg2[%add3A, %run_scoped3A, %dma_start3A] : memref<32x1x40000xf32, #tpu.memory_space<hbm>> -> memref<1x1x40000xf32, #tpu.memory_space<hbm>>
      %dma_start3A_58 = tpu.memref_squeeze %dma_start3A_57 : memref<1x1x40000xf32, #tpu.memory_space<hbm>> -> memref<40000xf32, #tpu.memory_space<hbm>>
      %dma_start3A_59 = arith.constant 0 : i32
      %dma_start3A_60 = tpu.memref_slice %arg2[%add3A, %run_scoped3A, %dma_start3A_59] : memref<32x1x40000xf32, #tpu.memory_space<hbm>> -> memref<1x1x40000xf32, #tpu.memory_space<hbm>>
      %dma_start3A_61 = tpu.memref_squeeze %dma_start3A_60 : memref<1x1x40000xf32, #tpu.memory_space<hbm>> -> memref<40000xf32, #tpu.memory_space<hbm>>
      tpu.enqueue_dma source(%dma_start3A_61 : memref<40000xf32, #tpu.memory_space<hbm>>) target(%arg5 : memref<40000xf32, #tpu.memory_space<vmem>>) target_semaphore(%run_scoped3A_56 : memref<!tpu.dma_semaphore, #tpu.memory_space<semaphore_mem>>)
      %dma_wait3A = arith.constant 0 : i32
      %dma_wait3A_62 = tpu.memref_slice %arg2[%add3A, %run_scoped3A, %dma_wait3A] : memref<32x1x40000xf32, #tpu.memory_space<hbm>> -> memref<1x1x40000xf32, #tpu.memory_space<hbm>>
      %dma_wait3A_63 = tpu.memref_squeeze %dma_wait3A_62 : memref<1x1x40000xf32, #tpu.memory_space<hbm>> -> memref<40000xf32, #tpu.memory_space<hbm>>
      %dma_wait3A_64 = arith.constant 0 : i32
      %dma_wait3A_65 = tpu.memref_slice %arg2[%add3A, %run_scoped3A, %dma_wait3A_64] : memref<32x1x40000xf32, #tpu.memory_space<hbm>> -> memref<1x1x40000xf32, #tpu.memory_space<hbm>>
      %dma_wait3A_66 = tpu.memref_squeeze %dma_wait3A_65 : memref<1x1x40000xf32, #tpu.memory_space<hbm>> -> memref<40000xf32, #tpu.memory_space<hbm>>
      tpu.wait_dma2 semaphore(%run_scoped3A_56 : memref<!tpu.dma_semaphore, #tpu.memory_space<semaphore_mem>>) src(%dma_wait3A_66 : memref<40000xf32, #tpu.memory_space<hbm>>) dst(%arg5 : memref<40000xf32, #tpu.memory_space<vmem>>)
      tpu.yield
    }) : () -> ()
    %scan3A = arith.constant 0 : i32
    %scan3A_1 = arith.constant 0 : i32
    %scan3A_2 = arith.constant 2500 : i32
    %scan3A_3 = arith.addi %scan3A_1, %scan3A_2 : i32
    %scan3A_4 = arith.constant 1 : i32
    scf.for %scan3A_56 = %scan3A_1 to %scan3A_3 step %scan3A_4  : i32 {
      %broadcast_in_dim3A = arith.constant 0.000000e+00 : f32
      %broadcast_in_dim3A_57 = vector.broadcast %broadcast_in_dim3A : f32 to vector<16xf32>
      %mul3A_58 = arith.constant 16 : i32
      %mul3A_59 = arith.muli %scan3A_56, %mul3A_58 : i32
      %swap3A = arith.index_cast %mul3A_59 : i32 to index
      %swap3A_60 = tpu.vector_load %arg6[%swap3A] {strides = array<i32>} : memref<40000xf32, #tpu.memory_space<vmem>>, vector<16xf32>,
      tpu.vector_store %arg6[%swap3A], %broadcast_in_dim3A_57 {strides = array<i32>} : memref<40000xf32, #tpu.memory_space<vmem>>, vector<16xf32>,
    }
    %scan3A_5 = arith.constant 2500 : i32
    %run_scoped3A_6 = arith.constant 0 : i32
    %run_scoped3A_7 = arith.constant 0 : i32
    "tpu.region"() ({
      %run_scoped3A_56 = tpu.sem_alloc : memref<!tpu.dma_semaphore, #tpu.memory_space<semaphore_mem>>
      %dma_start3A = arith.constant 0 : i32
      %dma_start3A_57 = tpu.memref_slice %arg3[%run_scoped3A_6, %run_scoped3A_7, %dma_start3A] : memref<10x1x32000xi32, #tpu.memory_space<hbm>> -> memref<1x1x32000xi32, #tpu.memory_space<hbm>>
      %dma_start3A_58 = tpu.memref_squeeze %dma_start3A_57 : memref<1x1x32000xi32, #tpu.memory_space<hbm>> -> memref<32000xi32, #tpu.memory_space<hbm>>
      %dma_start3A_59 = arith.constant 0 : i32
      %dma_start3A_60 = tpu.memref_slice %arg3[%run_scoped3A_6, %run_scoped3A_7, %dma_start3A_59] : memref<10x1x32000xi32, #tpu.memory_space<hbm>> -> memref<1x1x32000xi32, #tpu.memory_space<hbm>>
      %dma_start3A_61 = tpu.memref_squeeze %dma_start3A_60 : memref<1x1x32000xi32, #tpu.memory_space<hbm>> -> memref<32000xi32, #tpu.memory_space<hbm>>
      tpu.enqueue_dma source(%dma_start3A_61 : memref<32000xi32, #tpu.memory_space<hbm>>) target(%arg7 : memref<32000xi32, #tpu.memory_space<vmem>>) target_semaphore(%run_scoped3A_56 : memref<!tpu.dma_semaphore, #tpu.memory_space<semaphore_mem>>)
      %dma_wait3A = arith.constant 0 : i32
      %dma_wait3A_62 = tpu.memref_slice %arg3[%run_scoped3A_6, %run_scoped3A_7, %dma_wait3A] : memref<10x1x32000xi32, #tpu.memory_space<hbm>> -> memref<1x1x32000xi32, #tpu.memory_space<hbm>>
      %dma_wait3A_63 = tpu.memref_squeeze %dma_wait3A_62 : memref<1x1x32000xi32, #tpu.memory_space<hbm>> -> memref<32000xi32, #tpu.memory_space<hbm>>
      %dma_wait3A_64 = arith.constant 0 : i32
      %dma_wait3A_65 = tpu.memref_slice %arg3[%run_scoped3A_6, %run_scoped3A_7, %dma_wait3A_64] : memref<10x1x32000xi32, #tpu.memory_space<hbm>> -> memref<1x1x32000xi32, #tpu.memory_space<hbm>>
      %dma_wait3A_66 = tpu.memref_squeeze %dma_wait3A_65 : memref<1x1x32000xi32, #tpu.memory_space<hbm>> -> memref<32000xi32, #tpu.memory_space<hbm>>
      tpu.wait_dma2 semaphore(%run_scoped3A_56 : memref<!tpu.dma_semaphore, #tpu.memory_space<semaphore_mem>>) src(%dma_wait3A_66 : memref<32000xi32, #tpu.memory_space<hbm>>) dst(%arg7 : memref<32000xi32, #tpu.memory_space<vmem>>)
      tpu.yield
    }) : () -> ()
    %parallel_loop3A = arith.constant 0 : i32
    %parallel_loop3A_8 = arith.constant 2000 : i32
    %parallel_loop3A_9 = arith.constant 1 : i32
    scf.for %parallel_loop3A_56 = %parallel_loop3A to %parallel_loop3A_8 step %parallel_loop3A_9  : i32 {
      %parallel_loop3A_57 = arith.constant 16 : i32
      %parallel_loop3A_58 = arith.muli %parallel_loop3A_56, %parallel_loop3A_57 : i32
      %parallel_loop3A_59 = arith.index_cast %parallel_loop3A_58 : i32 to index
      %parallel_loop3A_60 = tpu.vector_load %arg7[%parallel_loop3A_59] {strides = array<i32>} : memref<32000xi32, #tpu.memory_space<vmem>>, vector<16xi32>,
      %parallel_loop3A_61 = arith.constant 65535 : i32
      %parallel_loop3A_62 = vector.broadcast %parallel_loop3A_61 : i32 to vector<16xi32>
      %parallel_loop3A_63 = arith.andi %parallel_loop3A_60, %parallel_loop3A_62 : vector<16xi32>
      %parallel_loop3A_64 = arith.constant 16 : i32
      %parallel_loop3A_65 = vector.broadcast %parallel_loop3A_64 : i32 to vector<16xi32>
      %parallel_loop3A_66 = arith.shrui %parallel_loop3A_60, %parallel_loop3A_65 : vector<16xi32>
      %parallel_loop3A_67 = arith.constant 0 : i32
      %parallel_loop3A_68 = vector.broadcast %parallel_loop3A_67 : i32 to vector<16xi32>
      %parallel_loop3A_69 = arith.addi %parallel_loop3A_63, %parallel_loop3A_68 : vector<16xi32>
      %parallel_loop3A_70 = tpu.vector_load_idx %arg5[%parallel_loop3A_69] : memref<40000xf32, #tpu.memory_space<vmem>>[vector<16xi32>], vector<16xf32>,
      %parallel_loop3A_71 = arith.constant 0 : i32
      %parallel_loop3A_72 = vector.broadcast %parallel_loop3A_71 : i32 to vector<16xi32>
      %parallel_loop3A_73 = arith.addi %parallel_loop3A_66, %parallel_loop3A_72 : vector<16xi32>
      tpu.vector_store_idx %arg6[%parallel_loop3A_73], %parallel_loop3A_70 {add = true} : memref<40000xf32, #tpu.memory_space<vmem>>[vector<16xi32>], vector<16xf32>,
      %parallel_loop3A_74 = arith.constant 1 : i32
      %parallel_loop3A_75 = vector.broadcast %parallel_loop3A_74 : i32 to vector<16xi32>
      %parallel_loop3A_76 = arith.addi %parallel_loop3A_63, %parallel_loop3A_75 : vector<16xi32>
      %parallel_loop3A_77 = tpu.vector_load_idx %arg5[%parallel_loop3A_76] : memref<40000xf32, #tpu.memory_space<vmem>>[vector<16xi32>], vector<16xf32>,
      %parallel_loop3A_78 = arith.constant 1 : i32
      %parallel_loop3A_79 = vector.broadcast %parallel_loop3A_78 : i32 to vector<16xi32>
      %parallel_loop3A_80 = arith.addi %parallel_loop3A_66, %parallel_loop3A_79 : vector<16xi32>
      tpu.vector_store_idx %arg6[%parallel_loop3A_80], %parallel_loop3A_77 {add = true} : memref<40000xf32, #tpu.memory_space<vmem>>[vector<16xi32>], vector<16xf32>,
      %parallel_loop3A_81 = arith.constant 2 : i32
      %parallel_loop3A_82 = vector.broadcast %parallel_loop3A_81 : i32 to vector<16xi32>
      %parallel_loop3A_83 = arith.addi %parallel_loop3A_63, %parallel_loop3A_82 : vector<16xi32>
      %parallel_loop3A_84 = tpu.vector_load_idx %arg5[%parallel_loop3A_83] : memref<40000xf32, #tpu.memory_space<vmem>>[vector<16xi32>], vector<16xf32>,
      %parallel_loop3A_85 = arith.constant 2 : i32
      %parallel_loop3A_86 = vector.broadcast %parallel_loop3A_85 : i32 to vector<16xi32>
      %parallel_loop3A_87 = arith.addi %parallel_loop3A_66, %parallel_loop3A_86 : vector<16xi32>
      tpu.vector_store_idx %arg6[%parallel_loop3A_87], %parallel_loop3A_84 {add = true} : memref<40000xf32, #tpu.memory_space<vmem>>[vector<16xi32>], vector<16xf32>,
      %parallel_loop3A_88 = arith.constant 3 : i32
      %parallel_loop3A_89 = vector.broadcast %parallel_loop3A_88 : i32 to vector<16xi32>
      %parallel_loop3A_90 = arith.addi %parallel_loop3A_63, %parallel_loop3A_89 : vector<16xi32>
      %parallel_loop3A_91 = tpu.vector_load_idx %arg5[%parallel_loop3A_90] : memref<40000xf32, #tpu.memory_space<vmem>>[vector<16xi32>], vector<16xf32>,
      %parallel_loop3A_92 = arith.constant 3 : i32
      %parallel_loop3A_93 = vector.broadcast %parallel_loop3A_92 : i32 to vector<16xi32>
      %parallel_loop3A_94 = arith.addi %parallel_loop3A_66, %parallel_loop3A_93 : vector<16xi32>
      tpu.vector_store_idx %arg6[%parallel_loop3A_94], %parallel_loop3A_91 {add = true} : memref<40000xf32, #tpu.memory_space<vmem>>[vector<16xi32>], vector<16xf32>,
    } {sc.loop_unroll_factor = 8 : i64, sc.parallel_access}
    %run_scoped3A_10 = arith.constant 1 : i32
    %run_scoped3A_11 = arith.constant 0 : i32
    "tpu.region"() ({
      %run_scoped3A_56 = tpu.sem_alloc : memref<!tpu.dma_semaphore, #tpu.memory_space<semaphore_mem>>
      %dma_start3A = arith.constant 0 : i32
      %dma_start3A_57 = tpu.memref_slice %arg3[%run_scoped3A_10, %run_scoped3A_11, %dma_start3A] : memref<10x1x32000xi32, #tpu.memory_space<hbm>> -> memref<1x1x32000xi32, #tpu.memory_space<hbm>>
      %dma_start3A_58 = tpu.memref_squeeze %dma_start3A_57 : memref<1x1x32000xi32, #tpu.memory_space<hbm>> -> memref<32000xi32, #tpu.memory_space<hbm>>
      %dma_start3A_59 = arith.constant 0 : i32
      %dma_start3A_60 = tpu.memref_slice %arg3[%run_scoped3A_10, %run_scoped3A_11, %dma_start3A_59] : memref<10x1x32000xi32, #tpu.memory_space<hbm>> -> memref<1x1x32000xi32, #tpu.memory_space<hbm>>
      %dma_start3A_61 = tpu.memref_squeeze %dma_start3A_60 : memref<1x1x32000xi32, #tpu.memory_space<hbm>> -> memref<32000xi32, #tpu.memory_space<hbm>>
      tpu.enqueue_dma source(%dma_start3A_61 : memref<32000xi32, #tpu.memory_space<hbm>>) target(%arg7 : memref<32000xi32, #tpu.memory_space<vmem>>) target_semaphore(%run_scoped3A_56 : memref<!tpu.dma_semaphore, #tpu.memory_space<semaphore_mem>>)
      %dma_wait3A = arith.constant 0 : i32
      %dma_wait3A_62 = tpu.memref_slice %arg3[%run_scoped3A_10, %run_scoped3A_11, %dma_wait3A] : memref<10x1x32000xi32, #tpu.memory_space<hbm>> -> memref<1x1x32000xi32, #tpu.memory_space<hbm>>
      %dma_wait3A_63 = tpu.memref_squeeze %dma_wait3A_62 : memref<1x1x32000xi32, #tpu.memory_space<hbm>> -> memref<32000xi32, #tpu.memory_space<hbm>>
      %dma_wait3A_64 = arith.constant 0 : i32
      %dma_wait3A_65 = tpu.memref_slice %arg3[%run_scoped3A_10, %run_scoped3A_11, %dma_wait3A_64] : memref<10x1x32000xi32, #tpu.memory_space<hbm>> -> memref<1x1x32000xi32, #tpu.memory_space<hbm>>
      %dma_wait3A_66 = tpu.memref_squeeze %dma_wait3A_65 : memref<1x1x32000xi32, #tpu.memory_space<hbm>> -> memref<32000xi32, #tpu.memory_space<hbm>>
      tpu.wait_dma2 semaphore(%run_scoped3A_56 : memref<!tpu.dma_semaphore, #tpu.memory_space<semaphore_mem>>) src(%dma_wait3A_66 : memref<32000xi32, #tpu.memory_space<hbm>>) dst(%arg7 : memref<32000xi32, #tpu.memory_space<vmem>>)
      tpu.yield
    }) : () -> ()
    %parallel_loop3A_12 = arith.constant 0 : i32
    %parallel_loop3A_13 = arith.constant 2000 : i32
    %parallel_loop3A_14 = arith.constant 1 : i32
    scf.for %parallel_loop3A_56 = %parallel_loop3A_12 to %parallel_loop3A_13 step %parallel_loop3A_14  : i32 {
      %parallel_loop3A_57 = arith.constant 16 : i32
      %parallel_loop3A_58 = arith.muli %parallel_loop3A_56, %parallel_loop3A_57 : i32
      %parallel_loop3A_59 = arith.index_cast %parallel_loop3A_58 : i32 to index
      %parallel_loop3A_60 = tpu.vector_load %arg7[%parallel_loop3A_59] {strides = array<i32>} : memref<32000xi32, #tpu.memory_space<vmem>>, vector<16xi32>,
      %parallel_loop3A_61 = arith.constant 65535 : i32
      %parallel_loop3A_62 = vector.broadcast %parallel_loop3A_61 : i32 to vector<16xi32>
      %parallel_loop3A_63 = arith.andi %parallel_loop3A_60, %parallel_loop3A_62 : vector<16xi32>
      %parallel_loop3A_64 = arith.constant 16 : i32
      %parallel_loop3A_65 = vector.broadcast %parallel_loop3A_64 : i32 to vector<16xi32>
      %parallel_loop3A_66 = arith.shrui %parallel_loop3A_60, %parallel_loop3A_65 : vector<16xi32>
      %parallel_loop3A_67 = arith.constant 0 : i32
      %parallel_loop3A_68 = vector.broadcast %parallel_loop3A_67 : i32 to vector<16xi32>
      %parallel_loop3A_69 = arith.addi %parallel_loop3A_63, %parallel_loop3A_68 : vector<16xi32>
      %parallel_loop3A_70 = tpu.vector_load_idx %arg5[%parallel_loop3A_69] : memref<40000xf32, #tpu.memory_space<vmem>>[vector<16xi32>], vector<16xf32>,
      %parallel_loop3A_71 = arith.constant 0 : i32
      %parallel_loop3A_72 = vector.broadcast %parallel_loop3A_71 : i32 to vector<16xi32>
      %parallel_loop3A_73 = arith.addi %parallel_loop3A_66, %parallel_loop3A_72 : vector<16xi32>
      tpu.vector_store_idx %arg6[%parallel_loop3A_73], %parallel_loop3A_70 {add = true} : memref<40000xf32, #tpu.memory_space<vmem>>[vector<16xi32>], vector<16xf32>,
      %parallel_loop3A_74 = arith.constant 1 : i32
      %parallel_loop3A_75 = vector.broadcast %parallel_loop3A_74 : i32 to vector<16xi32>
      %parallel_loop3A_76 = arith.addi %parallel_loop3A_63, %parallel_loop3A_75 : vector<16xi32>
      %parallel_loop3A_77 = tpu.vector_load_idx %arg5[%parallel_loop3A_76] : memref<40000xf32, #tpu.memory_space<vmem>>[vector<16xi32>], vector<16xf32>,
      %parallel_loop3A_78 = arith.constant 1 : i32
      %parallel_loop3A_79 = vector.broadcast %parallel_loop3A_78 : i32 to vector<16xi32>
      %parallel_loop3A_80 = arith.addi %parallel_loop3A_66, %parallel_loop3A_79 : vector<16xi32>
      tpu.vector_store_idx %arg6[%parallel_loop3A_80], %parallel_loop3A_77 {add = true} : memref<40000xf32, #tpu.memory_space<vmem>>[vector<16xi32>], vector<16xf32>,
      %parallel_loop3A_81 = arith.constant 2 : i32
      %parallel_loop3A_82 = vector.broadcast %parallel_loop3A_81 : i32 to vector<16xi32>
      %parallel_loop3A_83 = arith.addi %parallel_loop3A_63, %parallel_loop3A_82 : vector<16xi32>
      %parallel_loop3A_84 = tpu.vector_load_idx %arg5[%parallel_loop3A_83] : memref<40000xf32, #tpu.memory_space<vmem>>[vector<16xi32>], vector<16xf32>,
      %parallel_loop3A_85 = arith.constant 2 : i32
      %parallel_loop3A_86 = vector.broadcast %parallel_loop3A_85 : i32 to vector<16xi32>
      %parallel_loop3A_87 = arith.addi %parallel_loop3A_66, %parallel_loop3A_86 : vector<16xi32>
      tpu.vector_store_idx %arg6[%parallel_loop3A_87], %parallel_loop3A_84 {add = true} : memref<40000xf32, #tpu.memory_space<vmem>>[vector<16xi32>], vector<16xf32>,
      %parallel_loop3A_88 = arith.constant 3 : i32
      %parallel_loop3A_89 = vector.broadcast %parallel_loop3A_88 : i32 to vector<16xi32>
      %parallel_loop3A_90 = arith.addi %parallel_loop3A_63, %parallel_loop3A_89 : vector<16xi32>
      %parallel_loop3A_91 = tpu.vector_load_idx %arg5[%parallel_loop3A_90] : memref<40000xf32, #tpu.memory_space<vmem>>[vector<16xi32>], vector<16xf32>,
      %parallel_loop3A_92 = arith.constant 3 : i32
      %parallel_loop3A_93 = vector.broadcast %parallel_loop3A_92 : i32 to vector<16xi32>
      %parallel_loop3A_94 = arith.addi %parallel_loop3A_66, %parallel_loop3A_93 : vector<16xi32>
      tpu.vector_store_idx %arg6[%parallel_loop3A_94], %parallel_loop3A_91 {add = true} : memref<40000xf32, #tpu.memory_space<vmem>>[vector<16xi32>], vector<16xf32>,
    } {sc.loop_unroll_factor = 8 : i64, sc.parallel_access}
    %run_scoped3A_15 = arith.constant 2 : i32
    %run_scoped3A_16 = arith.constant 0 : i32
    "tpu.region"() ({
      %run_scoped3A_56 = tpu.sem_alloc : memref<!tpu.dma_semaphore, #tpu.memory_space<semaphore_mem>>
      %dma_start3A = arith.constant 0 : i32
      %dma_start3A_57 = tpu.memref_slice %arg3[%run_scoped3A_15, %run_scoped3A_16, %dma_start3A] : memref<10x1x32000xi32, #tpu.memory_space<hbm>> -> memref<1x1x32000xi32, #tpu.memory_space<hbm>>
      %dma_start3A_58 = tpu.memref_squeeze %dma_start3A_57 : memref<1x1x32000xi32, #tpu.memory_space<hbm>> -> memref<32000xi32, #tpu.memory_space<hbm>>
      %dma_start3A_59 = arith.constant 0 : i32
      %dma_start3A_60 = tpu.memref_slice %arg3[%run_scoped3A_15, %run_scoped3A_16, %dma_start3A_59] : memref<10x1x32000xi32, #tpu.memory_space<hbm>> -> memref<1x1x32000xi32, #tpu.memory_space<hbm>>
      %dma_start3A_61 = tpu.memref_squeeze %dma_start3A_60 : memref<1x1x32000xi32, #tpu.memory_space<hbm>> -> memref<32000xi32, #tpu.memory_space<hbm>>
      tpu.enqueue_dma source(%dma_start3A_61 : memref<32000xi32, #tpu.memory_space<hbm>>) target(%arg7 : memref<32000xi32, #tpu.memory_space<vmem>>) target_semaphore(%run_scoped3A_56 : memref<!tpu.dma_semaphore, #tpu.memory_space<semaphore_mem>>)
      %dma_wait3A = arith.constant 0 : i32
      %dma_wait3A_62 = tpu.memref_slice %arg3[%run_scoped3A_15, %run_scoped3A_16, %dma_wait3A] : memref<10x1x32000xi32, #tpu.memory_space<hbm>> -> memref<1x1x32000xi32, #tpu.memory_space<hbm>>
      %dma_wait3A_63 = tpu.memref_squeeze %dma_wait3A_62 : memref<1x1x32000xi32, #tpu.memory_space<hbm>> -> memref<32000xi32, #tpu.memory_space<hbm>>
      %dma_wait3A_64 = arith.constant 0 : i32
      %dma_wait3A_65 = tpu.memref_slice %arg3[%run_scoped3A_15, %run_scoped3A_16, %dma_wait3A_64] : memref<10x1x32000xi32, #tpu.memory_space<hbm>> -> memref<1x1x32000xi32, #tpu.memory_space<hbm>>
      %dma_wait3A_66 = tpu.memref_squeeze %dma_wait3A_65 : memref<1x1x32000xi32, #tpu.memory_space<hbm>> -> memref<32000xi32, #tpu.memory_space<hbm>>
      tpu.wait_dma2 semaphore(%run_scoped3A_56 : memref<!tpu.dma_semaphore, #tpu.memory_space<semaphore_mem>>) src(%dma_wait3A_66 : memref<32000xi32, #tpu.memory_space<hbm>>) dst(%arg7 : memref<32000xi32, #tpu.memory_space<vmem>>)
      tpu.yield
    }) : () -> ()
    %parallel_loop3A_17 = arith.constant 0 : i32
    %parallel_loop3A_18 = arith.constant 2000 : i32
    %parallel_loop3A_19 = arith.constant 1 : i32
    scf.for %parallel_loop3A_56 = %parallel_loop3A_17 to %parallel_loop3A_18 step %parallel_loop3A_19  : i32 {
      %parallel_loop3A_57 = arith.constant 16 : i32
      %parallel_loop3A_58 = arith.muli %parallel_loop3A_56, %parallel_loop3A_57 : i32
      %parallel_loop3A_59 = arith.index_cast %parallel_loop3A_58 : i32 to index
      %parallel_loop3A_60 = tpu.vector_load %arg7[%parallel_loop3A_59] {strides = array<i32>} : memref<32000xi32, #tpu.memory_space<vmem>>, vector<16xi32>,
      %parallel_loop3A_61 = arith.constant 65535 : i32
      %parallel_loop3A_62 = vector.broadcast %parallel_loop3A_61 : i32 to vector<16xi32>
      %parallel_loop3A_63 = arith.andi %parallel_loop3A_60, %parallel_loop3A_62 : vector<16xi32>
      %parallel_loop3A_64 = arith.constant 16 : i32
      %parallel_loop3A_65 = vector.broadcast %parallel_loop3A_64 : i32 to vector<16xi32>
      %parallel_loop3A_66 = arith.shrui %parallel_loop3A_60, %parallel_loop3A_65 : vector<16xi32>
      %parallel_loop3A_67 = arith.constant 0 : i32
      %parallel_loop3A_68 = vector.broadcast %parallel_loop3A_67 : i32 to vector<16xi32>
      %parallel_loop3A_69 = arith.addi %parallel_loop3A_63, %parallel_loop3A_68 : vector<16xi32>
      %parallel_loop3A_70 = tpu.vector_load_idx %arg5[%parallel_loop3A_69] : memref<40000xf32, #tpu.memory_space<vmem>>[vector<16xi32>], vector<16xf32>,
      %parallel_loop3A_71 = arith.constant 0 : i32
      %parallel_loop3A_72 = vector.broadcast %parallel_loop3A_71 : i32 to vector<16xi32>
      %parallel_loop3A_73 = arith.addi %parallel_loop3A_66, %parallel_loop3A_72 : vector<16xi32>
      tpu.vector_store_idx %arg6[%parallel_loop3A_73], %parallel_loop3A_70 {add = true} : memref<40000xf32, #tpu.memory_space<vmem>>[vector<16xi32>], vector<16xf32>,
      %parallel_loop3A_74 = arith.constant 1 : i32
      %parallel_loop3A_75 = vector.broadcast %parallel_loop3A_74 : i32 to vector<16xi32>
      %parallel_loop3A_76 = arith.addi %parallel_loop3A_63, %parallel_loop3A_75 : vector<16xi32>
      %parallel_loop3A_77 = tpu.vector_load_idx %arg5[%parallel_loop3A_76] : memref<40000xf32, #tpu.memory_space<vmem>>[vector<16xi32>], vector<16xf32>,
      %parallel_loop3A_78 = arith.constant 1 : i32
      %parallel_loop3A_79 = vector.broadcast %parallel_loop3A_78 : i32 to vector<16xi32>
      %parallel_loop3A_80 = arith.addi %parallel_loop3A_66, %parallel_loop3A_79 : vector<16xi32>
      tpu.vector_store_idx %arg6[%parallel_loop3A_80], %parallel_loop3A_77 {add = true} : memref<40000xf32, #tpu.memory_space<vmem>>[vector<16xi32>], vector<16xf32>,
      %parallel_loop3A_81 = arith.constant 2 : i32
      %parallel_loop3A_82 = vector.broadcast %parallel_loop3A_81 : i32 to vector<16xi32>
      %parallel_loop3A_83 = arith.addi %parallel_loop3A_63, %parallel_loop3A_82 : vector<16xi32>
      %parallel_loop3A_84 = tpu.vector_load_idx %arg5[%parallel_loop3A_83] : memref<40000xf32, #tpu.memory_space<vmem>>[vector<16xi32>], vector<16xf32>,
      %parallel_loop3A_85 = arith.constant 2 : i32
      %parallel_loop3A_86 = vector.broadcast %parallel_loop3A_85 : i32 to vector<16xi32>
      %parallel_loop3A_87 = arith.addi %parallel_loop3A_66, %parallel_loop3A_86 : vector<16xi32>
      tpu.vector_store_idx %arg6[%parallel_loop3A_87], %parallel_loop3A_84 {add = true} : memref<40000xf32, #tpu.memory_space<vmem>>[vector<16xi32>], vector<16xf32>,
      %parallel_loop3A_88 = arith.constant 3 : i32
      %parallel_loop3A_89 = vector.broadcast %parallel_loop3A_88 : i32 to vector<16xi32>
      %parallel_loop3A_90 = arith.addi %parallel_loop3A_63, %parallel_loop3A_89 : vector<16xi32>
      %parallel_loop3A_91 = tpu.vector_load_idx %arg5[%parallel_loop3A_90] : memref<40000xf32, #tpu.memory_space<vmem>>[vector<16xi32>], vector<16xf32>,
      %parallel_loop3A_92 = arith.constant 3 : i32
      %parallel_loop3A_93 = vector.broadcast %parallel_loop3A_92 : i32 to vector<16xi32>
      %parallel_loop3A_94 = arith.addi %parallel_loop3A_66, %parallel_loop3A_93 : vector<16xi32>
      tpu.vector_store_idx %arg6[%parallel_loop3A_94], %parallel_loop3A_91 {add = true} : memref<40000xf32, #tpu.memory_space<vmem>>[vector<16xi32>], vector<16xf32>,
    } {sc.loop_unroll_factor = 8 : i64, sc.parallel_access}
    %run_scoped3A_20 = arith.constant 3 : i32
    %run_scoped3A_21 = arith.constant 0 : i32
    "tpu.region"() ({
      %run_scoped3A_56 = tpu.sem_alloc : memref<!tpu.dma_semaphore, #tpu.memory_space<semaphore_mem>>
      %dma_start3A = arith.constant 0 : i32
      %dma_start3A_57 = tpu.memref_slice %arg3[%run_scoped3A_20, %run_scoped3A_21, %dma_start3A] : memref<10x1x32000xi32, #tpu.memory_space<hbm>> -> memref<1x1x32000xi32, #tpu.memory_space<hbm>>
      %dma_start3A_58 = tpu.memref_squeeze %dma_start3A_57 : memref<1x1x32000xi32, #tpu.memory_space<hbm>> -> memref<32000xi32, #tpu.memory_space<hbm>>
      %dma_start3A_59 = arith.constant 0 : i32
      %dma_start3A_60 = tpu.memref_slice %arg3[%run_scoped3A_20, %run_scoped3A_21, %dma_start3A_59] : memref<10x1x32000xi32, #tpu.memory_space<hbm>> -> memref<1x1x32000xi32, #tpu.memory_space<hbm>>
      %dma_start3A_61 = tpu.memref_squeeze %dma_start3A_60 : memref<1x1x32000xi32, #tpu.memory_space<hbm>> -> memref<32000xi32, #tpu.memory_space<hbm>>
      tpu.enqueue_dma source(%dma_start3A_61 : memref<32000xi32, #tpu.memory_space<hbm>>) target(%arg7 : memref<32000xi32, #tpu.memory_space<vmem>>) target_semaphore(%run_scoped3A_56 : memref<!tpu.dma_semaphore, #tpu.memory_space<semaphore_mem>>)
      %dma_wait3A = arith.constant 0 : i32
      %dma_wait3A_62 = tpu.memref_slice %arg3[%run_scoped3A_20, %run_scoped3A_21, %dma_wait3A] : memref<10x1x32000xi32, #tpu.memory_space<hbm>> -> memref<1x1x32000xi32, #tpu.memory_space<hbm>>
      %dma_wait3A_63 = tpu.memref_squeeze %dma_wait3A_62 : memref<1x1x32000xi32, #tpu.memory_space<hbm>> -> memref<32000xi32, #tpu.memory_space<hbm>>
      %dma_wait3A_64 = arith.constant 0 : i32
      %dma_wait3A_65 = tpu.memref_slice %arg3[%run_scoped3A_20, %run_scoped3A_21, %dma_wait3A_64] : memref<10x1x32000xi32, #tpu.memory_space<hbm>> -> memref<1x1x32000xi32, #tpu.memory_space<hbm>>
      %dma_wait3A_66 = tpu.memref_squeeze %dma_wait3A_65 : memref<1x1x32000xi32, #tpu.memory_space<hbm>> -> memref<32000xi32, #tpu.memory_space<hbm>>
      tpu.wait_dma2 semaphore(%run_scoped3A_56 : memref<!tpu.dma_semaphore, #tpu.memory_space<semaphore_mem>>) src(%dma_wait3A_66 : memref<32000xi32, #tpu.memory_space<hbm>>) dst(%arg7 : memref<32000xi32, #tpu.memory_space<vmem>>)
      tpu.yield
    }) : () -> ()
    %parallel_loop3A_22 = arith.constant 0 : i32
    %parallel_loop3A_23 = arith.constant 2000 : i32
    %parallel_loop3A_24 = arith.constant 1 : i32
    scf.for %parallel_loop3A_56 = %parallel_loop3A_22 to %parallel_loop3A_23 step %parallel_loop3A_24  : i32 {
      %parallel_loop3A_57 = arith.constant 16 : i32
      %parallel_loop3A_58 = arith.muli %parallel_loop3A_56, %parallel_loop3A_57 : i32
      %parallel_loop3A_59 = arith.index_cast %parallel_loop3A_58 : i32 to index
      %parallel_loop3A_60 = tpu.vector_load %arg7[%parallel_loop3A_59] {strides = array<i32>} : memref<32000xi32, #tpu.memory_space<vmem>>, vector<16xi32>,
      %parallel_loop3A_61 = arith.constant 65535 : i32
      %parallel_loop3A_62 = vector.broadcast %parallel_loop3A_61 : i32 to vector<16xi32>
      %parallel_loop3A_63 = arith.andi %parallel_loop3A_60, %parallel_loop3A_62 : vector<16xi32>
      %parallel_loop3A_64 = arith.constant 16 : i32
      %parallel_loop3A_65 = vector.broadcast %parallel_loop3A_64 : i32 to vector<16xi32>
      %parallel_loop3A_66 = arith.shrui %parallel_loop3A_60, %parallel_loop3A_65 : vector<16xi32>
      %parallel_loop3A_67 = arith.constant 0 : i32
      %parallel_loop3A_68 = vector.broadcast %parallel_loop3A_67 : i32 to vector<16xi32>
      %parallel_loop3A_69 = arith.addi %parallel_loop3A_63, %parallel_loop3A_68 : vector<16xi32>
      %parallel_loop3A_70 = tpu.vector_load_idx %arg5[%parallel_loop3A_69] : memref<40000xf32, #tpu.memory_space<vmem>>[vector<16xi32>], vector<16xf32>,
      %parallel_loop3A_71 = arith.constant 0 : i32
      %parallel_loop3A_72 = vector.broadcast %parallel_loop3A_71 : i32 to vector<16xi32>
      %parallel_loop3A_73 = arith.addi %parallel_loop3A_66, %parallel_loop3A_72 : vector<16xi32>
      tpu.vector_store_idx %arg6[%parallel_loop3A_73], %parallel_loop3A_70 {add = true} : memref<40000xf32, #tpu.memory_space<vmem>>[vector<16xi32>], vector<16xf32>,
      %parallel_loop3A_74 = arith.constant 1 : i32
      %parallel_loop3A_75 = vector.broadcast %parallel_loop3A_74 : i32 to vector<16xi32>
      %parallel_loop3A_76 = arith.addi %parallel_loop3A_63, %parallel_loop3A_75 : vector<16xi32>
      %parallel_loop3A_77 = tpu.vector_load_idx %arg5[%parallel_loop3A_76] : memref<40000xf32, #tpu.memory_space<vmem>>[vector<16xi32>], vector<16xf32>,
      %parallel_loop3A_78 = arith.constant 1 : i32
      %parallel_loop3A_79 = vector.broadcast %parallel_loop3A_78 : i32 to vector<16xi32>
      %parallel_loop3A_80 = arith.addi %parallel_loop3A_66, %parallel_loop3A_79 : vector<16xi32>
      tpu.vector_store_idx %arg6[%parallel_loop3A_80], %parallel_loop3A_77 {add = true} : memref<40000xf32, #tpu.memory_space<vmem>>[vector<16xi32>], vector<16xf32>,
      %parallel_loop3A_81 = arith.constant 2 : i32
      %parallel_loop3A_82 = vector.broadcast %parallel_loop3A_81 : i32 to vector<16xi32>
      %parallel_loop3A_83 = arith.addi %parallel_loop3A_63, %parallel_loop3A_82 : vector<16xi32>
      %parallel_loop3A_84 = tpu.vector_load_idx %arg5[%parallel_loop3A_83] : memref<40000xf32, #tpu.memory_space<vmem>>[vector<16xi32>], vector<16xf32>,
      %parallel_loop3A_85 = arith.constant 2 : i32
      %parallel_loop3A_86 = vector.broadcast %parallel_loop3A_85 : i32 to vector<16xi32>
      %parallel_loop3A_87 = arith.addi %parallel_loop3A_66, %parallel_loop3A_86 : vector<16xi32>
      tpu.vector_store_idx %arg6[%parallel_loop3A_87], %parallel_loop3A_84 {add = true} : memref<40000xf32, #tpu.memory_space<vmem>>[vector<16xi32>], vector<16xf32>,
      %parallel_loop3A_88 = arith.constant 3 : i32
      %parallel_loop3A_89 = vector.broadcast %parallel_loop3A_88 : i32 to vector<16xi32>
      %parallel_loop3A_90 = arith.addi %parallel_loop3A_63, %parallel_loop3A_89 : vector<16xi32>
      %parallel_loop3A_91 = tpu.vector_load_idx %arg5[%parallel_loop3A_90] : memref<40000xf32, #tpu.memory_space<vmem>>[vector<16xi32>], vector<16xf32>,
      %parallel_loop3A_92 = arith.constant 3 : i32
      %parallel_loop3A_93 = vector.broadcast %parallel_loop3A_92 : i32 to vector<16xi32>
      %parallel_loop3A_94 = arith.addi %parallel_loop3A_66, %parallel_loop3A_93 : vector<16xi32>
      tpu.vector_store_idx %arg6[%parallel_loop3A_94], %parallel_loop3A_91 {add = true} : memref<40000xf32, #tpu.memory_space<vmem>>[vector<16xi32>], vector<16xf32>,
    } {sc.loop_unroll_factor = 8 : i64, sc.parallel_access}
    %run_scoped3A_25 = arith.constant 4 : i32
    %run_scoped3A_26 = arith.constant 0 : i32
    "tpu.region"() ({
      %run_scoped3A_56 = tpu.sem_alloc : memref<!tpu.dma_semaphore, #tpu.memory_space<semaphore_mem>>
      %dma_start3A = arith.constant 0 : i32
      %dma_start3A_57 = tpu.memref_slice %arg3[%run_scoped3A_25, %run_scoped3A_26, %dma_start3A] : memref<10x1x32000xi32, #tpu.memory_space<hbm>> -> memref<1x1x32000xi32, #tpu.memory_space<hbm>>
      %dma_start3A_58 = tpu.memref_squeeze %dma_start3A_57 : memref<1x1x32000xi32, #tpu.memory_space<hbm>> -> memref<32000xi32, #tpu.memory_space<hbm>>
      %dma_start3A_59 = arith.constant 0 : i32
      %dma_start3A_60 = tpu.memref_slice %arg3[%run_scoped3A_25, %run_scoped3A_26, %dma_start3A_59] : memref<10x1x32000xi32, #tpu.memory_space<hbm>> -> memref<1x1x32000xi32, #tpu.memory_space<hbm>>
      %dma_start3A_61 = tpu.memref_squeeze %dma_start3A_60 : memref<1x1x32000xi32, #tpu.memory_space<hbm>> -> memref<32000xi32, #tpu.memory_space<hbm>>
      tpu.enqueue_dma source(%dma_start3A_61 : memref<32000xi32, #tpu.memory_space<hbm>>) target(%arg7 : memref<32000xi32, #tpu.memory_space<vmem>>) target_semaphore(%run_scoped3A_56 : memref<!tpu.dma_semaphore, #tpu.memory_space<semaphore_mem>>)
      %dma_wait3A = arith.constant 0 : i32
      %dma_wait3A_62 = tpu.memref_slice %arg3[%run_scoped3A_25, %run_scoped3A_26, %dma_wait3A] : memref<10x1x32000xi32, #tpu.memory_space<hbm>> -> memref<1x1x32000xi32, #tpu.memory_space<hbm>>
      %dma_wait3A_63 = tpu.memref_squeeze %dma_wait3A_62 : memref<1x1x32000xi32, #tpu.memory_space<hbm>> -> memref<32000xi32, #tpu.memory_space<hbm>>
      %dma_wait3A_64 = arith.constant 0 : i32
      %dma_wait3A_65 = tpu.memref_slice %arg3[%run_scoped3A_25, %run_scoped3A_26, %dma_wait3A_64] : memref<10x1x32000xi32, #tpu.memory_space<hbm>> -> memref<1x1x32000xi32, #tpu.memory_space<hbm>>
      %dma_wait3A_66 = tpu.memref_squeeze %dma_wait3A_65 : memref<1x1x32000xi32, #tpu.memory_space<hbm>> -> memref<32000xi32, #tpu.memory_space<hbm>>
      tpu.wait_dma2 semaphore(%run_scoped3A_56 : memref<!tpu.dma_semaphore, #tpu.memory_space<semaphore_mem>>) src(%dma_wait3A_66 : memref<32000xi32, #tpu.memory_space<hbm>>) dst(%arg7 : memref<32000xi32, #tpu.memory_space<vmem>>)
      tpu.yield
    }) : () -> ()
    %parallel_loop3A_27 = arith.constant 0 : i32
    %parallel_loop3A_28 = arith.constant 2000 : i32
    %parallel_loop3A_29 = arith.constant 1 : i32
    scf.for %parallel_loop3A_56 = %parallel_loop3A_27 to %parallel_loop3A_28 step %parallel_loop3A_29  : i32 {
      %parallel_loop3A_57 = arith.constant 16 : i32
      %parallel_loop3A_58 = arith.muli %parallel_loop3A_56, %parallel_loop3A_57 : i32
      %parallel_loop3A_59 = arith.index_cast %parallel_loop3A_58 : i32 to index
      %parallel_loop3A_60 = tpu.vector_load %arg7[%parallel_loop3A_59] {strides = array<i32>} : memref<32000xi32, #tpu.memory_space<vmem>>, vector<16xi32>,
      %parallel_loop3A_61 = arith.constant 65535 : i32
      %parallel_loop3A_62 = vector.broadcast %parallel_loop3A_61 : i32 to vector<16xi32>
      %parallel_loop3A_63 = arith.andi %parallel_loop3A_60, %parallel_loop3A_62 : vector<16xi32>
      %parallel_loop3A_64 = arith.constant 16 : i32
      %parallel_loop3A_65 = vector.broadcast %parallel_loop3A_64 : i32 to vector<16xi32>
      %parallel_loop3A_66 = arith.shrui %parallel_loop3A_60, %parallel_loop3A_65 : vector<16xi32>
      %parallel_loop3A_67 = arith.constant 0 : i32
      %parallel_loop3A_68 = vector.broadcast %parallel_loop3A_67 : i32 to vector<16xi32>
      %parallel_loop3A_69 = arith.addi %parallel_loop3A_63, %parallel_loop3A_68 : vector<16xi32>
      %parallel_loop3A_70 = tpu.vector_load_idx %arg5[%parallel_loop3A_69] : memref<40000xf32, #tpu.memory_space<vmem>>[vector<16xi32>], vector<16xf32>,
      %parallel_loop3A_71 = arith.constant 0 : i32
      %parallel_loop3A_72 = vector.broadcast %parallel_loop3A_71 : i32 to vector<16xi32>
      %parallel_loop3A_73 = arith.addi %parallel_loop3A_66, %parallel_loop3A_72 : vector<16xi32>
      tpu.vector_store_idx %arg6[%parallel_loop3A_73], %parallel_loop3A_70 {add = true} : memref<40000xf32, #tpu.memory_space<vmem>>[vector<16xi32>], vector<16xf32>,
      %parallel_loop3A_74 = arith.constant 1 : i32
      %parallel_loop3A_75 = vector.broadcast %parallel_loop3A_74 : i32 to vector<16xi32>
      %parallel_loop3A_76 = arith.addi %parallel_loop3A_63, %parallel_loop3A_75 : vector<16xi32>
      %parallel_loop3A_77 = tpu.vector_load_idx %arg5[%parallel_loop3A_76] : memref<40000xf32, #tpu.memory_space<vmem>>[vector<16xi32>], vector<16xf32>,
      %parallel_loop3A_78 = arith.constant 1 : i32
      %parallel_loop3A_79 = vector.broadcast %parallel_loop3A_78 : i32 to vector<16xi32>
      %parallel_loop3A_80 = arith.addi %parallel_loop3A_66, %parallel_loop3A_79 : vector<16xi32>
      tpu.vector_store_idx %arg6[%parallel_loop3A_80], %parallel_loop3A_77 {add = true} : memref<40000xf32, #tpu.memory_space<vmem>>[vector<16xi32>], vector<16xf32>,
      %parallel_loop3A_81 = arith.constant 2 : i32
      %parallel_loop3A_82 = vector.broadcast %parallel_loop3A_81 : i32 to vector<16xi32>
      %parallel_loop3A_83 = arith.addi %parallel_loop3A_63, %parallel_loop3A_82 : vector<16xi32>
      %parallel_loop3A_84 = tpu.vector_load_idx %arg5[%parallel_loop3A_83] : memref<40000xf32, #tpu.memory_space<vmem>>[vector<16xi32>], vector<16xf32>,
      %parallel_loop3A_85 = arith.constant 2 : i32
      %parallel_loop3A_86 = vector.broadcast %parallel_loop3A_85 : i32 to vector<16xi32>
      %parallel_loop3A_87 = arith.addi %parallel_loop3A_66, %parallel_loop3A_86 : vector<16xi32>
      tpu.vector_store_idx %arg6[%parallel_loop3A_87], %parallel_loop3A_84 {add = true} : memref<40000xf32, #tpu.memory_space<vmem>>[vector<16xi32>], vector<16xf32>,
      %parallel_loop3A_88 = arith.constant 3 : i32
      %parallel_loop3A_89 = vector.broadcast %parallel_loop3A_88 : i32 to vector<16xi32>
      %parallel_loop3A_90 = arith.addi %parallel_loop3A_63, %parallel_loop3A_89 : vector<16xi32>
      %parallel_loop3A_91 = tpu.vector_load_idx %arg5[%parallel_loop3A_90] : memref<40000xf32, #tpu.memory_space<vmem>>[vector<16xi32>], vector<16xf32>,
      %parallel_loop3A_92 = arith.constant 3 : i32
      %parallel_loop3A_93 = vector.broadcast %parallel_loop3A_92 : i32 to vector<16xi32>
      %parallel_loop3A_94 = arith.addi %parallel_loop3A_66, %parallel_loop3A_93 : vector<16xi32>
      tpu.vector_store_idx %arg6[%parallel_loop3A_94], %parallel_loop3A_91 {add = true} : memref<40000xf32, #tpu.memory_space<vmem>>[vector<16xi32>], vector<16xf32>,
    } {sc.loop_unroll_factor = 8 : i64, sc.parallel_access}
    %run_scoped3A_30 = arith.constant 5 : i32
    %run_scoped3A_31 = arith.constant 0 : i32
    "tpu.region"() ({
      %run_scoped3A_56 = tpu.sem_alloc : memref<!tpu.dma_semaphore, #tpu.memory_space<semaphore_mem>>
      %dma_start3A = arith.constant 0 : i32
      %dma_start3A_57 = tpu.memref_slice %arg3[%run_scoped3A_30, %run_scoped3A_31, %dma_start3A] : memref<10x1x32000xi32, #tpu.memory_space<hbm>> -> memref<1x1x32000xi32, #tpu.memory_space<hbm>>
      %dma_start3A_58 = tpu.memref_squeeze %dma_start3A_57 : memref<1x1x32000xi32, #tpu.memory_space<hbm>> -> memref<32000xi32, #tpu.memory_space<hbm>>
      %dma_start3A_59 = arith.constant 0 : i32
      %dma_start3A_60 = tpu.memref_slice %arg3[%run_scoped3A_30, %run_scoped3A_31, %dma_start3A_59] : memref<10x1x32000xi32, #tpu.memory_space<hbm>> -> memref<1x1x32000xi32, #tpu.memory_space<hbm>>
      %dma_start3A_61 = tpu.memref_squeeze %dma_start3A_60 : memref<1x1x32000xi32, #tpu.memory_space<hbm>> -> memref<32000xi32, #tpu.memory_space<hbm>>
      tpu.enqueue_dma source(%dma_start3A_61 : memref<32000xi32, #tpu.memory_space<hbm>>) target(%arg7 : memref<32000xi32, #tpu.memory_space<vmem>>) target_semaphore(%run_scoped3A_56 : memref<!tpu.dma_semaphore, #tpu.memory_space<semaphore_mem>>)
      %dma_wait3A = arith.constant 0 : i32
      %dma_wait3A_62 = tpu.memref_slice %arg3[%run_scoped3A_30, %run_scoped3A_31, %dma_wait3A] : memref<10x1x32000xi32, #tpu.memory_space<hbm>> -> memref<1x1x32000xi32, #tpu.memory_space<hbm>>
      %dma_wait3A_63 = tpu.memref_squeeze %dma_wait3A_62 : memref<1x1x32000xi32, #tpu.memory_space<hbm>> -> memref<32000xi32, #tpu.memory_space<hbm>>
      %dma_wait3A_64 = arith.constant 0 : i32
      %dma_wait3A_65 = tpu.memref_slice %arg3[%run_scoped3A_30, %run_scoped3A_31, %dma_wait3A_64] : memref<10x1x32000xi32, #tpu.memory_space<hbm>> -> memref<1x1x32000xi32, #tpu.memory_space<hbm>>
      %dma_wait3A_66 = tpu.memref_squeeze %dma_wait3A_65 : memref<1x1x32000xi32, #tpu.memory_space<hbm>> -> memref<32000xi32, #tpu.memory_space<hbm>>
      tpu.wait_dma2 semaphore(%run_scoped3A_56 : memref<!tpu.dma_semaphore, #tpu.memory_space<semaphore_mem>>) src(%dma_wait3A_66 : memref<32000xi32, #tpu.memory_space<hbm>>) dst(%arg7 : memref<32000xi32, #tpu.memory_space<vmem>>)
      tpu.yield
    }) : () -> ()
    %parallel_loop3A_32 = arith.constant 0 : i32
    %parallel_loop3A_33 = arith.constant 2000 : i32
    %parallel_loop3A_34 = arith.constant 1 : i32
    scf.for %parallel_loop3A_56 = %parallel_loop3A_32 to %parallel_loop3A_33 step %parallel_loop3A_34  : i32 {
      %parallel_loop3A_57 = arith.constant 16 : i32
      %parallel_loop3A_58 = arith.muli %parallel_loop3A_56, %parallel_loop3A_57 : i32
      %parallel_loop3A_59 = arith.index_cast %parallel_loop3A_58 : i32 to index
      %parallel_loop3A_60 = tpu.vector_load %arg7[%parallel_loop3A_59] {strides = array<i32>} : memref<32000xi32, #tpu.memory_space<vmem>>, vector<16xi32>,
      %parallel_loop3A_61 = arith.constant 65535 : i32
      %parallel_loop3A_62 = vector.broadcast %parallel_loop3A_61 : i32 to vector<16xi32>
      %parallel_loop3A_63 = arith.andi %parallel_loop3A_60, %parallel_loop3A_62 : vector<16xi32>
      %parallel_loop3A_64 = arith.constant 16 : i32
      %parallel_loop3A_65 = vector.broadcast %parallel_loop3A_64 : i32 to vector<16xi32>
      %parallel_loop3A_66 = arith.shrui %parallel_loop3A_60, %parallel_loop3A_65 : vector<16xi32>
      %parallel_loop3A_67 = arith.constant 0 : i32
      %parallel_loop3A_68 = vector.broadcast %parallel_loop3A_67 : i32 to vector<16xi32>
      %parallel_loop3A_69 = arith.addi %parallel_loop3A_63, %parallel_loop3A_68 : vector<16xi32>
      %parallel_loop3A_70 = tpu.vector_load_idx %arg5[%parallel_loop3A_69] : memref<40000xf32, #tpu.memory_space<vmem>>[vector<16xi32>], vector<16xf32>,
      %parallel_loop3A_71 = arith.constant 0 : i32
      %parallel_loop3A_72 = vector.broadcast %parallel_loop3A_71 : i32 to vector<16xi32>
      %parallel_loop3A_73 = arith.addi %parallel_loop3A_66, %parallel_loop3A_72 : vector<16xi32>
      tpu.vector_store_idx %arg6[%parallel_loop3A_73], %parallel_loop3A_70 {add = true} : memref<40000xf32, #tpu.memory_space<vmem>>[vector<16xi32>], vector<16xf32>,
      %parallel_loop3A_74 = arith.constant 1 : i32
      %parallel_loop3A_75 = vector.broadcast %parallel_loop3A_74 : i32 to vector<16xi32>
      %parallel_loop3A_76 = arith.addi %parallel_loop3A_63, %parallel_loop3A_75 : vector<16xi32>
      %parallel_loop3A_77 = tpu.vector_load_idx %arg5[%parallel_loop3A_76] : memref<40000xf32, #tpu.memory_space<vmem>>[vector<16xi32>], vector<16xf32>,
      %parallel_loop3A_78 = arith.constant 1 : i32
      %parallel_loop3A_79 = vector.broadcast %parallel_loop3A_78 : i32 to vector<16xi32>
      %parallel_loop3A_80 = arith.addi %parallel_loop3A_66, %parallel_loop3A_79 : vector<16xi32>
      tpu.vector_store_idx %arg6[%parallel_loop3A_80], %parallel_loop3A_77 {add = true} : memref<40000xf32, #tpu.memory_space<vmem>>[vector<16xi32>], vector<16xf32>,
      %parallel_loop3A_81 = arith.constant 2 : i32
      %parallel_loop3A_82 = vector.broadcast %parallel_loop3A_81 : i32 to vector<16xi32>
      %parallel_loop3A_83 = arith.addi %parallel_loop3A_63, %parallel_loop3A_82 : vector<16xi32>
      %parallel_loop3A_84 = tpu.vector_load_idx %arg5[%parallel_loop3A_83] : memref<40000xf32, #tpu.memory_space<vmem>>[vector<16xi32>], vector<16xf32>,
      %parallel_loop3A_85 = arith.constant 2 : i32
      %parallel_loop3A_86 = vector.broadcast %parallel_loop3A_85 : i32 to vector<16xi32>
      %parallel_loop3A_87 = arith.addi %parallel_loop3A_66, %parallel_loop3A_86 : vector<16xi32>
      tpu.vector_store_idx %arg6[%parallel_loop3A_87], %parallel_loop3A_84 {add = true} : memref<40000xf32, #tpu.memory_space<vmem>>[vector<16xi32>], vector<16xf32>,
      %parallel_loop3A_88 = arith.constant 3 : i32
      %parallel_loop3A_89 = vector.broadcast %parallel_loop3A_88 : i32 to vector<16xi32>
      %parallel_loop3A_90 = arith.addi %parallel_loop3A_63, %parallel_loop3A_89 : vector<16xi32>
      %parallel_loop3A_91 = tpu.vector_load_idx %arg5[%parallel_loop3A_90] : memref<40000xf32, #tpu.memory_space<vmem>>[vector<16xi32>], vector<16xf32>,
      %parallel_loop3A_92 = arith.constant 3 : i32
      %parallel_loop3A_93 = vector.broadcast %parallel_loop3A_92 : i32 to vector<16xi32>
      %parallel_loop3A_94 = arith.addi %parallel_loop3A_66, %parallel_loop3A_93 : vector<16xi32>
      tpu.vector_store_idx %arg6[%parallel_loop3A_94], %parallel_loop3A_91 {add = true} : memref<40000xf32, #tpu.memory_space<vmem>>[vector<16xi32>], vector<16xf32>,
    } {sc.loop_unroll_factor = 8 : i64, sc.parallel_access}
    %run_scoped3A_35 = arith.constant 6 : i32
    %run_scoped3A_36 = arith.constant 0 : i32
    "tpu.region"() ({
      %run_scoped3A_56 = tpu.sem_alloc : memref<!tpu.dma_semaphore, #tpu.memory_space<semaphore_mem>>
      %dma_start3A = arith.constant 0 : i32
      %dma_start3A_57 = tpu.memref_slice %arg3[%run_scoped3A_35, %run_scoped3A_36, %dma_start3A] : memref<10x1x32000xi32, #tpu.memory_space<hbm>> -> memref<1x1x32000xi32, #tpu.memory_space<hbm>>
      %dma_start3A_58 = tpu.memref_squeeze %dma_start3A_57 : memref<1x1x32000xi32, #tpu.memory_space<hbm>> -> memref<32000xi32, #tpu.memory_space<hbm>>
      %dma_start3A_59 = arith.constant 0 : i32
      %dma_start3A_60 = tpu.memref_slice %arg3[%run_scoped3A_35, %run_scoped3A_36, %dma_start3A_59] : memref<10x1x32000xi32, #tpu.memory_space<hbm>> -> memref<1x1x32000xi32, #tpu.memory_space<hbm>>
      %dma_start3A_61 = tpu.memref_squeeze %dma_start3A_60 : memref<1x1x32000xi32, #tpu.memory_space<hbm>> -> memref<32000xi32, #tpu.memory_space<hbm>>
      tpu.enqueue_dma source(%dma_start3A_61 : memref<32000xi32, #tpu.memory_space<hbm>>) target(%arg7 : memref<32000xi32, #tpu.memory_space<vmem>>) target_semaphore(%run_scoped3A_56 : memref<!tpu.dma_semaphore, #tpu.memory_space<semaphore_mem>>)
      %dma_wait3A = arith.constant 0 : i32
      %dma_wait3A_62 = tpu.memref_slice %arg3[%run_scoped3A_35, %run_scoped3A_36, %dma_wait3A] : memref<10x1x32000xi32, #tpu.memory_space<hbm>> -> memref<1x1x32000xi32, #tpu.memory_space<hbm>>
      %dma_wait3A_63 = tpu.memref_squeeze %dma_wait3A_62 : memref<1x1x32000xi32, #tpu.memory_space<hbm>> -> memref<32000xi32, #tpu.memory_space<hbm>>
      %dma_wait3A_64 = arith.constant 0 : i32
      %dma_wait3A_65 = tpu.memref_slice %arg3[%run_scoped3A_35, %run_scoped3A_36, %dma_wait3A_64] : memref<10x1x32000xi32, #tpu.memory_space<hbm>> -> memref<1x1x32000xi32, #tpu.memory_space<hbm>>
      %dma_wait3A_66 = tpu.memref_squeeze %dma_wait3A_65 : memref<1x1x32000xi32, #tpu.memory_space<hbm>> -> memref<32000xi32, #tpu.memory_space<hbm>>
      tpu.wait_dma2 semaphore(%run_scoped3A_56 : memref<!tpu.dma_semaphore, #tpu.memory_space<semaphore_mem>>) src(%dma_wait3A_66 : memref<32000xi32, #tpu.memory_space<hbm>>) dst(%arg7 : memref<32000xi32, #tpu.memory_space<vmem>>)
      tpu.yield
    }) : () -> ()
    %parallel_loop3A_37 = arith.constant 0 : i32
    %parallel_loop3A_38 = arith.constant 2000 : i32
    %parallel_loop3A_39 = arith.constant 1 : i32
    scf.for %parallel_loop3A_56 = %parallel_loop3A_37 to %parallel_loop3A_38 step %parallel_loop3A_39  : i32 {
      %parallel_loop3A_57 = arith.constant 16 : i32
      %parallel_loop3A_58 = arith.muli %parallel_loop3A_56, %parallel_loop3A_57 : i32
      %parallel_loop3A_59 = arith.index_cast %parallel_loop3A_58 : i32 to index
      %parallel_loop3A_60 = tpu.vector_load %arg7[%parallel_loop3A_59] {strides = array<i32>} : memref<32000xi32, #tpu.memory_space<vmem>>, vector<16xi32>,
      %parallel_loop3A_61 = arith.constant 65535 : i32
      %parallel_loop3A_62 = vector.broadcast %parallel_loop3A_61 : i32 to vector<16xi32>
      %parallel_loop3A_63 = arith.andi %parallel_loop3A_60, %parallel_loop3A_62 : vector<16xi32>
      %parallel_loop3A_64 = arith.constant 16 : i32
      %parallel_loop3A_65 = vector.broadcast %parallel_loop3A_64 : i32 to vector<16xi32>
      %parallel_loop3A_66 = arith.shrui %parallel_loop3A_60, %parallel_loop3A_65 : vector<16xi32>
      %parallel_loop3A_67 = arith.constant 0 : i32
      %parallel_loop3A_68 = vector.broadcast %parallel_loop3A_67 : i32 to vector<16xi32>
      %parallel_loop3A_69 = arith.addi %parallel_loop3A_63, %parallel_loop3A_68 : vector<16xi32>
      %parallel_loop3A_70 = tpu.vector_load_idx %arg5[%parallel_loop3A_69] : memref<40000xf32, #tpu.memory_space<vmem>>[vector<16xi32>], vector<16xf32>,
      %parallel_loop3A_71 = arith.constant 0 : i32
      %parallel_loop3A_72 = vector.broadcast %parallel_loop3A_71 : i32 to vector<16xi32>
      %parallel_loop3A_73 = arith.addi %parallel_loop3A_66, %parallel_loop3A_72 : vector<16xi32>
      tpu.vector_store_idx %arg6[%parallel_loop3A_73], %parallel_loop3A_70 {add = true} : memref<40000xf32, #tpu.memory_space<vmem>>[vector<16xi32>], vector<16xf32>,
      %parallel_loop3A_74 = arith.constant 1 : i32
      %parallel_loop3A_75 = vector.broadcast %parallel_loop3A_74 : i32 to vector<16xi32>
      %parallel_loop3A_76 = arith.addi %parallel_loop3A_63, %parallel_loop3A_75 : vector<16xi32>
      %parallel_loop3A_77 = tpu.vector_load_idx %arg5[%parallel_loop3A_76] : memref<40000xf32, #tpu.memory_space<vmem>>[vector<16xi32>], vector<16xf32>,
      %parallel_loop3A_78 = arith.constant 1 : i32
      %parallel_loop3A_79 = vector.broadcast %parallel_loop3A_78 : i32 to vector<16xi32>
      %parallel_loop3A_80 = arith.addi %parallel_loop3A_66, %parallel_loop3A_79 : vector<16xi32>
      tpu.vector_store_idx %arg6[%parallel_loop3A_80], %parallel_loop3A_77 {add = true} : memref<40000xf32, #tpu.memory_space<vmem>>[vector<16xi32>], vector<16xf32>,
      %parallel_loop3A_81 = arith.constant 2 : i32
      %parallel_loop3A_82 = vector.broadcast %parallel_loop3A_81 : i32 to vector<16xi32>
      %parallel_loop3A_83 = arith.addi %parallel_loop3A_63, %parallel_loop3A_82 : vector<16xi32>
      %parallel_loop3A_84 = tpu.vector_load_idx %arg5[%parallel_loop3A_83] : memref<40000xf32, #tpu.memory_space<vmem>>[vector<16xi32>], vector<16xf32>,
      %parallel_loop3A_85 = arith.constant 2 : i32
      %parallel_loop3A_86 = vector.broadcast %parallel_loop3A_85 : i32 to vector<16xi32>
      %parallel_loop3A_87 = arith.addi %parallel_loop3A_66, %parallel_loop3A_86 : vector<16xi32>
      tpu.vector_store_idx %arg6[%parallel_loop3A_87], %parallel_loop3A_84 {add = true} : memref<40000xf32, #tpu.memory_space<vmem>>[vector<16xi32>], vector<16xf32>,
      %parallel_loop3A_88 = arith.constant 3 : i32
      %parallel_loop3A_89 = vector.broadcast %parallel_loop3A_88 : i32 to vector<16xi32>
      %parallel_loop3A_90 = arith.addi %parallel_loop3A_63, %parallel_loop3A_89 : vector<16xi32>
      %parallel_loop3A_91 = tpu.vector_load_idx %arg5[%parallel_loop3A_90] : memref<40000xf32, #tpu.memory_space<vmem>>[vector<16xi32>], vector<16xf32>,
      %parallel_loop3A_92 = arith.constant 3 : i32
      %parallel_loop3A_93 = vector.broadcast %parallel_loop3A_92 : i32 to vector<16xi32>
      %parallel_loop3A_94 = arith.addi %parallel_loop3A_66, %parallel_loop3A_93 : vector<16xi32>
      tpu.vector_store_idx %arg6[%parallel_loop3A_94], %parallel_loop3A_91 {add = true} : memref<40000xf32, #tpu.memory_space<vmem>>[vector<16xi32>], vector<16xf32>,
    } {sc.loop_unroll_factor = 8 : i64, sc.parallel_access}
    %run_scoped3A_40 = arith.constant 7 : i32
    %run_scoped3A_41 = arith.constant 0 : i32
    "tpu.region"() ({
      %run_scoped3A_56 = tpu.sem_alloc : memref<!tpu.dma_semaphore, #tpu.memory_space<semaphore_mem>>
      %dma_start3A = arith.constant 0 : i32
      %dma_start3A_57 = tpu.memref_slice %arg3[%run_scoped3A_40, %run_scoped3A_41, %dma_start3A] : memref<10x1x32000xi32, #tpu.memory_space<hbm>> -> memref<1x1x32000xi32, #tpu.memory_space<hbm>>
      %dma_start3A_58 = tpu.memref_squeeze %dma_start3A_57 : memref<1x1x32000xi32, #tpu.memory_space<hbm>> -> memref<32000xi32, #tpu.memory_space<hbm>>
      %dma_start3A_59 = arith.constant 0 : i32
      %dma_start3A_60 = tpu.memref_slice %arg3[%run_scoped3A_40, %run_scoped3A_41, %dma_start3A_59] : memref<10x1x32000xi32, #tpu.memory_space<hbm>> -> memref<1x1x32000xi32, #tpu.memory_space<hbm>>
      %dma_start3A_61 = tpu.memref_squeeze %dma_start3A_60 : memref<1x1x32000xi32, #tpu.memory_space<hbm>> -> memref<32000xi32, #tpu.memory_space<hbm>>
      tpu.enqueue_dma source(%dma_start3A_61 : memref<32000xi32, #tpu.memory_space<hbm>>) target(%arg7 : memref<32000xi32, #tpu.memory_space<vmem>>) target_semaphore(%run_scoped3A_56 : memref<!tpu.dma_semaphore, #tpu.memory_space<semaphore_mem>>)
      %dma_wait3A = arith.constant 0 : i32
      %dma_wait3A_62 = tpu.memref_slice %arg3[%run_scoped3A_40, %run_scoped3A_41, %dma_wait3A] : memref<10x1x32000xi32, #tpu.memory_space<hbm>> -> memref<1x1x32000xi32, #tpu.memory_space<hbm>>
      %dma_wait3A_63 = tpu.memref_squeeze %dma_wait3A_62 : memref<1x1x32000xi32, #tpu.memory_space<hbm>> -> memref<32000xi32, #tpu.memory_space<hbm>>
      %dma_wait3A_64 = arith.constant 0 : i32
      %dma_wait3A_65 = tpu.memref_slice %arg3[%run_scoped3A_40, %run_scoped3A_41, %dma_wait3A_64] : memref<10x1x32000xi32, #tpu.memory_space<hbm>> -> memref<1x1x32000xi32, #tpu.memory_space<hbm>>
      %dma_wait3A_66 = tpu.memref_squeeze %dma_wait3A_65 : memref<1x1x32000xi32, #tpu.memory_space<hbm>> -> memref<32000xi32, #tpu.memory_space<hbm>>
      tpu.wait_dma2 semaphore(%run_scoped3A_56 : memref<!tpu.dma_semaphore, #tpu.memory_space<semaphore_mem>>) src(%dma_wait3A_66 : memref<32000xi32, #tpu.memory_space<hbm>>) dst(%arg7 : memref<32000xi32, #tpu.memory_space<vmem>>)
      tpu.yield
    }) : () -> ()
    %parallel_loop3A_42 = arith.constant 0 : i32
    %parallel_loop3A_43 = arith.constant 2000 : i32
    %parallel_loop3A_44 = arith.constant 1 : i32
    scf.for %parallel_loop3A_56 = %parallel_loop3A_42 to %parallel_loop3A_43 step %parallel_loop3A_44  : i32 {
      %parallel_loop3A_57 = arith.constant 16 : i32
      %parallel_loop3A_58 = arith.muli %parallel_loop3A_56, %parallel_loop3A_57 : i32
      %parallel_loop3A_59 = arith.index_cast %parallel_loop3A_58 : i32 to index
      %parallel_loop3A_60 = tpu.vector_load %arg7[%parallel_loop3A_59] {strides = array<i32>} : memref<32000xi32, #tpu.memory_space<vmem>>, vector<16xi32>,
      %parallel_loop3A_61 = arith.constant 65535 : i32
      %parallel_loop3A_62 = vector.broadcast %parallel_loop3A_61 : i32 to vector<16xi32>
      %parallel_loop3A_63 = arith.andi %parallel_loop3A_60, %parallel_loop3A_62 : vector<16xi32>
      %parallel_loop3A_64 = arith.constant 16 : i32
      %parallel_loop3A_65 = vector.broadcast %parallel_loop3A_64 : i32 to vector<16xi32>
      %parallel_loop3A_66 = arith.shrui %parallel_loop3A_60, %parallel_loop3A_65 : vector<16xi32>
      %parallel_loop3A_67 = arith.constant 0 : i32
      %parallel_loop3A_68 = vector.broadcast %parallel_loop3A_67 : i32 to vector<16xi32>
      %parallel_loop3A_69 = arith.addi %parallel_loop3A_63, %parallel_loop3A_68 : vector<16xi32>
      %parallel_loop3A_70 = tpu.vector_load_idx %arg5[%parallel_loop3A_69] : memref<40000xf32, #tpu.memory_space<vmem>>[vector<16xi32>], vector<16xf32>,
      %parallel_loop3A_71 = arith.constant 0 : i32
      %parallel_loop3A_72 = vector.broadcast %parallel_loop3A_71 : i32 to vector<16xi32>
      %parallel_loop3A_73 = arith.addi %parallel_loop3A_66, %parallel_loop3A_72 : vector<16xi32>
      tpu.vector_store_idx %arg6[%parallel_loop3A_73], %parallel_loop3A_70 {add = true} : memref<40000xf32, #tpu.memory_space<vmem>>[vector<16xi32>], vector<16xf32>,
      %parallel_loop3A_74 = arith.constant 1 : i32
      %parallel_loop3A_75 = vector.broadcast %parallel_loop3A_74 : i32 to vector<16xi32>
      %parallel_loop3A_76 = arith.addi %parallel_loop3A_63, %parallel_loop3A_75 : vector<16xi32>
      %parallel_loop3A_77 = tpu.vector_load_idx %arg5[%parallel_loop3A_76] : memref<40000xf32, #tpu.memory_space<vmem>>[vector<16xi32>], vector<16xf32>,
      %parallel_loop3A_78 = arith.constant 1 : i32
      %parallel_loop3A_79 = vector.broadcast %parallel_loop3A_78 : i32 to vector<16xi32>
      %parallel_loop3A_80 = arith.addi %parallel_loop3A_66, %parallel_loop3A_79 : vector<16xi32>
      tpu.vector_store_idx %arg6[%parallel_loop3A_80], %parallel_loop3A_77 {add = true} : memref<40000xf32, #tpu.memory_space<vmem>>[vector<16xi32>], vector<16xf32>,
      %parallel_loop3A_81 = arith.constant 2 : i32
      %parallel_loop3A_82 = vector.broadcast %parallel_loop3A_81 : i32 to vector<16xi32>
      %parallel_loop3A_83 = arith.addi %parallel_loop3A_63, %parallel_loop3A_82 : vector<16xi32>
      %parallel_loop3A_84 = tpu.vector_load_idx %arg5[%parallel_loop3A_83] : memref<40000xf32, #tpu.memory_space<vmem>>[vector<16xi32>], vector<16xf32>,
      %parallel_loop3A_85 = arith.constant 2 : i32
      %parallel_loop3A_86 = vector.broadcast %parallel_loop3A_85 : i32 to vector<16xi32>
      %parallel_loop3A_87 = arith.addi %parallel_loop3A_66, %parallel_loop3A_86 : vector<16xi32>
      tpu.vector_store_idx %arg6[%parallel_loop3A_87], %parallel_loop3A_84 {add = true} : memref<40000xf32, #tpu.memory_space<vmem>>[vector<16xi32>], vector<16xf32>,
      %parallel_loop3A_88 = arith.constant 3 : i32
      %parallel_loop3A_89 = vector.broadcast %parallel_loop3A_88 : i32 to vector<16xi32>
      %parallel_loop3A_90 = arith.addi %parallel_loop3A_63, %parallel_loop3A_89 : vector<16xi32>
      %parallel_loop3A_91 = tpu.vector_load_idx %arg5[%parallel_loop3A_90] : memref<40000xf32, #tpu.memory_space<vmem>>[vector<16xi32>], vector<16xf32>,
      %parallel_loop3A_92 = arith.constant 3 : i32
      %parallel_loop3A_93 = vector.broadcast %parallel_loop3A_92 : i32 to vector<16xi32>
      %parallel_loop3A_94 = arith.addi %parallel_loop3A_66, %parallel_loop3A_93 : vector<16xi32>
      tpu.vector_store_idx %arg6[%parallel_loop3A_94], %parallel_loop3A_91 {add = true} : memref<40000xf32, #tpu.memory_space<vmem>>[vector<16xi32>], vector<16xf32>,
    } {sc.loop_unroll_factor = 8 : i64, sc.parallel_access}
    %run_scoped3A_45 = arith.constant 8 : i32
    %run_scoped3A_46 = arith.constant 0 : i32
    "tpu.region"() ({
      %run_scoped3A_56 = tpu.sem_alloc : memref<!tpu.dma_semaphore, #tpu.memory_space<semaphore_mem>>
      %dma_start3A = arith.constant 0 : i32
      %dma_start3A_57 = tpu.memref_slice %arg3[%run_scoped3A_45, %run_scoped3A_46, %dma_start3A] : memref<10x1x32000xi32, #tpu.memory_space<hbm>> -> memref<1x1x32000xi32, #tpu.memory_space<hbm>>
      %dma_start3A_58 = tpu.memref_squeeze %dma_start3A_57 : memref<1x1x32000xi32, #tpu.memory_space<hbm>> -> memref<32000xi32, #tpu.memory_space<hbm>>
      %dma_start3A_59 = arith.constant 0 : i32
      %dma_start3A_60 = tpu.memref_slice %arg3[%run_scoped3A_45, %run_scoped3A_46, %dma_start3A_59] : memref<10x1x32000xi32, #tpu.memory_space<hbm>> -> memref<1x1x32000xi32, #tpu.memory_space<hbm>>
      %dma_start3A_61 = tpu.memref_squeeze %dma_start3A_60 : memref<1x1x32000xi32, #tpu.memory_space<hbm>> -> memref<32000xi32, #tpu.memory_space<hbm>>
      tpu.enqueue_dma source(%dma_start3A_61 : memref<32000xi32, #tpu.memory_space<hbm>>) target(%arg7 : memref<32000xi32, #tpu.memory_space<vmem>>) target_semaphore(%run_scoped3A_56 : memref<!tpu.dma_semaphore, #tpu.memory_space<semaphore_mem>>)
      %dma_wait3A = arith.constant 0 : i32
      %dma_wait3A_62 = tpu.memref_slice %arg3[%run_scoped3A_45, %run_scoped3A_46, %dma_wait3A] : memref<10x1x32000xi32, #tpu.memory_space<hbm>> -> memref<1x1x32000xi32, #tpu.memory_space<hbm>>
      %dma_wait3A_63 = tpu.memref_squeeze %dma_wait3A_62 : memref<1x1x32000xi32, #tpu.memory_space<hbm>> -> memref<32000xi32, #tpu.memory_space<hbm>>
      %dma_wait3A_64 = arith.constant 0 : i32
      %dma_wait3A_65 = tpu.memref_slice %arg3[%run_scoped3A_45, %run_scoped3A_46, %dma_wait3A_64] : memref<10x1x32000xi32, #tpu.memory_space<hbm>> -> memref<1x1x32000xi32, #tpu.memory_space<hbm>>
      %dma_wait3A_66 = tpu.memref_squeeze %dma_wait3A_65 : memref<1x1x32000xi32, #tpu.memory_space<hbm>> -> memref<32000xi32, #tpu.memory_space<hbm>>
      tpu.wait_dma2 semaphore(%run_scoped3A_56 : memref<!tpu.dma_semaphore, #tpu.memory_space<semaphore_mem>>) src(%dma_wait3A_66 : memref<32000xi32, #tpu.memory_space<hbm>>) dst(%arg7 : memref<32000xi32, #tpu.memory_space<vmem>>)
      tpu.yield
    }) : () -> ()
    %parallel_loop3A_47 = arith.constant 0 : i32
    %parallel_loop3A_48 = arith.constant 2000 : i32
    %parallel_loop3A_49 = arith.constant 1 : i32
    scf.for %parallel_loop3A_56 = %parallel_loop3A_47 to %parallel_loop3A_48 step %parallel_loop3A_49  : i32 {
      %parallel_loop3A_57 = arith.constant 16 : i32
      %parallel_loop3A_58 = arith.muli %parallel_loop3A_56, %parallel_loop3A_57 : i32
      %parallel_loop3A_59 = arith.index_cast %parallel_loop3A_58 : i32 to index
      %parallel_loop3A_60 = tpu.vector_load %arg7[%parallel_loop3A_59] {strides = array<i32>} : memref<32000xi32, #tpu.memory_space<vmem>>, vector<16xi32>,
      %parallel_loop3A_61 = arith.constant 65535 : i32
      %parallel_loop3A_62 = vector.broadcast %parallel_loop3A_61 : i32 to vector<16xi32>
      %parallel_loop3A_63 = arith.andi %parallel_loop3A_60, %parallel_loop3A_62 : vector<16xi32>
      %parallel_loop3A_64 = arith.constant 16 : i32
      %parallel_loop3A_65 = vector.broadcast %parallel_loop3A_64 : i32 to vector<16xi32>
      %parallel_loop3A_66 = arith.shrui %parallel_loop3A_60, %parallel_loop3A_65 : vector<16xi32>
      %parallel_loop3A_67 = arith.constant 0 : i32
      %parallel_loop3A_68 = vector.broadcast %parallel_loop3A_67 : i32 to vector<16xi32>
      %parallel_loop3A_69 = arith.addi %parallel_loop3A_63, %parallel_loop3A_68 : vector<16xi32>
      %parallel_loop3A_70 = tpu.vector_load_idx %arg5[%parallel_loop3A_69] : memref<40000xf32, #tpu.memory_space<vmem>>[vector<16xi32>], vector<16xf32>,
      %parallel_loop3A_71 = arith.constant 0 : i32
      %parallel_loop3A_72 = vector.broadcast %parallel_loop3A_71 : i32 to vector<16xi32>
      %parallel_loop3A_73 = arith.addi %parallel_loop3A_66, %parallel_loop3A_72 : vector<16xi32>
      tpu.vector_store_idx %arg6[%parallel_loop3A_73], %parallel_loop3A_70 {add = true} : memref<40000xf32, #tpu.memory_space<vmem>>[vector<16xi32>], vector<16xf32>,
      %parallel_loop3A_74 = arith.constant 1 : i32
      %parallel_loop3A_75 = vector.broadcast %parallel_loop3A_74 : i32 to vector<16xi32>
      %parallel_loop3A_76 = arith.addi %parallel_loop3A_63, %parallel_loop3A_75 : vector<16xi32>
      %parallel_loop3A_77 = tpu.vector_load_idx %arg5[%parallel_loop3A_76] : memref<40000xf32, #tpu.memory_space<vmem>>[vector<16xi32>], vector<16xf32>,
      %parallel_loop3A_78 = arith.constant 1 : i32
      %parallel_loop3A_79 = vector.broadcast %parallel_loop3A_78 : i32 to vector<16xi32>
      %parallel_loop3A_80 = arith.addi %parallel_loop3A_66, %parallel_loop3A_79 : vector<16xi32>
      tpu.vector_store_idx %arg6[%parallel_loop3A_80], %parallel_loop3A_77 {add = true} : memref<40000xf32, #tpu.memory_space<vmem>>[vector<16xi32>], vector<16xf32>,
      %parallel_loop3A_81 = arith.constant 2 : i32
      %parallel_loop3A_82 = vector.broadcast %parallel_loop3A_81 : i32 to vector<16xi32>
      %parallel_loop3A_83 = arith.addi %parallel_loop3A_63, %parallel_loop3A_82 : vector<16xi32>
      %parallel_loop3A_84 = tpu.vector_load_idx %arg5[%parallel_loop3A_83] : memref<40000xf32, #tpu.memory_space<vmem>>[vector<16xi32>], vector<16xf32>,
      %parallel_loop3A_85 = arith.constant 2 : i32
      %parallel_loop3A_86 = vector.broadcast %parallel_loop3A_85 : i32 to vector<16xi32>
      %parallel_loop3A_87 = arith.addi %parallel_loop3A_66, %parallel_loop3A_86 : vector<16xi32>
      tpu.vector_store_idx %arg6[%parallel_loop3A_87], %parallel_loop3A_84 {add = true} : memref<40000xf32, #tpu.memory_space<vmem>>[vector<16xi32>], vector<16xf32>,
      %parallel_loop3A_88 = arith.constant 3 : i32
      %parallel_loop3A_89 = vector.broadcast %parallel_loop3A_88 : i32 to vector<16xi32>
      %parallel_loop3A_90 = arith.addi %parallel_loop3A_63, %parallel_loop3A_89 : vector<16xi32>
      %parallel_loop3A_91 = tpu.vector_load_idx %arg5[%parallel_loop3A_90] : memref<40000xf32, #tpu.memory_space<vmem>>[vector<16xi32>], vector<16xf32>,
      %parallel_loop3A_92 = arith.constant 3 : i32
      %parallel_loop3A_93 = vector.broadcast %parallel_loop3A_92 : i32 to vector<16xi32>
      %parallel_loop3A_94 = arith.addi %parallel_loop3A_66, %parallel_loop3A_93 : vector<16xi32>
      tpu.vector_store_idx %arg6[%parallel_loop3A_94], %parallel_loop3A_91 {add = true} : memref<40000xf32, #tpu.memory_space<vmem>>[vector<16xi32>], vector<16xf32>,
    } {sc.loop_unroll_factor = 8 : i64, sc.parallel_access}
    %run_scoped3A_50 = arith.constant 9 : i32
    %run_scoped3A_51 = arith.constant 0 : i32
    "tpu.region"() ({
      %run_scoped3A_56 = tpu.sem_alloc : memref<!tpu.dma_semaphore, #tpu.memory_space<semaphore_mem>>
      %dma_start3A = arith.constant 0 : i32
      %dma_start3A_57 = tpu.memref_slice %arg3[%run_scoped3A_50, %run_scoped3A_51, %dma_start3A] : memref<10x1x32000xi32, #tpu.memory_space<hbm>> -> memref<1x1x32000xi32, #tpu.memory_space<hbm>>
      %dma_start3A_58 = tpu.memref_squeeze %dma_start3A_57 : memref<1x1x32000xi32, #tpu.memory_space<hbm>> -> memref<32000xi32, #tpu.memory_space<hbm>>
      %dma_start3A_59 = arith.constant 0 : i32
      %dma_start3A_60 = tpu.memref_slice %arg3[%run_scoped3A_50, %run_scoped3A_51, %dma_start3A_59] : memref<10x1x32000xi32, #tpu.memory_space<hbm>> -> memref<1x1x32000xi32, #tpu.memory_space<hbm>>
      %dma_start3A_61 = tpu.memref_squeeze %dma_start3A_60 : memref<1x1x32000xi32, #tpu.memory_space<hbm>> -> memref<32000xi32, #tpu.memory_space<hbm>>
      tpu.enqueue_dma source(%dma_start3A_61 : memref<32000xi32, #tpu.memory_space<hbm>>) target(%arg7 : memref<32000xi32, #tpu.memory_space<vmem>>) target_semaphore(%run_scoped3A_56 : memref<!tpu.dma_semaphore, #tpu.memory_space<semaphore_mem>>)
      %dma_wait3A = arith.constant 0 : i32
      %dma_wait3A_62 = tpu.memref_slice %arg3[%run_scoped3A_50, %run_scoped3A_51, %dma_wait3A] : memref<10x1x32000xi32, #tpu.memory_space<hbm>> -> memref<1x1x32000xi32, #tpu.memory_space<hbm>>
      %dma_wait3A_63 = tpu.memref_squeeze %dma_wait3A_62 : memref<1x1x32000xi32, #tpu.memory_space<hbm>> -> memref<32000xi32, #tpu.memory_space<hbm>>
      %dma_wait3A_64 = arith.constant 0 : i32
      %dma_wait3A_65 = tpu.memref_slice %arg3[%run_scoped3A_50, %run_scoped3A_51, %dma_wait3A_64] : memref<10x1x32000xi32, #tpu.memory_space<hbm>> -> memref<1x1x32000xi32, #tpu.memory_space<hbm>>
      %dma_wait3A_66 = tpu.memref_squeeze %dma_wait3A_65 : memref<1x1x32000xi32, #tpu.memory_space<hbm>> -> memref<32000xi32, #tpu.memory_space<hbm>>
      tpu.wait_dma2 semaphore(%run_scoped3A_56 : memref<!tpu.dma_semaphore, #tpu.memory_space<semaphore_mem>>) src(%dma_wait3A_66 : memref<32000xi32, #tpu.memory_space<hbm>>) dst(%arg7 : memref<32000xi32, #tpu.memory_space<vmem>>)
      tpu.yield
    }) : () -> ()
    %parallel_loop3A_52 = arith.constant 0 : i32
    %parallel_loop3A_53 = arith.constant 2000 : i32
    %parallel_loop3A_54 = arith.constant 1 : i32
    scf.for %parallel_loop3A_56 = %parallel_loop3A_52 to %parallel_loop3A_53 step %parallel_loop3A_54  : i32 {
      %parallel_loop3A_57 = arith.constant 16 : i32
      %parallel_loop3A_58 = arith.muli %parallel_loop3A_56, %parallel_loop3A_57 : i32
      %parallel_loop3A_59 = arith.index_cast %parallel_loop3A_58 : i32 to index
      %parallel_loop3A_60 = tpu.vector_load %arg7[%parallel_loop3A_59] {strides = array<i32>} : memref<32000xi32, #tpu.memory_space<vmem>>, vector<16xi32>,
      %parallel_loop3A_61 = arith.constant 65535 : i32
      %parallel_loop3A_62 = vector.broadcast %parallel_loop3A_61 : i32 to vector<16xi32>
      %parallel_loop3A_63 = arith.andi %parallel_loop3A_60, %parallel_loop3A_62 : vector<16xi32>
      %parallel_loop3A_64 = arith.constant 16 : i32
      %parallel_loop3A_65 = vector.broadcast %parallel_loop3A_64 : i32 to vector<16xi32>
      %parallel_loop3A_66 = arith.shrui %parallel_loop3A_60, %parallel_loop3A_65 : vector<16xi32>
      %parallel_loop3A_67 = arith.constant 0 : i32
      %parallel_loop3A_68 = vector.broadcast %parallel_loop3A_67 : i32 to vector<16xi32>
      %parallel_loop3A_69 = arith.addi %parallel_loop3A_63, %parallel_loop3A_68 : vector<16xi32>
      %parallel_loop3A_70 = tpu.vector_load_idx %arg5[%parallel_loop3A_69] : memref<40000xf32, #tpu.memory_space<vmem>>[vector<16xi32>], vector<16xf32>,
      %parallel_loop3A_71 = arith.constant 0 : i32
      %parallel_loop3A_72 = vector.broadcast %parallel_loop3A_71 : i32 to vector<16xi32>
      %parallel_loop3A_73 = arith.addi %parallel_loop3A_66, %parallel_loop3A_72 : vector<16xi32>
      tpu.vector_store_idx %arg6[%parallel_loop3A_73], %parallel_loop3A_70 {add = true} : memref<40000xf32, #tpu.memory_space<vmem>>[vector<16xi32>], vector<16xf32>,
      %parallel_loop3A_74 = arith.constant 1 : i32
      %parallel_loop3A_75 = vector.broadcast %parallel_loop3A_74 : i32 to vector<16xi32>
      %parallel_loop3A_76 = arith.addi %parallel_loop3A_63, %parallel_loop3A_75 : vector<16xi32>
      %parallel_loop3A_77 = tpu.vector_load_idx %arg5[%parallel_loop3A_76] : memref<40000xf32, #tpu.memory_space<vmem>>[vector<16xi32>], vector<16xf32>,
      %parallel_loop3A_78 = arith.constant 1 : i32
      %parallel_loop3A_79 = vector.broadcast %parallel_loop3A_78 : i32 to vector<16xi32>
      %parallel_loop3A_80 = arith.addi %parallel_loop3A_66, %parallel_loop3A_79 : vector<16xi32>
      tpu.vector_store_idx %arg6[%parallel_loop3A_80], %parallel_loop3A_77 {add = true} : memref<40000xf32, #tpu.memory_space<vmem>>[vector<16xi32>], vector<16xf32>,
      %parallel_loop3A_81 = arith.constant 2 : i32
      %parallel_loop3A_82 = vector.broadcast %parallel_loop3A_81 : i32 to vector<16xi32>
      %parallel_loop3A_83 = arith.addi %parallel_loop3A_63, %parallel_loop3A_82 : vector<16xi32>
      %parallel_loop3A_84 = tpu.vector_load_idx %arg5[%parallel_loop3A_83] : memref<40000xf32, #tpu.memory_space<vmem>>[vector<16xi32>], vector<16xf32>,
      %parallel_loop3A_85 = arith.constant 2 : i32
      %parallel_loop3A_86 = vector.broadcast %parallel_loop3A_85 : i32 to vector<16xi32>
      %parallel_loop3A_87 = arith.addi %parallel_loop3A_66, %parallel_loop3A_86 : vector<16xi32>
      tpu.vector_store_idx %arg6[%parallel_loop3A_87], %parallel_loop3A_84 {add = true} : memref<40000xf32, #tpu.memory_space<vmem>>[vector<16xi32>], vector<16xf32>,
      %parallel_loop3A_88 = arith.constant 3 : i32
      %parallel_loop3A_89 = vector.broadcast %parallel_loop3A_88 : i32 to vector<16xi32>
      %parallel_loop3A_90 = arith.addi %parallel_loop3A_63, %parallel_loop3A_89 : vector<16xi32>
      %parallel_loop3A_91 = tpu.vector_load_idx %arg5[%parallel_loop3A_90] : memref<40000xf32, #tpu.memory_space<vmem>>[vector<16xi32>], vector<16xf32>,
      %parallel_loop3A_92 = arith.constant 3 : i32
      %parallel_loop3A_93 = vector.broadcast %parallel_loop3A_92 : i32 to vector<16xi32>
      %parallel_loop3A_94 = arith.addi %parallel_loop3A_66, %parallel_loop3A_93 : vector<16xi32>
      tpu.vector_store_idx %arg6[%parallel_loop3A_94], %parallel_loop3A_91 {add = true} : memref<40000xf32, #tpu.memory_space<vmem>>[vector<16xi32>], vector<16xf32>,
    } {sc.loop_unroll_factor = 8 : i64, sc.parallel_access}
    %run_scoped3A_55 = arith.constant 0 : i32
    "tpu.region"() ({
      %run_scoped3A_56 = tpu.sem_alloc : memref<!tpu.dma_semaphore, #tpu.memory_space<semaphore_mem>>
      %dma_start3A = arith.constant 0 : i32
      %dma_start3A_57 = tpu.memref_slice %arg4[%add3A, %run_scoped3A_55, %dma_start3A] : memref<32x1x40000xf32, #tpu.memory_space<hbm>> -> memref<1x1x40000xf32, #tpu.memory_space<hbm>>
      %dma_start3A_58 = tpu.memref_squeeze %dma_start3A_57 : memref<1x1x40000xf32, #tpu.memory_space<hbm>> -> memref<40000xf32, #tpu.memory_space<hbm>>
      %dma_start3A_59 = arith.constant 0 : i32
      %dma_start3A_60 = tpu.memref_slice %arg4[%add3A, %run_scoped3A_55, %dma_start3A_59] : memref<32x1x40000xf32, #tpu.memory_space<hbm>> -> memref<1x1x40000xf32, #tpu.memory_space<hbm>>
      %dma_start3A_61 = tpu.memref_squeeze %dma_start3A_60 : memref<1x1x40000xf32, #tpu.memory_space<hbm>> -> memref<40000xf32, #tpu.memory_space<hbm>>
      tpu.enqueue_dma source(%arg6 : memref<40000xf32, #tpu.memory_space<vmem>>) target(%dma_start3A_61 : memref<40000xf32, #tpu.memory_space<hbm>>) target_semaphore(%run_scoped3A_56 : memref<!tpu.dma_semaphore, #tpu.memory_space<semaphore_mem>>)
      %dma_wait3A = arith.constant 0 : i32
      %dma_wait3A_62 = tpu.memref_slice %arg4[%add3A, %run_scoped3A_55, %dma_wait3A] : memref<32x1x40000xf32, #tpu.memory_space<hbm>> -> memref<1x1x40000xf32, #tpu.memory_space<hbm>>
      %dma_wait3A_63 = tpu.memref_squeeze %dma_wait3A_62 : memref<1x1x40000xf32, #tpu.memory_space<hbm>> -> memref<40000xf32, #tpu.memory_space<hbm>>
      %dma_wait3A_64 = arith.constant 0 : i32
      %dma_wait3A_65 = tpu.memref_slice %arg4[%add3A, %run_scoped3A_55, %dma_wait3A_64] : memref<32x1x40000xf32, #tpu.memory_space<hbm>> -> memref<1x1x40000xf32, #tpu.memory_space<hbm>>
      %dma_wait3A_66 = tpu.memref_squeeze %dma_wait3A_65 : memref<1x1x40000xf32, #tpu.memory_space<hbm>> -> memref<40000xf32, #tpu.memory_space<hbm>>
      tpu.wait_dma2 semaphore(%run_scoped3A_56 : memref<!tpu.dma_semaphore, #tpu.memory_space<semaphore_mem>>) src(%arg6 : memref<40000xf32, #tpu.memory_space<vmem>>) dst(%dma_wait3A_66 : memref<40000xf32, #tpu.memory_space<hbm>>)
      tpu.yield
    }) : () -> ()
    return
  }
}

</mosaic_0001>

<sc_bundles>
// kernel: _sc_scatter.3.cloned.1.call-start
scs
__scs_entry_jumppad:
0x0: {  	(pc) =	sbr.rel $0x88, $3  }
0x1: {  	(tag) =	ssettag $0x0;
	lr =	simm.s32 $0x1  }
0x2: {  	[smem:$0x3F9F] =	sst lr;
	_ =	strace $0xD0000000  }
0x3: {  	_ = 	snop  }
0x4: {  	_ = 	snop  }
0x5: {  	_ = 	snop  }
0x6: {  	_ = 	snop  }
0x7: {  	_ = 	snop  }
__scs_overlays_trampoline_lowered:
0x8: {  	[smem:$0x3FAE] =	sst s0  }
0x9: {  	[smem:$0x3FAF] =	sst s1  }
0xa: {  	[smem:$0x3FB0] =	sst s2  }
0xb: {  	[smem:$0x3FB1] =	sst s3  }
0xc: {  	[smem:$0x3FB2] =	sst s4  }
0xd: {  	[smem:$0x3FB3] =	sst s5  }
0xe: {  	[smem:$0x3FB4] =	sst s6  }
0xf: {  	[smem:$0x3FB5] =	sst s7  }
0x10: {  	[smem:$0x3FB6] =	sst s8  }
0x11: {  	[smem:$0x3FB7] =	sst s9;
	s0 =	simm.s32 @!p0 $0x0  }
0x12: {  	s1 =	sld [smem:$0x3F9D];
	s0 =	simm.s32 @p0 $0x1  }
0x13: {  	[smem:$0x3FB8] =	sst s0;
	s0 =	simm.s32 @!p1 $0x0  }
0x14: {  	s2 =	sld [smem:$0x3F9C];
	s0 =	simm.s32 @p1 $0x1  }
0x15: {  	[smem:$0x3FB9] =	sst s0;
	s0 =	simm.s32 @!p2 $0x0  }
0x16: {  	s3 =	sld [smem:$0x3FDB];
	s0 =	simm.s32 @p2 $0x1  }
0x17: {  	s4 =	simm.s32 $0x1BF5;
	[smem:$0x3FBB] =	sst s0  }
0x18: {  	s0 =	sld [smem:$0x3F9E];
	_ =	swait.ge [sflag:s4], $0x0  }
0x19: {  	s7 =	sld [smem:$0x3F9F]  }
0x1a: {  	s8 =	sadd.s32 $0xFFFFE003, lr  }
0x1b: {  	s9 =	sadd.s32 $0xFFFFFEF7, lr;
	s5 =	simm.s32 $0xFFFFFFFF;
	p2 =	slt.u32 s8, $0xFFFFF086  }
0x1c: {  	p1 =	slt.u32 s9, $0xF7A;
	s5 =	simm.s32 @!p2 $0x0  }
0x1d: {  	s5 =	simm.s32 @p1 $0x1;
	p0 =	seq.s32 s7, s2  }
0x1e: {  	s7 =	smul.u32 @!p0 $0xF7A, s2;
	p2 =	seq.s32 @!p0 s5, $0x0  }
0x1f: {  	s9 =	smul.u32 $0xF7A, s1;
	s8 =	simm.s32 @!p0 $0x1BF5;
	p2 =	por !p2, p0  }
0x20: {  	[sflag:s8] =	ssyncset.s32 @!p0 $0xFFFFF086;
	s6 =	sadd.s32 @!p0 s3, s7;
	s7 =	simm.s32 @!p0 $0x108  }
0x21: {  	s3 =	sadd.s32 s3, s9;
	s6 =	sadd.s32 @!p0 $0x88, s6;
	s7 =	simm.s32 @p2 $0x1082  }
0x22: {  	[simem:s7], [sflag:s8] =	dma.local @!p0 [hbm:s6], $0xF7A  }
0x23: {  	s9 =	sor.u32 $0xD0000000, s2;
	s6 =	simm.s32 $0x108;
	_ =	swait.ge @!p0 [sflag:s8], $0x0  }
0x24: {  	s3 =	sadd.s32 $0x88, s3;
	s6 =	simm.s32 @!p1 $0x1082;
	[sflag:s4] =	ssyncset.s32 $0xFFFFF086  }
0x25: {  	[simem:s6], [sflag:s4] =	dma.local [hbm:s3], $0xF7A  }
0x26: {  	[smem:$0x3F9F] =	sst s1;
	(tag) =	ssettag s2;
	_ =	strace s9  }
0x27: {  	s1 =	sld [smem:$0x3FAF]  }
0x28: {  	s2 =	sld [smem:$0x3FB0]  }
0x29: {  	s4 =	sld [smem:$0x3FB2]  }
0x2a: {  	p0 =	seq.s32 s5, $0x0;
	s5 =	sld [smem:$0x3FB3]  }
0x2b: {  	s6 =	sld [smem:$0x3FB4]  }
0x2c: {  	s7 =	sld [smem:$0x3FB5]  }
0x2d: {  	s3 =	simm.s32 $0x108;
	s8 =	sld [smem:$0x3FB6]  }
0x2e: {  	s3 =	simm.s32 @!p0 $0x1082;
	s9 =	sld [smem:$0x3FB7]  }
0x2f: {  	lr =	sadd.s32 s0, s3;
	s0 =	sld [smem:$0x3FAE]  }
0x30: {  	s3 =	sld [smem:$0x3FB1]  }
0x31: {  	[smem:$0x3FBA] =	sst s10  }
0x32: {  	s10 =	sld [smem:$0x3FB8];
	_ =	sdelay $0x3  }
0x33: {  	p0 =	seq.s32 s10, $0x1;
	s10 =	sld [smem:$0x3FBA];
	_ =	sdelay $0x3  }
0x34: {  	[smem:$0x3FBA] =	sst s10  }
0x35: {  	s10 =	sld [smem:$0x3FB9];
	_ =	sdelay $0x3  }
0x36: {  	p1 =	seq.s32 s10, $0x1;
	s10 =	sld [smem:$0x3FBA];
	_ =	sdelay $0x3  }
0x37: {  	[smem:$0x3FBA] =	sst s10  }
0x38: {  	s10 =	sld [smem:$0x3FBB]  }
0x39: {  	_ = 	snop;
	(pc) =	sbr.ind lr, $3  }
0x3a: {  	_ = 	snop  }
0x3b: {  	_ = 	snop  }
0x3c: {  	p2 =	seq.s32 s10, $0x1;
	s10 =	sld [smem:$0x3FBA]  }
0x3d: {  	_ =	shalt  }
0x3e: {  	_ =	shalt  }
0x3f: {  	_ =	shalt  }
0x40: {  	_ =	shalt  }
0x41: {  	_ =	shalt  }
0x42: {  	_ =	shalt  }
0x43: {  	_ =	shalt  }
0x44: {  	_ =	shalt  }
0x45: {  	_ =	shalt  }
0x46: {  	_ =	shalt  }
0x47: {  	_ =	shalt  }
0x48: {  	_ =	shalt  }
0x49: {  	_ =	shalt  }
0x4a: {  	_ =	shalt  }
0x4b: {  	_ =	shalt  }
0x4c: {  	_ =	shalt  }
0x4d: {  	_ =	shalt  }
0x4e: {  	_ =	shalt  }
0x4f: {  	_ =	shalt  }
0x50: {  	_ =	shalt  }
0x51: {  	_ =	shalt  }
0x52: {  	_ =	shalt  }
0x53: {  	_ =	shalt  }
0x54: {  	_ =	shalt  }
0x55: {  	_ =	shalt  }
0x56: {  	_ =	shalt  }
0x57: {  	_ =	shalt  }
0x58: {  	_ =	shalt  }
0x59: {  	_ =	shalt  }
0x5a: {  	_ =	shalt  }
0x5b: {  	_ =	shalt  }
0x5c: {  	_ =	shalt  }
0x5d: {  	_ =	shalt  }
0x5e: {  	_ =	shalt  }
0x5f: {  	_ =	shalt  }
0x60: {  	_ =	shalt  }
0x61: {  	_ =	shalt  }
0x62: {  	_ =	shalt  }
0x63: {  	_ =	shalt  }
0x64: {  	_ =	shalt  }
0x65: {  	_ =	shalt  }
0x66: {  	_ =	shalt  }
0x67: {  	_ =	shalt  }
0x68: {  	_ =	shalt  }
0x69: {  	_ =	shalt  }
0x6a: {  	_ =	shalt  }
0x6b: {  	_ =	shalt  }
0x6c: {  	_ =	shalt  }
0x6d: {  	_ =	shalt  }
0x6e: {  	_ =	shalt  }
0x6f: {  	_ =	shalt  }
0x70: {  	_ =	shalt  }
0x71: {  	_ =	shalt  }
0x72: {  	_ =	shalt  }
0x73: {  	_ =	shalt  }
0x74: {  	_ =	shalt  }
0x75: {  	_ =	shalt  }
0x76: {  	_ =	shalt  }
0x77: {  	_ =	shalt  }
0x78: {  	_ =	shalt  }
0x79: {  	_ =	shalt  }
0x7a: {  	_ =	shalt  }
0x7b: {  	_ =	shalt  }
0x7c: {  	_ =	shalt  }
0x7d: {  	_ =	shalt  }
0x7e: {  	_ =	shalt  }
0x7f: {  	_ =	shalt  }
0x80: {  	_ =	shalt  }
0x81: {  	_ =	shalt  }
0x82: {  	_ =	shalt  }
0x83: {  	_ =	shalt  }
0x84: {  	_ =	shalt  }
0x85: {  	_ =	shalt  }
0x86: {  	_ =	shalt  }
0x87: {  	_ =	shalt  }
.Lfunc_end0:
.L_simem_size_0:
called_computation_lowered:
.L_overlay_start_0:
0x88: {  	s2 =	sld [smem:$0x3FD9]  }
0x89: {  	s3 =	sld [smem:$0x3FFE];
	_ =	sdelay $0x1  }
0x8a: {  	s1 =	srdreg.scid  }
0x8b: {  	s0 =	sand.u32 $0x1, s1  }
0x8c: {  	s18 =	sshll.u32 s0, $0xA;
	s2 =	sadd.s32 s3, s2  }
0x8d: {  	s2 =	sadd.s32 s2, s18  }
0x8e: {  	[smem:$0x3FC6] =	sst s2  }
0x8f: {  	_ = 	snop  }
0x90: {  	s2 =	sld [smem:$0x3FC9]  }
0x91: {  	s19 =	sld [smem:$0x3FC8]  }
0x92: {  	s4 =	sld [smem:$0x3FD0];
	(tm) =	ssettm $0x1  }
0x93: {  	s5 =	sld [smem:$0x3FFB];
	_ =	sdelay $0x3  }
0x94: {  	_ =	strace s5  }
0x95: {  	s5 =	sld [smem:$0x3FFC];
	_ =	sdelay $0x3  }
0x96: {  	_ =	strace s5  }
0x97: {  	s5 =	sld [smem:$0x3FFD];
	_ =	sdelay $0x3  }
0x98: {  	_ =	strace s5  }
0x99: {  	_ =	strace $0x8FFFFFFF  }
0x9a: {  	s20 =	sld [smem:$0x3FDB];
	_ =	sdelay $0x1  }
0x9b: {  	s6 =	simm.s32 $_scs_section_size  }
0x9c: {  	s7 =	simm.s32 $_size__tile_overlayer_lowered;
	s8 =	simm.s32 $_tile_overlayer_lowered  }
0x9d: {  	s23 =	simm.s32 $0x1BFF;
	s22 =	sshll.u32 s8, $0x1;
	s5 =	sadd.s32 s6, s20  }
0x9e: {  	s9 =	simm.s32 $0x0;
	s21 =	sshll.u32 s7, $0x1;
	s7 =	sadd.s32 s22, s5  }
0x9f: {  	[timem:s9], [sflag:s23] =	dma.local [hbm:s7], s21  }
0xa0: {  	_ =	swait.ge [sflag:s23], s21  }
0xa1: {  	s6 =	ssub.s32 $0x0, s21;
	[sflag:s23] =	ssyncset.done $0x0  }
0xa2: {  	[sflag:s23] =	ssyncadd.s32 s6;
	_ =	sdelay $0x1  }
0xa3: {  	s24 =	simm.s32 $0x1B8B  }
0xa4: {  	_ =	swait.ge [sflag:s24], $0x1  }
0xa5: {  	[sflag:s24] =	ssyncset.done $0x0  }
0xa6: {  	s25 =	simm.s32 $0x1B8E;
	[sflag:s24] =	ssyncadd.s32 $0xFFFFFFFF  }
0xa7: {  	s26 =	simm.s32 $execute0_lowered;
	[smem:$0x3FD2] =	sst s25  }
0xa8: {  	s6 =	sshll.u32 s26, $0x1;
	_ =	strace $0x80000046;
	[dreg:$0x1] =	wrdreg $0xFFFFFFFF  }
0xa9: {  	s28 =	simm.s32 $_size_execute0_lowered;
	s5 =	sadd.s32 s5, s6;
	[dreg:$0x0] =	wrdreg $0x0  }
0xaa: {  	s6 =	sshll.u32 s28, $0x1;
	[dreg:$0x2] =	wrdreg s5  }
0xab: {  	[dreg:$0x3] =	wrdreg s6  }
0xac: {  	[dreg:$0x4] =	wrdreg $0xC0  }
0xad: {  	_ =	task [dreg:s9], $0x5FFFF  }
0xae: {  	[dreg:$0x1] =	wrdreg $0xFFFFFFFF  }
0xaf: {  	[dreg:$0x0] =	wrdreg $0x60  }
0xb0: {  	[dreg:$0x2] =	wrdreg s2  }
0xb1: {  	[dreg:$0x3] =	wrdreg s19  }
0xb2: {  	[dreg:$0x4] =	wrdreg s4  }
0xb3: {  	[dreg:$0x5] =	wrdreg $0x9  }
0xb4: {  	_ =	task.clear_ibuf [dreg:s9], $0x6FFFF;
	_ =	strace $0x90000046  }
0xb5: {  	s29 =	simm.s32 $0x9;
	_ =	strace $0x80000048  }
0xb6: {  	_ =	swait.ge [sflag:s29], $0x1  }
0xb7: {  	[sflag:s29] =	ssyncadd.s32 $0xFFFFFFFF  }
0xb8: {  	_ =	strace $0x90000048  }
0xb9: {  	_ =	sfence  }
0xba: {  	s30 =	sld [smem:$0x0];
	_ =	sdelay $0x2  }
0xbb: {  	s31 =	sshll.u32 s1, $0xD;
	s1 =	sshrl.u32 s1, $0x2  }
0xbc: {  	s3 =	sand.u32 $0x4000, s31;
	s1 =	sadd.s32 s1, s30  }
0xbd: {  	s0 =	sor.u32 s3, s0;
	s1 =	sshll.u32 s1, $0x11  }
0xbe: {  	s0 =	sor.u32 s1, s0  }
0xbf: {  	s0 =	sadd.s32 $0x8F2B, s0  }
0xc0: {  	[sflag:s0] =	ssyncadd.remote.s32 $0x1  }
0xc1: {  	_ =	sfence.sel $0xFFFF  }
0xc2: {  	[dreg:$0x0] =	wrdreg $0xFFFFFFFF;
	(pc) =	sbr.abs _section_cstart, $3  }
0xc3: {  	[dreg:$0x1] =	wrdreg $0xFFFFFFFF  }
0xc4: {  	_ =	task.clear_ibuf [dreg:s9], $0x2FFFF;
	_ =	strace $0x9FFFFFFF  }
0xc5: {  	(tm) =	ssettm $0x7FFFFFFF  }
tec
execute0_lowered:
.L_overlay_start_1:
0x0: {  	(tag) =	ssettag $0x1  }
0x1: {  	s4 =	rddreg [dreg:$0x0]  }
0x2: {  	s0 =	srdreg.scid;
	s2 =	rddreg [dreg:$0x1]  }
0x3: {  	s14 =	rddreg [dreg:$0x2];
	s1 =	stileid.u32  }
0x4: {  	s17 =	simm.s32 $0x13900;
	s18 =	simm.s32 $0x9C80;
	s19 =	simm.s32 $0x0  }
0x5: {  	s5 =	sand.u32 $0x1, s0;
	s0 =	rddreg [dreg:$0x3];
	s7 =	sadd.s32 $0x2EE0, s2  }
0x6: {  	s8 =	sadd.s32 $0x3E80, s2;
	s9 =	sadd.s32 $0x4E20, s2;
	s10 =	sadd.s32 $0x5DC0, s2  }
0x7: {  	s11 =	sadd.s32 $0x6D60, s2;
	s12 =	sadd.s32 $0x7D00, s2;
	s3 =	sshll.u32 s5, $0x4  }
0x8: {  	s13 =	sadd.s32 $0x8CA0, s2;
	s5 =	ssub.s32 $0x2, s5;
	s6 =	sor.u32 s1, s3  }
0x9: {  	s3 =	simm.s32 $0x0;
	s31 =	sshrl.u32 s5, $0x1;
	s15 =	smul.u32 $0x1390, s6  }
0xa: {  	[smem:$0x7FF] =	sst s3;
	s16 =	ssub.s32 s5, s31;
	s5 =	sadd.s32 $0xFA0, s2  }
0xb: {  	s6 =	sadd.s32 $0x1F40, s2;
	_ =	strace $0x80000047;
	s4 =	sadd.s32 s4, s15  }
0xc: {  	v0 =	vimm.f32 $0.0e+00;
	s14 =	sadd.s32 s14, s15;
	s15 =	smax.u32 s16, $0x1;
	s16 =	simm.s32 $0x1  }
.LBB2_1:
0xd: {  	[tilespmem:s3], [sflag:$0x1] =	stream.linear.gather [hbm4b:s4+s3], $0x9C80, $0x38;
	[tilespmem:$0x1B600] =	vst v63  }
0xe: {  	_ =	swait.ge [sflag:s16], $0x9C80  }
0xf: {  	[sflag:s16] =	ssyncset.done $0x0  }
0x10: {  	s20 =	simm.s32 $0x40;
	s21 =	simm.s32 $0x0;
	[sflag:s16] =	ssyncadd.s32 $0xFFFF6380  }
.LBB2_2:
0x11: {  	p0 =	sne.s32 s20, $0x270C0;
	[tilespmem:s21+$0x9C80] =	vst v0;
	s21 =	smov.u32 s20;
	s20 =	sadd.s32 $0x40, s20  }
.Ltmp0:
0x12: {  	(pc) =	sbr.rel @p0 .LBB2_2-.Ltmp0, $2  }
0x13: {  	_ =	sdelay $0x2  }
0x14: {  	s21 =	sshra.s32 s21, $0x2  }
0x15: {  	[tilespmem:s21+$0x9C80] =	vst v0  }
0x16: {  	[tilespmem:s17], [sflag:$0x1] =	stream.linear.gather [hbm4b:s2+s3], $0x7D00, $0x38;
	[tilespmem:$0x1B600] =	vst v63  }
0x17: {  	_ =	swait.ge [sflag:s16], $0x7D00  }
0x18: {  	[sflag:s16] =	ssyncset.done $0x0  }
0x19: {  	s20 =	simm.s32 $0x13940;
	[sflag:s16] =	ssyncadd.s32 $0xFFFF8300  }
0x1a: {  	v1 =	vld [tilespmem:s20+$0x30]  }
0x1b: {  	v2 =	vld [tilespmem:s20+$0xFFFFFFD0]  }
0x1c: {  	v3 =	vld [tilespmem:s20+$0xFFFFFFE0]  }
0x1d: {  	v4 =	vld [tilespmem:s20+$0xFFFFFFF0]  }
0x1e: {  	v5 =	vld [tilespmem:s20+$0x0]  }
0x1f: {  	v6 =	vld [tilespmem:s20+$0x10];
	v7 =	vand.u32 $0xFFFF, v1  }
0x20: {  	v10 =	vld [tilespmem:s20+$0xFFFFFFC0];
	v8 =	vand.u32 $0xFFFF, v2  }
0x21: {  	v12 =	vld [tilespmem:s20+$0x20];
	v9 =	vand.u32 $0xFFFF, v3  }
0x22: {  	v11 =	vand.u32 $0xFFFF, v4  }
0x23: {  	v13 =	vand.u32 $0xFFFF, v5  }
0x24: {  	v14 =	vand.u32 $0xFFFF, v6;
	v15 =	vld.idx.msk [tilespmem:v7+s3+$0x0], $0xffff  }
0x25: {  	v19 =	vand.u32 $0xFFFF, v10;
	v16 =	vld.idx.msk [tilespmem:v8+s3+$0x0], $0xffff  }
0x26: {  	v21 =	vand.u32 $0xFFFF, v12;
	v17 =	vld.idx.msk [tilespmem:v9+s3+$0x0], $0xffff  }
0x27: {  	v1 =	vshrl.u32 v1, $0x10;
	v20 =	vld.idx.msk [tilespmem:v11+s3+$0x0], $0xffff  }
0x28: {  	v2 =	vshrl.u32 v2, $0x10;
	v22 =	vld.idx.msk [tilespmem:v13+s3+$0x0], $0xffff  }
0x29: {  	v3 =	vshrl.u32 v3, $0x10;
	v23 =	vld.idx.msk [tilespmem:v14+s3+$0x0], $0xffff  }
0x2a: {  	v4 =	vshrl.u32 v4, $0x10;
	v63 =	vld.idx.msk [tilespmem:v19+s3+$0x0], $0xffff  }
0x2b: {  	v10 =	vshrl.u32 v10, $0x10;
	v25 =	vld.idx.msk [tilespmem:v21+s3+$0x0], $0xffff  }
0x2c: {  	v5 =	vshrl.u32 v5, $0x10;
	[tilespmem:v1+s18+$0x0] =	vst.idx.add.f32.msk $0xffff, v15  }
0x2d: {  	v6 =	vshrl.u32 v6, $0x10;
	[tilespmem:v2+s18+$0x0] =	vst.idx.add.f32.msk $0xffff, v16  }
0x2e: {  	v12 =	vshrl.u32 v12, $0x10;
	[tilespmem:v3+s18+$0x0] =	vst.idx.add.f32.msk $0xffff, v17  }
0x2f: {  	v18 =	vadd.s32 $0x1, v7;
	[tilespmem:v4+s18+$0x0] =	vst.idx.add.f32.msk $0xffff, v20  }
0x30: {  	v31 =	vadd.s32 $0x1, v8;
	[tilespmem:v10+s18+$0x0] =	vst.idx.add.f32.msk $0xffff, v63  }
0x31: {  	v32 =	vadd.s32 $0x1, v9;
	[tilespmem:v5+s18+$0x0] =	vst.idx.add.f32.msk $0xffff, v22  }
0x32: {  	v33 =	vadd.s32 $0x1, v11;
	[tilespmem:v6+s18+$0x0] =	vst.idx.add.f32.msk $0xffff, v23  }
0x33: {  	v34 =	vadd.s32 $0x1, v13;
	[tilespmem:v12+s18+$0x0] =	vst.idx.add.f32.msk $0xffff, v25  }
0x34: {  	v35 =	vadd.s32 $0x1, v14;
	v15 =	vld.idx.msk [tilespmem:v18+s3+$0x0], $0xffff  }
0x35: {  	v24 =	vadd.s32 $0x1, v1;
	v36 =	vld.idx.msk [tilespmem:v31+s3+$0x0], $0xffff  }
0x36: {  	v28 =	vadd.s32 $0x1, v19;
	v20 =	vld.idx.msk [tilespmem:v32+s3+$0x0], $0xffff  }
0x37: {  	v26 =	vadd.s32 $0x2, v7;
	v22 =	vld.idx.msk [tilespmem:v33+s3+$0x0], $0xffff  }
0x38: {  	v39 =	vadd.s32 $0x1, v2;
	v23 =	vld.idx.msk [tilespmem:v34+s3+$0x0], $0xffff  }
0x39: {  	v40 =	vadd.s32 $0x1, v3;
	v16 =	vld.idx.msk [tilespmem:v35+s3+$0x0], $0xffff  }
0x3a: {  	v27 =	vadd.s32 $0x1, v4;
	[tilespmem:v24+s18+$0x0] =	vst.idx.add.f32.msk $0xffff, v15  }
0x3b: {  	v41 =	vadd.s32 $0x1, v6;
	v15 =	vld.idx.msk [tilespmem:v28+s3+$0x0], $0xffff  }
0x3c: {  	v30 =	vadd.s32 $0x2, v1;
	v29 =	vld.idx.msk [tilespmem:v26+s3+$0x0], $0xffff  }
0x3d: {  	v7 =	vadd.s32 $0x3, v7;
	[tilespmem:v39+s18+$0x0] =	vst.idx.add.f32.msk $0xffff, v36  }
0x3e: {  	v44 =	vadd.s32 $0x2, v8;
	[tilespmem:v40+s18+$0x0] =	vst.idx.add.f32.msk $0xffff, v20  }
0x3f: {  	v45 =	vadd.s32 $0x2, v9;
	[tilespmem:v27+s18+$0x0] =	vst.idx.add.f32.msk $0xffff, v22  }
0x40: {  	v38 =	vadd.s32 $0x1, v10;
	[tilespmem:v41+s18+$0x0] =	vst.idx.add.f32.msk $0xffff, v16  }
0x41: {  	v43 =	vadd.s32 $0x2, v19;
	[tilespmem:v30+s18+$0x0] =	vst.idx.add.f32.msk $0xffff, v29  }
0x42: {  	v1 =	vadd.s32 $0x3, v1;
	v7 =	vld.idx.msk [tilespmem:v7+s3+$0x0], $0xffff  }
0x43: {  	v37 =	vadd.s32 $0x1, v21;
	v49 =	vld.idx.msk [tilespmem:v44+s3+$0x0], $0xffff  }
0x44: {  	v51 =	vadd.s32 $0x2, v2;
	v22 =	vld.idx.msk [tilespmem:v45+s3+$0x0], $0xffff  }
0x45: {  	v52 =	vadd.s32 $0x2, v3;
	[tilespmem:v38+s18+$0x0] =	vst.idx.add.f32.msk $0xffff, v15  }
0x46: {  	v8 =	vadd.s32 $0x3, v8;
	v47 =	vld.idx.msk [tilespmem:v43+s3+$0x0], $0xffff  }
0x47: {  	[tilespmem:v1+s18+$0x0] =	vst.idx.add.f32.msk $0xffff, v7;
	v1 =	vadd.s32 $0x1, v5  }
0x48: {  	v42 =	vadd.s32 $0x1, v12;
	v7 =	vld.idx.msk [tilespmem:v37+s3+$0x0], $0xffff  }
0x49: {  	v50 =	vadd.s32 $0x2, v10;
	[tilespmem:v51+s18+$0x0] =	vst.idx.add.f32.msk $0xffff, v49  }
0x4a: {  	v57 =	vadd.s32 $0x3, v19;
	[tilespmem:v52+s18+$0x0] =	vst.idx.add.f32.msk $0xffff, v22  }
0x4b: {  	v2 =	vadd.s32 $0x3, v2;
	v8 =	vld.idx.msk [tilespmem:v8+s3+$0x0], $0xffff  }
0x4c: {  	[tilespmem:v1+s18+$0x0] =	vst.idx.add.f32.msk $0xffff, v23;
	v1 =	vadd.s32 $0x2, v11  }
0x4d: {  	[tilespmem:v42+s18+$0x0] =	vst.idx.add.f32.msk $0xffff, v7;
	v7 =	vadd.s32 $0x2, v14  }
0x4e: {  	v46 =	vadd.s32 $0x2, v13;
	[tilespmem:v50+s18+$0x0] =	vst.idx.add.f32.msk $0xffff, v47  }
0x4f: {  	v48 =	vadd.s32 $0x2, v21;
	v60 =	vld.idx.msk [tilespmem:v57+s3+$0x0], $0xffff  }
0x50: {  	v10 =	vadd.s32 $0x3, v10;
	[tilespmem:v2+s18+$0x0] =	vst.idx.add.f32.msk $0xffff, v8  }
0x51: {  	v53 =	vadd.s32 $0x2, v4;
	v1 =	vld.idx.msk [tilespmem:v1+s3+$0x0], $0xffff  }
0x52: {  	v55 =	vadd.s32 $0x2, v6;
	v7 =	vld.idx.msk [tilespmem:v7+s3+$0x0], $0xffff  }
0x53: {  	v54 =	vadd.s32 $0x2, v5;
	v16 =	vld.idx.msk [tilespmem:v46+s3+$0x0], $0xffff  }
0x54: {  	v56 =	vadd.s32 $0x2, v12;
	v17 =	vld.idx.msk [tilespmem:v48+s3+$0x0], $0xffff  }
0x55: {  	v58 =	vadd.s32 $0x3, v11;
	[tilespmem:v10+s18+$0x0] =	vst.idx.add.f32.msk $0xffff, v60  }
0x56: {  	[tilespmem:v53+s18+$0x0] =	vst.idx.add.f32.msk $0xffff, v1;
	v1 =	vadd.s32 $0x3, v9  }
0x57: {  	[tilespmem:v55+s18+$0x0] =	vst.idx.add.f32.msk $0xffff, v7;
	v7 =	vadd.s32 $0x3, v13  }
0x58: {  	v61 =	vadd.s32 $0x3, v21;
	[tilespmem:v54+s18+$0x0] =	vst.idx.add.f32.msk $0xffff, v16  }
0x59: {  	v59 =	vadd.s32 $0x3, v14;
	[tilespmem:v56+s18+$0x0] =	vst.idx.add.f32.msk $0xffff, v17  }
0x5a: {  	v63 =	vadd.s32 $0x3, v4;
	v9 =	vld.idx.msk [tilespmem:v58+s3+$0x0], $0xffff  }
0x5b: {  	v62 =	vadd.s32 $0x3, v3;
	v1 =	vld.idx.msk [tilespmem:v1+s3+$0x0], $0xffff  }
0x5c: {  	v5 =	vadd.s32 $0x3, v5;
	v7 =	vld.idx.msk [tilespmem:v7+s3+$0x0], $0xffff  }
0x5d: {  	v3 =	vld.idx.msk [tilespmem:v61+s3+$0x0], $0xffff  }
0x5e: {  	v4 =	vld.idx.msk [tilespmem:v59+s3+$0x0], $0xffff  }
0x5f: {  	[tilespmem:v63+s18+$0x0] =	vst.idx.add.f32.msk $0xffff, v9  }
0x60: {  	[tilespmem:v62+s18+$0x0] =	vst.idx.add.f32.msk $0xffff, v1  }
0x61: {  	s21 =	simm.s32 $0x139C0;
	s20 =	simm.s32 $0x0;
	v2 =	vadd.s32 $0x3, v6;
	v1 =	vadd.s32 $0x3, v12;
	[tilespmem:v5+s18+$0x0] =	vst.idx.add.f32.msk $0xffff, v7  }
.LBB2_4:
0x62: {  	v5 =	vld [tilespmem:s21+$0x30];
	s20 =	sadd.s32 $0x8, s20  }
0x63: {  	v6 =	vld [tilespmem:s21+$0xFFFFFFD0];
	p0 =	slt.u32 s20, $0x7C8  }
0x64: {  	v7 =	vld [tilespmem:s21+$0xFFFFFFE0]  }
0x65: {  	v8 =	vld [tilespmem:s21+$0xFFFFFFF0]  }
0x66: {  	v9 =	vld [tilespmem:s21+$0x0]  }
0x67: {  	v10 =	vld [tilespmem:s21+$0x10];
	v11 =	vand.u32 $0xFFFF, v5  }
0x68: {  	v12 =	vand.u32 $0xFFFF, v6;
	v6 =	vshrl.u32 v6, $0x10;
	v13 =	vld [tilespmem:s21+$0x20]  }
0x69: {  	v14 =	vld [tilespmem:s21+$0xFFFFFFC0];
	v15 =	vadd.s32 $0x1, v12;
	v16 =	vand.u32 $0xFFFF, v7;
	v7 =	vshrl.u32 v7, $0x10  }
0x6a: {  	v17 =	vadd.s32 $0x1, v16;
	v18 =	vand.u32 $0xFFFF, v8;
	v8 =	vshrl.u32 v8, $0x10;
	[tilespmem:v2+s18+$0x0] =	vst.idx.add.f32.msk $0xffff, v4  }
0x6b: {  	v4 =	vadd.s32 $0x1, v18;
	v2 =	vand.u32 $0xFFFF, v9;
	v9 =	vshrl.u32 v9, $0x10;
	[tilespmem:v1+s18+$0x0] =	vst.idx.add.f32.msk $0xffff, v3  }
0x6c: {  	v3 =	vadd.s32 $0x1, v2;
	v1 =	vand.u32 $0xFFFF, v10;
	v10 =	vshrl.u32 v10, $0x10;
	v19 =	vld.idx.msk [tilespmem:v11+s3+$0x0], $0xffff  }
0x6d: {  	v5 =	vshrl.u32 v5, $0x10;
	v20 =	vld.idx.msk [tilespmem:v12+s3+$0x0], $0xffff;
	v21 =	vand.u32 $0xFFFF, v13;
	v13 =	vshrl.u32 v13, $0x10  }
0x6e: {  	v24 =	vadd.s32 $0x1, v11;
	v22 =	vand.u32 $0xFFFF, v14;
	v14 =	vshrl.u32 v14, $0x10;
	v23 =	vld.idx.msk [tilespmem:v16+s3+$0x0], $0xffff  }
0x6f: {  	v27 =	vadd.s32 $0x1, v1;
	v28 =	vadd.s32 $0x1, v21;
	v25 =	vadd.s32 $0x1, v22;
	v26 =	vld.idx.msk [tilespmem:v18+s3+$0x0], $0xffff  }
0x70: {  	v30 =	vadd.s32 $0x1, v6;
	v31 =	vadd.s32 $0x1, v7;
	v29 =	vadd.s32 $0x1, v14;
	v32 =	vld.idx.msk [tilespmem:v2+s3+$0x0], $0xffff  }
0x71: {  	v33 =	vadd.s32 $0x1, v8;
	v34 =	vadd.s32 $0x1, v9;
	v36 =	vadd.s32 $0x1, v10;
	v35 =	vld.idx.msk [tilespmem:v1+s3+$0x0], $0xffff  }
0x72: {  	v38 =	vadd.s32 $0x2, v12;
	v39 =	vadd.s32 $0x1, v13;
	v37 =	vadd.s32 $0x2, v22;
	[tilespmem:v5+s18+$0x0] =	vst.idx.add.f32.msk $0xffff, v19  }
0x73: {  	v40 =	vadd.s32 $0x2, v18;
	v41 =	vadd.s32 $0x2, v2;
	v19 =	vadd.s32 $0x2, v16;
	v24 =	vld.idx.msk [tilespmem:v24+s3+$0x0], $0xffff  }
0x74: {  	v45 =	vadd.s32 $0x1, v5;
	v43 =	vadd.s32 $0x2, v1;
	v44 =	vadd.s32 $0x2, v21;
	v42 =	vld.idx.msk [tilespmem:v22+s3+$0x0], $0xffff  }
0x75: {  	v49 =	vadd.s32 $0x2, v11;
	v47 =	vadd.s32 $0x2, v6;
	v46 =	vadd.s32 $0x2, v14;
	v48 =	vld.idx.msk [tilespmem:v21+s3+$0x0], $0xffff  }
0x76: {  	v50 =	vadd.s32 $0x2, v8;
	v51 =	vadd.s32 $0x2, v9;
	[tilespmem:v6+s18+$0x0] =	vst.idx.add.f32.msk $0xffff, v20;
	v20 =	vadd.s32 $0x2, v7  }
0x77: {  	v52 =	vadd.s32 $0x2, v13;
	v22 =	vadd.s32 $0x3, v22;
	[tilespmem:v7+s18+$0x0] =	vst.idx.add.f32.msk $0xffff, v23;
	v23 =	vadd.s32 $0x2, v10  }
0x78: {  	v12 =	vadd.s32 $0x3, v12;
	v18 =	vadd.s32 $0x3, v18;
	v16 =	vadd.s32 $0x3, v16;
	[tilespmem:v8+s18+$0x0] =	vst.idx.add.f32.msk $0xffff, v26  }
0x79: {  	v53 =	vadd.s32 $0x3, v1;
	v21 =	vadd.s32 $0x3, v21;
	v26 =	vadd.s32 $0x3, v2;
	[tilespmem:v45+s18+$0x0] =	vst.idx.add.f32.msk $0xffff, v24  }
0x7a: {  	v6 =	vadd.s32 $0x3, v6;
	v7 =	vadd.s32 $0x3, v7;
	v24 =	vadd.s32 $0x3, v14;
	v45 =	vld.idx.msk [tilespmem:v49+s3+$0x0], $0xffff  }
0x7b: {  	v8 =	vadd.s32 $0x3, v8;
	[tilespmem:v14+s18+$0x0] =	vst.idx.add.f32.msk $0xffff, v42;
	v14 =	vadd.s32 $0x3, v9;
	v42 =	vadd.s32 $0x2, v5  }
0x7c: {  	v1 =	vadd.s32 $0x3, v13;
	v2 =	vadd.s32 $0x3, v10;
	[tilespmem:v9+s18+$0x0] =	vst.idx.add.f32.msk $0xffff, v32;
	v9 =	vadd.s32 $0x3, v11  }
0x7d: {  	[tilespmem:v10+s18+$0x0] =	vst.idx.add.f32.msk $0xffff, v35  }
0x7e: {  	[tilespmem:v13+s18+$0x0] =	vst.idx.add.f32.msk $0xffff, v48  }
0x7f: {  	v10 =	vld.idx.msk [tilespmem:v25+s3+$0x0], $0xffff  }
0x80: {  	[tilespmem:v42+s18+$0x0] =	vst.idx.add.f32.msk $0xffff, v45  }
0x81: {  	v9 =	vld.idx.msk [tilespmem:v9+s3+$0x0], $0xffff  }
0x82: {  	v5 =	vadd.s32 $0x3, v5;
	v11 =	vld.idx.msk [tilespmem:v15+s3+$0x0], $0xffff  }
0x83: {  	v13 =	vld.idx.msk [tilespmem:v17+s3+$0x0], $0xffff  }
0x84: {  	v4 =	vld.idx.msk [tilespmem:v4+s3+$0x0], $0xffff  }
0x85: {  	v3 =	vld.idx.msk [tilespmem:v3+s3+$0x0], $0xffff  }
0x86: {  	v15 =	vld.idx.msk [tilespmem:v27+s3+$0x0], $0xffff  }
0x87: {  	[tilespmem:v5+s18+$0x0] =	vst.idx.add.f32.msk $0xffff, v9  }
0x88: {  	v5 =	vld.idx.msk [tilespmem:v28+s3+$0x0], $0xffff  }
0x89: {  	[tilespmem:v29+s18+$0x0] =	vst.idx.add.f32.msk $0xffff, v10  }
0x8a: {  	[tilespmem:v30+s18+$0x0] =	vst.idx.add.f32.msk $0xffff, v11  }
0x8b: {  	[tilespmem:v31+s18+$0x0] =	vst.idx.add.f32.msk $0xffff, v13  }
0x8c: {  	[tilespmem:v33+s18+$0x0] =	vst.idx.add.f32.msk $0xffff, v4  }
0x8d: {  	[tilespmem:v34+s18+$0x0] =	vst.idx.add.f32.msk $0xffff, v3  }
0x8e: {  	[tilespmem:v36+s18+$0x0] =	vst.idx.add.f32.msk $0xffff, v15  }
0x8f: {  	[tilespmem:v39+s18+$0x0] =	vst.idx.add.f32.msk $0xffff, v5  }
0x90: {  	v3 =	vld.idx.msk [tilespmem:v37+s3+$0x0], $0xffff  }
0x91: {  	v4 =	vld.idx.msk [tilespmem:v38+s3+$0x0], $0xffff  }
0x92: {  	v5 =	vld.idx.msk [tilespmem:v19+s3+$0x0], $0xffff  }
0x93: {  	v9 =	vld.idx.msk [tilespmem:v40+s3+$0x0], $0xffff  }
0x94: {  	v10 =	vld.idx.msk [tilespmem:v41+s3+$0x0], $0xffff  }
0x95: {  	v11 =	vld.idx.msk [tilespmem:v43+s3+$0x0], $0xffff  }
0x96: {  	v13 =	vld.idx.msk [tilespmem:v44+s3+$0x0], $0xffff  }
0x97: {  	[tilespmem:v46+s18+$0x0] =	vst.idx.add.f32.msk $0xffff, v3  }
0x98: {  	[tilespmem:v47+s18+$0x0] =	vst.idx.add.f32.msk $0xffff, v4  }
0x99: {  	[tilespmem:v20+s18+$0x0] =	vst.idx.add.f32.msk $0xffff, v5  }
0x9a: {  	[tilespmem:v50+s18+$0x0] =	vst.idx.add.f32.msk $0xffff, v9  }
0x9b: {  	[tilespmem:v51+s18+$0x0] =	vst.idx.add.f32.msk $0xffff, v10  }
0x9c: {  	[tilespmem:v23+s18+$0x0] =	vst.idx.add.f32.msk $0xffff, v11  }
0x9d: {  	[tilespmem:v52+s18+$0x0] =	vst.idx.add.f32.msk $0xffff, v13  }
0x9e: {  	v5 =	vld.idx.msk [tilespmem:v22+s3+$0x0], $0xffff  }
0x9f: {  	v9 =	vld.idx.msk [tilespmem:v12+s3+$0x0], $0xffff  }
0xa0: {  	v10 =	vld.idx.msk [tilespmem:v16+s3+$0x0], $0xffff  }
0xa1: {  	v11 =	vld.idx.msk [tilespmem:v18+s3+$0x0], $0xffff  }
0xa2: {  	v12 =	vld.idx.msk [tilespmem:v26+s3+$0x0], $0xffff  }
0xa3: {  	v4 =	vld.idx.msk [tilespmem:v53+s3+$0x0], $0xffff  }
0xa4: {  	v3 =	vld.idx.msk [tilespmem:v21+s3+$0x0], $0xffff  }
.Ltmp1:
0xa5: {  	[tilespmem:v24+s18+$0x0] =	vst.idx.add.f32.msk $0xffff, v5;
	(pc) =	sbr.rel @p0 .LBB2_4-.Ltmp1, $4  }
0xa6: {  	[tilespmem:v6+s18+$0x0] =	vst.idx.add.f32.msk $0xffff, v9  }
0xa7: {  	[tilespmem:v7+s18+$0x0] =	vst.idx.add.f32.msk $0xffff, v10  }
0xa8: {  	[tilespmem:v8+s18+$0x0] =	vst.idx.add.f32.msk $0xffff, v11  }
0xa9: {  	s21 =	sadd.s32 $0x80, s21;
	[tilespmem:v14+s18+$0x0] =	vst.idx.add.f32.msk $0xffff, v12  }
0xaa: {  	_ =	sdelay $0x3  }
0xab: {  	[tilespmem:v2+s18+$0x0] =	vst.idx.add.f32.msk $0xffff, v4  }
0xac: {  	[tilespmem:v1+s18+$0x0] =	vst.idx.add.f32.msk $0xffff, v3  }
0xad: {  	[tilespmem:s17], [sflag:$0x1] =	stream.linear.gather [hbm4b:s5+s3], $0x7D00, $0x38;
	[tilespmem:$0x1B600] =	vst v63  }
0xae: {  	_ =	swait.ge [sflag:s16], $0x7D00  }
0xaf: {  	[sflag:s16] =	ssyncset.done $0x0  }
0xb0: {  	s20 =	simm.s32 $0x13940;
	[sflag:s16] =	ssyncadd.s32 $0xFFFF8300  }
0xb1: {  	v1 =	vld [tilespmem:s20+$0x30]  }
0xb2: {  	v2 =	vld [tilespmem:s20+$0xFFFFFFD0]  }
0xb3: {  	v3 =	vld [tilespmem:s20+$0xFFFFFFE0]  }
0xb4: {  	v4 =	vld [tilespmem:s20+$0xFFFFFFF0]  }
0xb5: {  	v5 =	vld [tilespmem:s20+$0x0]  }
0xb6: {  	v6 =	vld [tilespmem:s20+$0x10];
	v7 =	vand.u32 $0xFFFF, v1  }
0xb7: {  	v10 =	vld [tilespmem:s20+$0xFFFFFFC0];
	v8 =	vand.u32 $0xFFFF, v2  }
0xb8: {  	v12 =	vld [tilespmem:s20+$0x20];
	v9 =	vand.u32 $0xFFFF, v3  }
0xb9: {  	v11 =	vand.u32 $0xFFFF, v4  }
0xba: {  	v13 =	vand.u32 $0xFFFF, v5  }
0xbb: {  	v14 =	vand.u32 $0xFFFF, v6;
	v15 =	vld.idx.msk [tilespmem:v7+s3+$0x0], $0xffff  }
0xbc: {  	v19 =	vand.u32 $0xFFFF, v10;
	v16 =	vld.idx.msk [tilespmem:v8+s3+$0x0], $0xffff  }
0xbd: {  	v21 =	vand.u32 $0xFFFF, v12;
	v17 =	vld.idx.msk [tilespmem:v9+s3+$0x0], $0xffff  }
0xbe: {  	v1 =	vshrl.u32 v1, $0x10;
	v20 =	vld.idx.msk [tilespmem:v11+s3+$0x0], $0xffff  }
0xbf: {  	v2 =	vshrl.u32 v2, $0x10;
	v22 =	vld.idx.msk [tilespmem:v13+s3+$0x0], $0xffff  }
0xc0: {  	v3 =	vshrl.u32 v3, $0x10;
	v23 =	vld.idx.msk [tilespmem:v14+s3+$0x0], $0xffff  }
0xc1: {  	v4 =	vshrl.u32 v4, $0x10;
	v63 =	vld.idx.msk [tilespmem:v19+s3+$0x0], $0xffff  }
0xc2: {  	v10 =	vshrl.u32 v10, $0x10;
	v25 =	vld.idx.msk [tilespmem:v21+s3+$0x0], $0xffff  }
0xc3: {  	v5 =	vshrl.u32 v5, $0x10;
	[tilespmem:v1+s18+$0x0] =	vst.idx.add.f32.msk $0xffff, v15  }
0xc4: {  	v6 =	vshrl.u32 v6, $0x10;
	[tilespmem:v2+s18+$0x0] =	vst.idx.add.f32.msk $0xffff, v16  }
0xc5: {  	v12 =	vshrl.u32 v12, $0x10;
	[tilespmem:v3+s18+$0x0] =	vst.idx.add.f32.msk $0xffff, v17  }
0xc6: {  	v18 =	vadd.s32 $0x1, v7;
	[tilespmem:v4+s18+$0x0] =	vst.idx.add.f32.msk $0xffff, v20  }
0xc7: {  	v31 =	vadd.s32 $0x1, v8;
	[tilespmem:v10+s18+$0x0] =	vst.idx.add.f32.msk $0xffff, v63  }
0xc8: {  	v32 =	vadd.s32 $0x1, v9;
	[tilespmem:v5+s18+$0x0] =	vst.idx.add.f32.msk $0xffff, v22  }
0xc9: {  	v33 =	vadd.s32 $0x1, v11;
	[tilespmem:v6+s18+$0x0] =	vst.idx.add.f32.msk $0xffff, v23  }
0xca: {  	v34 =	vadd.s32 $0x1, v13;
	[tilespmem:v12+s18+$0x0] =	vst.idx.add.f32.msk $0xffff, v25  }
0xcb: {  	v35 =	vadd.s32 $0x1, v14;
	v15 =	vld.idx.msk [tilespmem:v18+s3+$0x0], $0xffff  }
0xcc: {  	v24 =	vadd.s32 $0x1, v1;
	v36 =	vld.idx.msk [tilespmem:v31+s3+$0x0], $0xffff  }
0xcd: {  	v28 =	vadd.s32 $0x1, v19;
	v20 =	vld.idx.msk [tilespmem:v32+s3+$0x0], $0xffff  }
0xce: {  	v26 =	vadd.s32 $0x2, v7;
	v22 =	vld.idx.msk [tilespmem:v33+s3+$0x0], $0xffff  }
0xcf: {  	v39 =	vadd.s32 $0x1, v2;
	v23 =	vld.idx.msk [tilespmem:v34+s3+$0x0], $0xffff  }
0xd0: {  	v40 =	vadd.s32 $0x1, v3;
	v16 =	vld.idx.msk [tilespmem:v35+s3+$0x0], $0xffff  }
0xd1: {  	v27 =	vadd.s32 $0x1, v4;
	[tilespmem:v24+s18+$0x0] =	vst.idx.add.f32.msk $0xffff, v15  }
0xd2: {  	v41 =	vadd.s32 $0x1, v6;
	v15 =	vld.idx.msk [tilespmem:v28+s3+$0x0], $0xffff  }
0xd3: {  	v30 =	vadd.s32 $0x2, v1;
	v29 =	vld.idx.msk [tilespmem:v26+s3+$0x0], $0xffff  }
0xd4: {  	v7 =	vadd.s32 $0x3, v7;
	[tilespmem:v39+s18+$0x0] =	vst.idx.add.f32.msk $0xffff, v36  }
0xd5: {  	v44 =	vadd.s32 $0x2, v8;
	[tilespmem:v40+s18+$0x0] =	vst.idx.add.f32.msk $0xffff, v20  }
0xd6: {  	v45 =	vadd.s32 $0x2, v9;
	[tilespmem:v27+s18+$0x0] =	vst.idx.add.f32.msk $0xffff, v22  }
0xd7: {  	v38 =	vadd.s32 $0x1, v10;
	[tilespmem:v41+s18+$0x0] =	vst.idx.add.f32.msk $0xffff, v16  }
0xd8: {  	v43 =	vadd.s32 $0x2, v19;
	[tilespmem:v30+s18+$0x0] =	vst.idx.add.f32.msk $0xffff, v29  }
0xd9: {  	v1 =	vadd.s32 $0x3, v1;
	v7 =	vld.idx.msk [tilespmem:v7+s3+$0x0], $0xffff  }
0xda: {  	v37 =	vadd.s32 $0x1, v21;
	v49 =	vld.idx.msk [tilespmem:v44+s3+$0x0], $0xffff  }
0xdb: {  	v51 =	vadd.s32 $0x2, v2;
	v22 =	vld.idx.msk [tilespmem:v45+s3+$0x0], $0xffff  }
0xdc: {  	v52 =	vadd.s32 $0x2, v3;
	[tilespmem:v38+s18+$0x0] =	vst.idx.add.f32.msk $0xffff, v15  }
0xdd: {  	v8 =	vadd.s32 $0x3, v8;
	v47 =	vld.idx.msk [tilespmem:v43+s3+$0x0], $0xffff  }
0xde: {  	[tilespmem:v1+s18+$0x0] =	vst.idx.add.f32.msk $0xffff, v7;
	v1 =	vadd.s32 $0x1, v5  }
0xdf: {  	v42 =	vadd.s32 $0x1, v12;
	v7 =	vld.idx.msk [tilespmem:v37+s3+$0x0], $0xffff  }
0xe0: {  	v50 =	vadd.s32 $0x2, v10;
	[tilespmem:v51+s18+$0x0] =	vst.idx.add.f32.msk $0xffff, v49  }
0xe1: {  	v57 =	vadd.s32 $0x3, v19;
	[tilespmem:v52+s18+$0x0] =	vst.idx.add.f32.msk $0xffff, v22  }
0xe2: {  	v2 =	vadd.s32 $0x3, v2;
	v8 =	vld.idx.msk [tilespmem:v8+s3+$0x0], $0xffff  }
0xe3: {  	[tilespmem:v1+s18+$0x0] =	vst.idx.add.f32.msk $0xffff, v23;
	v1 =	vadd.s32 $0x2, v11  }
0xe4: {  	[tilespmem:v42+s18+$0x0] =	vst.idx.add.f32.msk $0xffff, v7;
	v7 =	vadd.s32 $0x2, v14  }
0xe5: {  	v46 =	vadd.s32 $0x2, v13;
	[tilespmem:v50+s18+$0x0] =	vst.idx.add.f32.msk $0xffff, v47  }
0xe6: {  	v48 =	vadd.s32 $0x2, v21;
	v60 =	vld.idx.msk [tilespmem:v57+s3+$0x0], $0xffff  }
0xe7: {  	v10 =	vadd.s32 $0x3, v10;
	[tilespmem:v2+s18+$0x0] =	vst.idx.add.f32.msk $0xffff, v8  }
0xe8: {  	v53 =	vadd.s32 $0x2, v4;
	v1 =	vld.idx.msk [tilespmem:v1+s3+$0x0], $0xffff  }
0xe9: {  	v55 =	vadd.s32 $0x2, v6;
	v7 =	vld.idx.msk [tilespmem:v7+s3+$0x0], $0xffff  }
0xea: {  	v54 =	vadd.s32 $0x2, v5;
	v16 =	vld.idx.msk [tilespmem:v46+s3+$0x0], $0xffff  }
0xeb: {  	v56 =	vadd.s32 $0x2, v12;
	v17 =	vld.idx.msk [tilespmem:v48+s3+$0x0], $0xffff  }
0xec: {  	v58 =	vadd.s32 $0x3, v11;
	[tilespmem:v10+s18+$0x0] =	vst.idx.add.f32.msk $0xffff, v60  }
0xed: {  	[tilespmem:v53+s18+$0x0] =	vst.idx.add.f32.msk $0xffff, v1;
	v1 =	vadd.s32 $0x3, v9  }
0xee: {  	[tilespmem:v55+s18+$0x0] =	vst.idx.add.f32.msk $0xffff, v7;
	v7 =	vadd.s32 $0x3, v13  }
0xef: {  	v61 =	vadd.s32 $0x3, v21;
	[tilespmem:v54+s18+$0x0] =	vst.idx.add.f32.msk $0xffff, v16  }
0xf0: {  	v59 =	vadd.s32 $0x3, v14;
	[tilespmem:v56+s18+$0x0] =	vst.idx.add.f32.msk $0xffff, v17  }
0xf1: {  	v63 =	vadd.s32 $0x3, v4;
	v9 =	vld.idx.msk [tilespmem:v58+s3+$0x0], $0xffff  }
0xf2: {  	v62 =	vadd.s32 $0x3, v3;
	v1 =	vld.idx.msk [tilespmem:v1+s3+$0x0], $0xffff  }
0xf3: {  	v5 =	vadd.s32 $0x3, v5;
	v7 =	vld.idx.msk [tilespmem:v7+s3+$0x0], $0xffff  }
0xf4: {  	v3 =	vld.idx.msk [tilespmem:v61+s3+$0x0], $0xffff  }
0xf5: {  	v4 =	vld.idx.msk [tilespmem:v59+s3+$0x0], $0xffff  }
0xf6: {  	[tilespmem:v63+s18+$0x0] =	vst.idx.add.f32.msk $0xffff, v9  }
0xf7: {  	[tilespmem:v62+s18+$0x0] =	vst.idx.add.f32.msk $0xffff, v1  }
0xf8: {  	s21 =	simm.s32 $0x139C0;
	s20 =	simm.s32 $0x0;
	v2 =	vadd.s32 $0x3, v6;
	v1 =	vadd.s32 $0x3, v12;
	[tilespmem:v5+s18+$0x0] =	vst.idx.add.f32.msk $0xffff, v7  }
.LBB2_6:
0xf9: {  	v5 =	vld [tilespmem:s21+$0x30];
	s20 =	sadd.s32 $0x8, s20  }
0xfa: {  	v6 =	vld [tilespmem:s21+$0xFFFFFFD0];
	p0 =	slt.u32 s20, $0x7C8  }
0xfb: {  	v7 =	vld [tilespmem:s21+$0xFFFFFFE0]  }
0xfc: {  	v8 =	vld [tilespmem:s21+$0xFFFFFFF0]  }
0xfd: {  	v9 =	vld [tilespmem:s21+$0x0]  }
0xfe: {  	v10 =	vld [tilespmem:s21+$0x10];
	v11 =	vand.u32 $0xFFFF, v5  }
0xff: {  	v12 =	vand.u32 $0xFFFF, v6;
	v6 =	vshrl.u32 v6, $0x10;
	v13 =	vld [tilespmem:s21+$0x20]  }
0x100: {  	v14 =	vld [tilespmem:s21+$0xFFFFFFC0];
	v15 =	vadd.s32 $0x1, v12;
	v16 =	vand.u32 $0xFFFF, v7;
	v7 =	vshrl.u32 v7, $0x10  }
0x101: {  	v17 =	vadd.s32 $0x1, v16;
	v18 =	vand.u32 $0xFFFF, v8;
	v8 =	vshrl.u32 v8, $0x10;
	[tilespmem:v2+s18+$0x0] =	vst.idx.add.f32.msk $0xffff, v4  }
0x102: {  	v4 =	vadd.s32 $0x1, v18;
	v2 =	vand.u32 $0xFFFF, v9;
	v9 =	vshrl.u32 v9, $0x10;
	[tilespmem:v1+s18+$0x0] =	vst.idx.add.f32.msk $0xffff, v3  }
0x103: {  	v3 =	vadd.s32 $0x1, v2;
	v1 =	vand.u32 $0xFFFF, v10;
	v10 =	vshrl.u32 v10, $0x10;
	v19 =	vld.idx.msk [tilespmem:v11+s3+$0x0], $0xffff  }
0x104: {  	v5 =	vshrl.u32 v5, $0x10;
	v20 =	vld.idx.msk [tilespmem:v12+s3+$0x0], $0xffff;
	v21 =	vand.u32 $0xFFFF, v13;
	v13 =	vshrl.u32 v13, $0x10  }
0x105: {  	v24 =	vadd.s32 $0x1, v11;
	v22 =	vand.u32 $0xFFFF, v14;
	v14 =	vshrl.u32 v14, $0x10;
	v23 =	vld.idx.msk [tilespmem:v16+s3+$0x0], $0xffff  }
0x106: {  	v27 =	vadd.s32 $0x1, v1;
	v28 =	vadd.s32 $0x1, v21;
	v25 =	vadd.s32 $0x1, v22;
	v26 =	vld.idx.msk [tilespmem:v18+s3+$0x0], $0xffff  }
0x107: {  	v30 =	vadd.s32 $0x1, v6;
	v31 =	vadd.s32 $0x1, v7;
	v29 =	vadd.s32 $0x1, v14;
	v32 =	vld.idx.msk [tilespmem:v2+s3+$0x0], $0xffff  }
0x108: {  	v33 =	vadd.s32 $0x1, v8;
	v34 =	vadd.s32 $0x1, v9;
	v36 =	vadd.s32 $0x1, v10;
	v35 =	vld.idx.msk [tilespmem:v1+s3+$0x0], $0xffff  }
0x109: {  	v38 =	vadd.s32 $0x2, v12;
	v39 =	vadd.s32 $0x1, v13;
	v37 =	vadd.s32 $0x2, v22;
	[tilespmem:v5+s18+$0x0] =	vst.idx.add.f32.msk $0xffff, v19  }
0x10a: {  	v40 =	vadd.s32 $0x2, v18;
	v41 =	vadd.s32 $0x2, v2;
	v19 =	vadd.s32 $0x2, v16;
	v24 =	vld.idx.msk [tilespmem:v24+s3+$0x0], $0xffff  }
0x10b: {  	v45 =	vadd.s32 $0x1, v5;
	v43 =	vadd.s32 $0x2, v1;
	v44 =	vadd.s32 $0x2, v21;
	v42 =	vld.idx.msk [tilespmem:v22+s3+$0x0], $0xffff  }
0x10c: {  	v49 =	vadd.s32 $0x2, v11;
	v47 =	vadd.s32 $0x2, v6;
	v46 =	vadd.s32 $0x2, v14;
	v48 =	vld.idx.msk [tilespmem:v21+s3+$0x0], $0xffff  }
0x10d: {  	v50 =	vadd.s32 $0x2, v8;
	v51 =	vadd.s32 $0x2, v9;
	[tilespmem:v6+s18+$0x0] =	vst.idx.add.f32.msk $0xffff, v20;
	v20 =	vadd.s32 $0x2, v7  }
0x10e: {  	v52 =	vadd.s32 $0x2, v13;
	v22 =	vadd.s32 $0x3, v22;
	[tilespmem:v7+s18+$0x0] =	vst.idx.add.f32.msk $0xffff, v23;
	v23 =	vadd.s32 $0x2, v10  }
0x10f: {  	v12 =	vadd.s32 $0x3, v12;
	v18 =	vadd.s32 $0x3, v18;
	v16 =	vadd.s32 $0x3, v16;
	[tilespmem:v8+s18+$0x0] =	vst.idx.add.f32.msk $0xffff, v26  }
0x110: {  	v53 =	vadd.s32 $0x3, v1;
	v21 =	vadd.s32 $0x3, v21;
	v26 =	vadd.s32 $0x3, v2;
	[tilespmem:v45+s18+$0x0] =	vst.idx.add.f32.msk $0xffff, v24  }
0x111: {  	v6 =	vadd.s32 $0x3, v6;
	v7 =	vadd.s32 $0x3, v7;
	v24 =	vadd.s32 $0x3, v14;
	v45 =	vld.idx.msk [tilespmem:v49+s3+$0x0], $0xffff  }
0x112: {  	v8 =	vadd.s32 $0x3, v8;
	[tilespmem:v14+s18+$0x0] =	vst.idx.add.f32.msk $0xffff, v42;
	v14 =	vadd.s32 $0x3, v9;
	v42 =	vadd.s32 $0x2, v5  }
0x113: {  	v1 =	vadd.s32 $0x3, v13;
	v2 =	vadd.s32 $0x3, v10;
	[tilespmem:v9+s18+$0x0] =	vst.idx.add.f32.msk $0xffff, v32;
	v9 =	vadd.s32 $0x3, v11  }
0x114: {  	[tilespmem:v10+s18+$0x0] =	vst.idx.add.f32.msk $0xffff, v35  }
0x115: {  	[tilespmem:v13+s18+$0x0] =	vst.idx.add.f32.msk $0xffff, v48  }
0x116: {  	v10 =	vld.idx.msk [tilespmem:v25+s3+$0x0], $0xffff  }
0x117: {  	[tilespmem:v42+s18+$0x0] =	vst.idx.add.f32.msk $0xffff, v45  }
0x118: {  	v9 =	vld.idx.msk [tilespmem:v9+s3+$0x0], $0xffff  }
0x119: {  	v5 =	vadd.s32 $0x3, v5;
	v11 =	vld.idx.msk [tilespmem:v15+s3+$0x0], $0xffff  }
0x11a: {  	v13 =	vld.idx.msk [tilespmem:v17+s3+$0x0], $0xffff  }
0x11b: {  	v4 =	vld.idx.msk [tilespmem:v4+s3+$0x0], $0xffff  }
0x11c: {  	v3 =	vld.idx.msk [tilespmem:v3+s3+$0x0], $0xffff  }
0x11d: {  	v15 =	vld.idx.msk [tilespmem:v27+s3+$0x0], $0xffff  }
0x11e: {  	[tilespmem:v5+s18+$0x0] =	vst.idx.add.f32.msk $0xffff, v9  }
0x11f: {  	v5 =	vld.idx.msk [tilespmem:v28+s3+$0x0], $0xffff  }
0x120: {  	[tilespmem:v29+s18+$0x0] =	vst.idx.add.f32.msk $0xffff, v10  }
0x121: {  	[tilespmem:v30+s18+$0x0] =	vst.idx.add.f32.msk $0xffff, v11  }
0x122: {  	[tilespmem:v31+s18+$0x0] =	vst.idx.add.f32.msk $0xffff, v13  }
0x123: {  	[tilespmem:v33+s18+$0x0] =	vst.idx.add.f32.msk $0xffff, v4  }
0x124: {  	[tilespmem:v34+s18+$0x0] =	vst.idx.add.f32.msk $0xffff, v3  }
0x125: {  	[tilespmem:v36+s18+$0x0] =	vst.idx.add.f32.msk $0xffff, v15  }
0x126: {  	[tilespmem:v39+s18+$0x0] =	vst.idx.add.f32.msk $0xffff, v5  }
0x127: {  	v3 =	vld.idx.msk [tilespmem:v37+s3+$0x0], $0xffff  }
0x128: {  	v4 =	vld.idx.msk [tilespmem:v38+s3+$0x0], $0xffff  }
0x129: {  	v5 =	vld.idx.msk [tilespmem:v19+s3+$0x0], $0xffff  }
0x12a: {  	v9 =	vld.idx.msk [tilespmem:v40+s3+$0x0], $0xffff  }
0x12b: {  	v10 =	vld.idx.msk [tilespmem:v41+s3+$0x0], $0xffff  }
0x12c: {  	v11 =	vld.idx.msk [tilespmem:v43+s3+$0x0], $0xffff  }
0x12d: {  	v13 =	vld.idx.msk [tilespmem:v44+s3+$0x0], $0xffff  }
0x12e: {  	[tilespmem:v46+s18+$0x0] =	vst.idx.add.f32.msk $0xffff, v3  }
0x12f: {  	[tilespmem:v47+s18+$0x0] =	vst.idx.add.f32.msk $0xffff, v4  }
0x130: {  	[tilespmem:v20+s18+$0x0] =	vst.idx.add.f32.msk $0xffff, v5  }
0x131: {  	[tilespmem:v50+s18+$0x0] =	vst.idx.add.f32.msk $0xffff, v9  }
0x132: {  	[tilespmem:v51+s18+$0x0] =	vst.idx.add.f32.msk $0xffff, v10  }
0x133: {  	[tilespmem:v23+s18+$0x0] =	vst.idx.add.f32.msk $0xffff, v11  }
0x134: {  	[tilespmem:v52+s18+$0x0] =	vst.idx.add.f32.msk $0xffff, v13  }
0x135: {  	v5 =	vld.idx.msk [tilespmem:v22+s3+$0x0], $0xffff  }
0x136: {  	v9 =	vld.idx.msk [tilespmem:v12+s3+$0x0], $0xffff  }
0x137: {  	v10 =	vld.idx.msk [tilespmem:v16+s3+$0x0], $0xffff  }
0x138: {  	v11 =	vld.idx.msk [tilespmem:v18+s3+$0x0], $0xffff  }
0x139: {  	v12 =	vld.idx.msk [tilespmem:v26+s3+$0x0], $0xffff  }
0x13a: {  	v4 =	vld.idx.msk [tilespmem:v53+s3+$0x0], $0xffff  }
0x13b: {  	v3 =	vld.idx.msk [tilespmem:v21+s3+$0x0], $0xffff  }
.Ltmp2:
0x13c: {  	[tilespmem:v24+s18+$0x0] =	vst.idx.add.f32.msk $0xffff, v5;
	(pc) =	sbr.rel @p0 .LBB2_6-.Ltmp2, $4  }
0x13d: {  	[tilespmem:v6+s18+$0x0] =	vst.idx.add.f32.msk $0xffff, v9  }
0x13e: {  	[tilespmem:v7+s18+$0x0] =	vst.idx.add.f32.msk $0xffff, v10  }
0x13f: {  	[tilespmem:v8+s18+$0x0] =	vst.idx.add.f32.msk $0xffff, v11  }
0x140: {  	s21 =	sadd.s32 $0x80, s21;
	[tilespmem:v14+s18+$0x0] =	vst.idx.add.f32.msk $0xffff, v12  }
0x141: {  	_ =	sdelay $0x3  }
0x142: {  	[tilespmem:v2+s18+$0x0] =	vst.idx.add.f32.msk $0xffff, v4  }
0x143: {  	[tilespmem:v1+s18+$0x0] =	vst.idx.add.f32.msk $0xffff, v3  }
0x144: {  	[tilespmem:s17], [sflag:$0x1] =	stream.linear.gather [hbm4b:s6+s3], $0x7D00, $0x38;
	[tilespmem:$0x1B600] =	vst v63  }
0x145: {  	_ =	swait.ge [sflag:s16], $0x7D00  }
0x146: {  	[sflag:s16] =	ssyncset.done $0x0  }
0x147: {  	s20 =	simm.s32 $0x13940;
	[sflag:s16] =	ssyncadd.s32 $0xFFFF8300  }
0x148: {  	v1 =	vld [tilespmem:s20+$0x30]  }
0x149: {  	v2 =	vld [tilespmem:s20+$0xFFFFFFD0]  }
0x14a: {  	v3 =	vld [tilespmem:s20+$0xFFFFFFE0]  }
0x14b: {  	v4 =	vld [tilespmem:s20+$0xFFFFFFF0]  }
0x14c: {  	v5 =	vld [tilespmem:s20+$0x0]  }
0x14d: {  	v6 =	vld [tilespmem:s20+$0x10];
	v7 =	vand.u32 $0xFFFF, v1  }
0x14e: {  	v10 =	vld [tilespmem:s20+$0xFFFFFFC0];
	v8 =	vand.u32 $0xFFFF, v2  }
0x14f: {  	v12 =	vld [tilespmem:s20+$0x20];
	v9 =	vand.u32 $0xFFFF, v3  }
0x150: {  	v11 =	vand.u32 $0xFFFF, v4  }
0x151: {  	v13 =	vand.u32 $0xFFFF, v5  }
0x152: {  	v14 =	vand.u32 $0xFFFF, v6;
	v15 =	vld.idx.msk [tilespmem:v7+s3+$0x0], $0xffff  }
0x153: {  	v19 =	vand.u32 $0xFFFF, v10;
	v16 =	vld.idx.msk [tilespmem:v8+s3+$0x0], $0xffff  }
0x154: {  	v21 =	vand.u32 $0xFFFF, v12;
	v17 =	vld.idx.msk [tilespmem:v9+s3+$0x0], $0xffff  }
0x155: {  	v1 =	vshrl.u32 v1, $0x10;
	v20 =	vld.idx.msk [tilespmem:v11+s3+$0x0], $0xffff  }
0x156: {  	v2 =	vshrl.u32 v2, $0x10;
	v22 =	vld.idx.msk [tilespmem:v13+s3+$0x0], $0xffff  }
0x157: {  	v3 =	vshrl.u32 v3, $0x10;
	v23 =	vld.idx.msk [tilespmem:v14+s3+$0x0], $0xffff  }
0x158: {  	v4 =	vshrl.u32 v4, $0x10;
	v63 =	vld.idx.msk [tilespmem:v19+s3+$0x0], $0xffff  }
0x159: {  	v10 =	vshrl.u32 v10, $0x10;
	v25 =	vld.idx.msk [tilespmem:v21+s3+$0x0], $0xffff  }
0x15a: {  	v5 =	vshrl.u32 v5, $0x10;
	[tilespmem:v1+s18+$0x0] =	vst.idx.add.f32.msk $0xffff, v15  }
0x15b: {  	v6 =	vshrl.u32 v6, $0x10;
	[tilespmem:v2+s18+$0x0] =	vst.idx.add.f32.msk $0xffff, v16  }
0x15c: {  	v12 =	vshrl.u32 v12, $0x10;
	[tilespmem:v3+s18+$0x0] =	vst.idx.add.f32.msk $0xffff, v17  }
0x15d: {  	v18 =	vadd.s32 $0x1, v7;
	[tilespmem:v4+s18+$0x0] =	vst.idx.add.f32.msk $0xffff, v20  }
0x15e: {  	v31 =	vadd.s32 $0x1, v8;
	[tilespmem:v10+s18+$0x0] =	vst.idx.add.f32.msk $0xffff, v63  }
0x15f: {  	v32 =	vadd.s32 $0x1, v9;
	[tilespmem:v5+s18+$0x0] =	vst.idx.add.f32.msk $0xffff, v22  }
0x160: {  	v33 =	vadd.s32 $0x1, v11;
	[tilespmem:v6+s18+$0x0] =	vst.idx.add.f32.msk $0xffff, v23  }
0x161: {  	v34 =	vadd.s32 $0x1, v13;
	[tilespmem:v12+s18+$0x0] =	vst.idx.add.f32.msk $0xffff, v25  }
0x162: {  	v35 =	vadd.s32 $0x1, v14;
	v15 =	vld.idx.msk [tilespmem:v18+s3+$0x0], $0xffff  }
0x163: {  	v24 =	vadd.s32 $0x1, v1;
	v36 =	vld.idx.msk [tilespmem:v31+s3+$0x0], $0xffff  }
0x164: {  	v28 =	vadd.s32 $0x1, v19;
	v20 =	vld.idx.msk [tilespmem:v32+s3+$0x0], $0xffff  }
0x165: {  	v26 =	vadd.s32 $0x2, v7;
	v22 =	vld.idx.msk [tilespmem:v33+s3+$0x0], $0xffff  }
0x166: {  	v39 =	vadd.s32 $0x1, v2;
	v23 =	vld.idx.msk [tilespmem:v34+s3+$0x0], $0xffff  }
0x167: {  	v40 =	vadd.s32 $0x1, v3;
	v16 =	vld.idx.msk [tilespmem:v35+s3+$0x0], $0xffff  }
0x168: {  	v27 =	vadd.s32 $0x1, v4;
	[tilespmem:v24+s18+$0x0] =	vst.idx.add.f32.msk $0xffff, v15  }
0x169: {  	v41 =	vadd.s32 $0x1, v6;
	v15 =	vld.idx.msk [tilespmem:v28+s3+$0x0], $0xffff  }
0x16a: {  	v30 =	vadd.s32 $0x2, v1;
	v29 =	vld.idx.msk [tilespmem:v26+s3+$0x0], $0xffff  }
0x16b: {  	v7 =	vadd.s32 $0x3, v7;
	[tilespmem:v39+s18+$0x0] =	vst.idx.add.f32.msk $0xffff, v36  }
0x16c: {  	v44 =	vadd.s32 $0x2, v8;
	[tilespmem:v40+s18+$0x0] =	vst.idx.add.f32.msk $0xffff, v20  }
0x16d: {  	v45 =	vadd.s32 $0x2, v9;
	[tilespmem:v27+s18+$0x0] =	vst.idx.add.f32.msk $0xffff, v22  }
0x16e: {  	v38 =	vadd.s32 $0x1, v10;
	[tilespmem:v41+s18+$0x0] =	vst.idx.add.f32.msk $0xffff, v16  }
0x16f: {  	v43 =	vadd.s32 $0x2, v19;
	[tilespmem:v30+s18+$0x0] =	vst.idx.add.f32.msk $0xffff, v29  }
0x170: {  	v1 =	vadd.s32 $0x3, v1;
	v7 =	vld.idx.msk [tilespmem:v7+s3+$0x0], $0xffff  }
0x171: {  	v37 =	vadd.s32 $0x1, v21;
	v49 =	vld.idx.msk [tilespmem:v44+s3+$0x0], $0xffff  }
0x172: {  	v51 =	vadd.s32 $0x2, v2;
	v22 =	vld.idx.msk [tilespmem:v45+s3+$0x0], $0xffff  }
0x173: {  	v52 =	vadd.s32 $0x2, v3;
	[tilespmem:v38+s18+$0x0] =	vst.idx.add.f32.msk $0xffff, v15  }
0x174: {  	v8 =	vadd.s32 $0x3, v8;
	v47 =	vld.idx.msk [tilespmem:v43+s3+$0x0], $0xffff  }
0x175: {  	[tilespmem:v1+s18+$0x0] =	vst.idx.add.f32.msk $0xffff, v7;
	v1 =	vadd.s32 $0x1, v5  }
0x176: {  	v42 =	vadd.s32 $0x1, v12;
	v7 =	vld.idx.msk [tilespmem:v37+s3+$0x0], $0xffff  }
0x177: {  	v50 =	vadd.s32 $0x2, v10;
	[tilespmem:v51+s18+$0x0] =	vst.idx.add.f32.msk $0xffff, v49  }
0x178: {  	v57 =	vadd.s32 $0x3, v19;
	[tilespmem:v52+s18+$0x0] =	vst.idx.add.f32.msk $0xffff, v22  }
0x179: {  	v2 =	vadd.s32 $0x3, v2;
	v8 =	vld.idx.msk [tilespmem:v8+s3+$0x0], $0xffff  }
0x17a: {  	[tilespmem:v1+s18+$0x0] =	vst.idx.add.f32.msk $0xffff, v23;
	v1 =	vadd.s32 $0x2, v11  }
0x17b: {  	[tilespmem:v42+s18+$0x0] =	vst.idx.add.f32.msk $0xffff, v7;
	v7 =	vadd.s32 $0x2, v14  }
0x17c: {  	v46 =	vadd.s32 $0x2, v13;
	[tilespmem:v50+s18+$0x0] =	vst.idx.add.f32.msk $0xffff, v47  }
0x17d: {  	v48 =	vadd.s32 $0x2, v21;
	v60 =	vld.idx.msk [tilespmem:v57+s3+$0x0], $0xffff  }
0x17e: {  	v10 =	vadd.s32 $0x3, v10;
	[tilespmem:v2+s18+$0x0] =	vst.idx.add.f32.msk $0xffff, v8  }
0x17f: {  	v53 =	vadd.s32 $0x2, v4;
	v1 =	vld.idx.msk [tilespmem:v1+s3+$0x0], $0xffff  }
0x180: {  	v55 =	vadd.s32 $0x2, v6;
	v7 =	vld.idx.msk [tilespmem:v7+s3+$0x0], $0xffff  }
0x181: {  	v54 =	vadd.s32 $0x2, v5;
	v16 =	vld.idx.msk [tilespmem:v46+s3+$0x0], $0xffff  }
0x182: {  	v56 =	vadd.s32 $0x2, v12;
	v17 =	vld.idx.msk [tilespmem:v48+s3+$0x0], $0xffff  }
0x183: {  	v58 =	vadd.s32 $0x3, v11;
	[tilespmem:v10+s18+$0x0] =	vst.idx.add.f32.msk $0xffff, v60  }
0x184: {  	[tilespmem:v53+s18+$0x0] =	vst.idx.add.f32.msk $0xffff, v1;
	v1 =	vadd.s32 $0x3, v9  }
0x185: {  	[tilespmem:v55+s18+$0x0] =	vst.idx.add.f32.msk $0xffff, v7;
	v7 =	vadd.s32 $0x3, v13  }
0x186: {  	v61 =	vadd.s32 $0x3, v21;
	[tilespmem:v54+s18+$0x0] =	vst.idx.add.f32.msk $0xffff, v16  }
0x187: {  	v59 =	vadd.s32 $0x3, v14;
	[tilespmem:v56+s18+$0x0] =	vst.idx.add.f32.msk $0xffff, v17  }
0x188: {  	v63 =	vadd.s32 $0x3, v4;
	v9 =	vld.idx.msk [tilespmem:v58+s3+$0x0], $0xffff  }
0x189: {  	v62 =	vadd.s32 $0x3, v3;
	v1 =	vld.idx.msk [tilespmem:v1+s3+$0x0], $0xffff  }
0x18a: {  	v5 =	vadd.s32 $0x3, v5;
	v7 =	vld.idx.msk [tilespmem:v7+s3+$0x0], $0xffff  }
0x18b: {  	v3 =	vld.idx.msk [tilespmem:v61+s3+$0x0], $0xffff  }
0x18c: {  	v4 =	vld.idx.msk [tilespmem:v59+s3+$0x0], $0xffff  }
0x18d: {  	[tilespmem:v63+s18+$0x0] =	vst.idx.add.f32.msk $0xffff, v9  }
0x18e: {  	[tilespmem:v62+s18+$0x0] =	vst.idx.add.f32.msk $0xffff, v1  }
0x18f: {  	s21 =	simm.s32 $0x139C0;
	s20 =	simm.s32 $0x0;
	v2 =	vadd.s32 $0x3, v6;
	v1 =	vadd.s32 $0x3, v12;
	[tilespmem:v5+s18+$0x0] =	vst.idx.add.f32.msk $0xffff, v7  }
.LBB2_8:
0x190: {  	v5 =	vld [tilespmem:s21+$0x30];
	s20 =	sadd.s32 $0x8, s20  }
0x191: {  	v6 =	vld [tilespmem:s21+$0xFFFFFFD0];
	p0 =	slt.u32 s20, $0x7C8  }
0x192: {  	v7 =	vld [tilespmem:s21+$0xFFFFFFE0]  }
0x193: {  	v8 =	vld [tilespmem:s21+$0xFFFFFFF0]  }
0x194: {  	v9 =	vld [tilespmem:s21+$0x0]  }
0x195: {  	v10 =	vld [tilespmem:s21+$0x10];
	v11 =	vand.u32 $0xFFFF, v5  }
0x196: {  	v12 =	vand.u32 $0xFFFF, v6;
	v6 =	vshrl.u32 v6, $0x10;
	v13 =	vld [tilespmem:s21+$0x20]  }
0x197: {  	v14 =	vld [tilespmem:s21+$0xFFFFFFC0];
	v15 =	vadd.s32 $0x1, v12;
	v16 =	vand.u32 $0xFFFF, v7;
	v7 =	vshrl.u32 v7, $0x10  }
0x198: {  	v17 =	vadd.s32 $0x1, v16;
	v18 =	vand.u32 $0xFFFF, v8;
	v8 =	vshrl.u32 v8, $0x10;
	[tilespmem:v2+s18+$0x0] =	vst.idx.add.f32.msk $0xffff, v4  }
0x199: {  	v4 =	vadd.s32 $0x1, v18;
	v2 =	vand.u32 $0xFFFF, v9;
	v9 =	vshrl.u32 v9, $0x10;
	[tilespmem:v1+s18+$0x0] =	vst.idx.add.f32.msk $0xffff, v3  }
0x19a: {  	v3 =	vadd.s32 $0x1, v2;
	v1 =	vand.u32 $0xFFFF, v10;
	v10 =	vshrl.u32 v10, $0x10;
	v19 =	vld.idx.msk [tilespmem:v11+s3+$0x0], $0xffff  }
0x19b: {  	v5 =	vshrl.u32 v5, $0x10;
	v20 =	vld.idx.msk [tilespmem:v12+s3+$0x0], $0xffff;
	v21 =	vand.u32 $0xFFFF, v13;
	v13 =	vshrl.u32 v13, $0x10  }
0x19c: {  	v24 =	vadd.s32 $0x1, v11;
	v22 =	vand.u32 $0xFFFF, v14;
	v14 =	vshrl.u32 v14, $0x10;
	v23 =	vld.idx.msk [tilespmem:v16+s3+$0x0], $0xffff  }
0x19d: {  	v27 =	vadd.s32 $0x1, v1;
	v28 =	vadd.s32 $0x1, v21;
	v25 =	vadd.s32 $0x1, v22;
	v26 =	vld.idx.msk [tilespmem:v18+s3+$0x0], $0xffff  }
0x19e: {  	v30 =	vadd.s32 $0x1, v6;
	v31 =	vadd.s32 $0x1, v7;
	v29 =	vadd.s32 $0x1, v14;
	v32 =	vld.idx.msk [tilespmem:v2+s3+$0x0], $0xffff  }
0x19f: {  	v33 =	vadd.s32 $0x1, v8;
	v34 =	vadd.s32 $0x1, v9;
	v36 =	vadd.s32 $0x1, v10;
	v35 =	vld.idx.msk [tilespmem:v1+s3+$0x0], $0xffff  }
0x1a0: {  	v38 =	vadd.s32 $0x2, v12;
	v39 =	vadd.s32 $0x1, v13;
	v37 =	vadd.s32 $0x2, v22;
	[tilespmem:v5+s18+$0x0] =	vst.idx.add.f32.msk $0xffff, v19  }
0x1a1: {  	v40 =	vadd.s32 $0x2, v18;
	v41 =	vadd.s32 $0x2, v2;
	v19 =	vadd.s32 $0x2, v16;
	v24 =	vld.idx.msk [tilespmem:v24+s3+$0x0], $0xffff  }
0x1a2: {  	v45 =	vadd.s32 $0x1, v5;
	v43 =	vadd.s32 $0x2, v1;
	v44 =	vadd.s32 $0x2, v21;
	v42 =	vld.idx.msk [tilespmem:v22+s3+$0x0], $0xffff  }
0x1a3: {  	v49 =	vadd.s32 $0x2, v11;
	v47 =	vadd.s32 $0x2, v6;
	v46 =	vadd.s32 $0x2, v14;
	v48 =	vld.idx.msk [tilespmem:v21+s3+$0x0], $0xffff  }
0x1a4: {  	v50 =	vadd.s32 $0x2, v8;
	v51 =	vadd.s32 $0x2, v9;
	[tilespmem:v6+s18+$0x0] =	vst.idx.add.f32.msk $0xffff, v20;
	v20 =	vadd.s32 $0x2, v7  }
0x1a5: {  	v52 =	vadd.s32 $0x2, v13;
	v22 =	vadd.s32 $0x3, v22;
	[tilespmem:v7+s18+$0x0] =	vst.idx.add.f32.msk $0xffff, v23;
	v23 =	vadd.s32 $0x2, v10  }
0x1a6: {  	v12 =	vadd.s32 $0x3, v12;
	v18 =	vadd.s32 $0x3, v18;
	v16 =	vadd.s32 $0x3, v16;
	[tilespmem:v8+s18+$0x0] =	vst.idx.add.f32.msk $0xffff, v26  }
0x1a7: {  	v53 =	vadd.s32 $0x3, v1;
	v21 =	vadd.s32 $0x3, v21;
	v26 =	vadd.s32 $0x3, v2;
	[tilespmem:v45+s18+$0x0] =	vst.idx.add.f32.msk $0xffff, v24  }
0x1a8: {  	v6 =	vadd.s32 $0x3, v6;
	v7 =	vadd.s32 $0x3, v7;
	v24 =	vadd.s32 $0x3, v14;
	v45 =	vld.idx.msk [tilespmem:v49+s3+$0x0], $0xffff  }
0x1a9: {  	v8 =	vadd.s32 $0x3, v8;
	[tilespmem:v14+s18+$0x0] =	vst.idx.add.f32.msk $0xffff, v42;
	v14 =	vadd.s32 $0x3, v9;
	v42 =	vadd.s32 $0x2, v5  }
0x1aa: {  	v1 =	vadd.s32 $0x3, v13;
	v2 =	vadd.s32 $0x3, v10;
	[tilespmem:v9+s18+$0x0] =	vst.idx.add.f32.msk $0xffff, v32;
	v9 =	vadd.s32 $0x3, v11  }
0x1ab: {  	[tilespmem:v10+s18+$0x0] =	vst.idx.add.f32.msk $0xffff, v35  }
0x1ac: {  	[tilespmem:v13+s18+$0x0] =	vst.idx.add.f32.msk $0xffff, v48  }
0x1ad: {  	v10 =	vld.idx.msk [tilespmem:v25+s3+$0x0], $0xffff  }
0x1ae: {  	[tilespmem:v42+s18+$0x0] =	vst.idx.add.f32.msk $0xffff, v45  }
0x1af: {  	v9 =	vld.idx.msk [tilespmem:v9+s3+$0x0], $0xffff  }
0x1b0: {  	v5 =	vadd.s32 $0x3, v5;
	v11 =	vld.idx.msk [tilespmem:v15+s3+$0x0], $0xffff  }
0x1b1: {  	v13 =	vld.idx.msk [tilespmem:v17+s3+$0x0], $0xffff  }
0x1b2: {  	v4 =	vld.idx.msk [tilespmem:v4+s3+$0x0], $0xffff  }
0x1b3: {  	v3 =	vld.idx.msk [tilespmem:v3+s3+$0x0], $0xffff  }
0x1b4: {  	v15 =	vld.idx.msk [tilespmem:v27+s3+$0x0], $0xffff  }
0x1b5: {  	[tilespmem:v5+s18+$0x0] =	vst.idx.add.f32.msk $0xffff, v9  }
0x1b6: {  	v5 =	vld.idx.msk [tilespmem:v28+s3+$0x0], $0xffff  }
0x1b7: {  	[tilespmem:v29+s18+$0x0] =	vst.idx.add.f32.msk $0xffff, v10  }
0x1b8: {  	[tilespmem:v30+s18+$0x0] =	vst.idx.add.f32.msk $0xffff, v11  }
0x1b9: {  	[tilespmem:v31+s18+$0x0] =	vst.idx.add.f32.msk $0xffff, v13  }
0x1ba: {  	[tilespmem:v33+s18+$0x0] =	vst.idx.add.f32.msk $0xffff, v4  }
0x1bb: {  	[tilespmem:v34+s18+$0x0] =	vst.idx.add.f32.msk $0xffff, v3  }
0x1bc: {  	[tilespmem:v36+s18+$0x0] =	vst.idx.add.f32.msk $0xffff, v15  }
0x1bd: {  	[tilespmem:v39+s18+$0x0] =	vst.idx.add.f32.msk $0xffff, v5  }
0x1be: {  	v3 =	vld.idx.msk [tilespmem:v37+s3+$0x0], $0xffff  }
0x1bf: {  	v4 =	vld.idx.msk [tilespmem:v38+s3+$0x0], $0xffff  }
0x1c0: {  	v5 =	vld.idx.msk [tilespmem:v19+s3+$0x0], $0xffff  }
0x1c1: {  	v9 =	vld.idx.msk [tilespmem:v40+s3+$0x0], $0xffff  }
0x1c2: {  	v10 =	vld.idx.msk [tilespmem:v41+s3+$0x0], $0xffff  }
0x1c3: {  	v11 =	vld.idx.msk [tilespmem:v43+s3+$0x0], $0xffff  }
0x1c4: {  	v13 =	vld.idx.msk [tilespmem:v44+s3+$0x0], $0xffff  }
0x1c5: {  	[tilespmem:v46+s18+$0x0] =	vst.idx.add.f32.msk $0xffff, v3  }
0x1c6: {  	[tilespmem:v47+s18+$0x0] =	vst.idx.add.f32.msk $0xffff, v4  }
0x1c7: {  	[tilespmem:v20+s18+$0x0] =	vst.idx.add.f32.msk $0xffff, v5  }
0x1c8: {  	[tilespmem:v50+s18+$0x0] =	vst.idx.add.f32.msk $0xffff, v9  }
0x1c9: {  	[tilespmem:v51+s18+$0x0] =	vst.idx.add.f32.msk $0xffff, v10  }
0x1ca: {  	[tilespmem:v23+s18+$0x0] =	vst.idx.add.f32.msk $0xffff, v11  }
0x1cb: {  	[tilespmem:v52+s18+$0x0] =	vst.idx.add.f32.msk $0xffff, v13  }
0x1cc: {  	v5 =	vld.idx.msk [tilespmem:v22+s3+$0x0], $0xffff  }
0x1cd: {  	v9 =	vld.idx.msk [tilespmem:v12+s3+$0x0], $0xffff  }
0x1ce: {  	v10 =	vld.idx.msk [tilespmem:v16+s3+$0x0], $0xffff  }
0x1cf: {  	v11 =	vld.idx.msk [tilespmem:v18+s3+$0x0], $0xffff  }
0x1d0: {  	v12 =	vld.idx.msk [tilespmem:v26+s3+$0x0], $0xffff  }
0x1d1: {  	v4 =	vld.idx.msk [tilespmem:v53+s3+$0x0], $0xffff  }
0x1d2: {  	v3 =	vld.idx.msk [tilespmem:v21+s3+$0x0], $0xffff  }
.Ltmp3:
0x1d3: {  	[tilespmem:v24+s18+$0x0] =	vst.idx.add.f32.msk $0xffff, v5;
	(pc) =	sbr.rel @p0 .LBB2_8-.Ltmp3, $4  }
0x1d4: {  	[tilespmem:v6+s18+$0x0] =	vst.idx.add.f32.msk $0xffff, v9  }
0x1d5: {  	[tilespmem:v7+s18+$0x0] =	vst.idx.add.f32.msk $0xffff, v10  }
0x1d6: {  	[tilespmem:v8+s18+$0x0] =	vst.idx.add.f32.msk $0xffff, v11  }
0x1d7: {  	s21 =	sadd.s32 $0x80, s21;
	[tilespmem:v14+s18+$0x0] =	vst.idx.add.f32.msk $0xffff, v12  }
0x1d8: {  	_ =	sdelay $0x3  }
0x1d9: {  	[tilespmem:v2+s18+$0x0] =	vst.idx.add.f32.msk $0xffff, v4  }
0x1da: {  	[tilespmem:v1+s18+$0x0] =	vst.idx.add.f32.msk $0xffff, v3  }
0x1db: {  	[tilespmem:s17], [sflag:$0x1] =	stream.linear.gather [hbm4b:s7+s3], $0x7D00, $0x38;
	[tilespmem:$0x1B600] =	vst v63  }
0x1dc: {  	_ =	swait.ge [sflag:s16], $0x7D00  }
0x1dd: {  	[sflag:s16] =	ssyncset.done $0x0  }
0x1de: {  	s20 =	simm.s32 $0x13940;
	[sflag:s16] =	ssyncadd.s32 $0xFFFF8300  }
0x1df: {  	v1 =	vld [tilespmem:s20+$0x30]  }
0x1e0: {  	v2 =	vld [tilespmem:s20+$0xFFFFFFD0]  }
0x1e1: {  	v3 =	vld [tilespmem:s20+$0xFFFFFFE0]  }
0x1e2: {  	v4 =	vld [tilespmem:s20+$0xFFFFFFF0]  }
0x1e3: {  	v5 =	vld [tilespmem:s20+$0x0]  }
0x1e4: {  	v6 =	vld [tilespmem:s20+$0x10];
	v7 =	vand.u32 $0xFFFF, v1  }
0x1e5: {  	v10 =	vld [tilespmem:s20+$0xFFFFFFC0];
	v8 =	vand.u32 $0xFFFF, v2  }
0x1e6: {  	v12 =	vld [tilespmem:s20+$0x20];
	v9 =	vand.u32 $0xFFFF, v3  }
0x1e7: {  	v11 =	vand.u32 $0xFFFF, v4  }
0x1e8: {  	v13 =	vand.u32 $0xFFFF, v5  }
0x1e9: {  	v14 =	vand.u32 $0xFFFF, v6;
	v15 =	vld.idx.msk [tilespmem:v7+s3+$0x0], $0xffff  }
0x1ea: {  	v19 =	vand.u32 $0xFFFF, v10;
	v16 =	vld.idx.msk [tilespmem:v8+s3+$0x0], $0xffff  }
0x1eb: {  	v21 =	vand.u32 $0xFFFF, v12;
	v17 =	vld.idx.msk [tilespmem:v9+s3+$0x0], $0xffff  }
0x1ec: {  	v1 =	vshrl.u32 v1, $0x10;
	v20 =	vld.idx.msk [tilespmem:v11+s3+$0x0], $0xffff  }
0x1ed: {  	v2 =	vshrl.u32 v2, $0x10;
	v22 =	vld.idx.msk [tilespmem:v13+s3+$0x0], $0xffff  }
0x1ee: {  	v3 =	vshrl.u32 v3, $0x10;
	v23 =	vld.idx.msk [tilespmem:v14+s3+$0x0], $0xffff  }
0x1ef: {  	v4 =	vshrl.u32 v4, $0x10;
	v63 =	vld.idx.msk [tilespmem:v19+s3+$0x0], $0xffff  }
0x1f0: {  	v10 =	vshrl.u32 v10, $0x10;
	v25 =	vld.idx.msk [tilespmem:v21+s3+$0x0], $0xffff  }
0x1f1: {  	v5 =	vshrl.u32 v5, $0x10;
	[tilespmem:v1+s18+$0x0] =	vst.idx.add.f32.msk $0xffff, v15  }
0x1f2: {  	v6 =	vshrl.u32 v6, $0x10;
	[tilespmem:v2+s18+$0x0] =	vst.idx.add.f32.msk $0xffff, v16  }
0x1f3: {  	v12 =	vshrl.u32 v12, $0x10;
	[tilespmem:v3+s18+$0x0] =	vst.idx.add.f32.msk $0xffff, v17  }
0x1f4: {  	v18 =	vadd.s32 $0x1, v7;
	[tilespmem:v4+s18+$0x0] =	vst.idx.add.f32.msk $0xffff, v20  }
0x1f5: {  	v31 =	vadd.s32 $0x1, v8;
	[tilespmem:v10+s18+$0x0] =	vst.idx.add.f32.msk $0xffff, v63  }
0x1f6: {  	v32 =	vadd.s32 $0x1, v9;
	[tilespmem:v5+s18+$0x0] =	vst.idx.add.f32.msk $0xffff, v22  }
0x1f7: {  	v33 =	vadd.s32 $0x1, v11;
	[tilespmem:v6+s18+$0x0] =	vst.idx.add.f32.msk $0xffff, v23  }
0x1f8: {  	v34 =	vadd.s32 $0x1, v13;
	[tilespmem:v12+s18+$0x0] =	vst.idx.add.f32.msk $0xffff, v25  }
0x1f9: {  	v35 =	vadd.s32 $0x1, v14;
	v15 =	vld.idx.msk [tilespmem:v18+s3+$0x0], $0xffff  }
0x1fa: {  	v24 =	vadd.s32 $0x1, v1;
	v36 =	vld.idx.msk [tilespmem:v31+s3+$0x0], $0xffff  }
0x1fb: {  	v28 =	vadd.s32 $0x1, v19;
	v20 =	vld.idx.msk [tilespmem:v32+s3+$0x0], $0xffff  }
0x1fc: {  	v26 =	vadd.s32 $0x2, v7;
	v22 =	vld.idx.msk [tilespmem:v33+s3+$0x0], $0xffff  }
0x1fd: {  	v39 =	vadd.s32 $0x1, v2;
	v23 =	vld.idx.msk [tilespmem:v34+s3+$0x0], $0xffff  }
0x1fe: {  	v40 =	vadd.s32 $0x1, v3;
	v16 =	vld.idx.msk [tilespmem:v35+s3+$0x0], $0xffff  }
0x1ff: {  	v27 =	vadd.s32 $0x1, v4;
	[tilespmem:v24+s18+$0x0] =	vst.idx.add.f32.msk $0xffff, v15  }
0x200: {  	v41 =	vadd.s32 $0x1, v6;
	v15 =	vld.idx.msk [tilespmem:v28+s3+$0x0], $0xffff  }
0x201: {  	v30 =	vadd.s32 $0x2, v1;
	v29 =	vld.idx.msk [tilespmem:v26+s3+$0x0], $0xffff  }
0x202: {  	v7 =	vadd.s32 $0x3, v7;
	[tilespmem:v39+s18+$0x0] =	vst.idx.add.f32.msk $0xffff, v36  }
0x203: {  	v44 =	vadd.s32 $0x2, v8;
	[tilespmem:v40+s18+$0x0] =	vst.idx.add.f32.msk $0xffff, v20  }
0x204: {  	v45 =	vadd.s32 $0x2, v9;
	[tilespmem:v27+s18+$0x0] =	vst.idx.add.f32.msk $0xffff, v22  }
0x205: {  	v38 =	vadd.s32 $0x1, v10;
	[tilespmem:v41+s18+$0x0] =	vst.idx.add.f32.msk $0xffff, v16  }
0x206: {  	v43 =	vadd.s32 $0x2, v19;
	[tilespmem:v30+s18+$0x0] =	vst.idx.add.f32.msk $0xffff, v29  }
0x207: {  	v1 =	vadd.s32 $0x3, v1;
	v7 =	vld.idx.msk [tilespmem:v7+s3+$0x0], $0xffff  }
0x208: {  	v37 =	vadd.s32 $0x1, v21;
	v49 =	vld.idx.msk [tilespmem:v44+s3+$0x0], $0xffff  }
0x209: {  	v51 =	vadd.s32 $0x2, v2;
	v22 =	vld.idx.msk [tilespmem:v45+s3+$0x0], $0xffff  }
0x20a: {  	v52 =	vadd.s32 $0x2, v3;
	[tilespmem:v38+s18+$0x0] =	vst.idx.add.f32.msk $0xffff, v15  }
0x20b: {  	v8 =	vadd.s32 $0x3, v8;
	v47 =	vld.idx.msk [tilespmem:v43+s3+$0x0], $0xffff  }
0x20c: {  	[tilespmem:v1+s18+$0x0] =	vst.idx.add.f32.msk $0xffff, v7;
	v1 =	vadd.s32 $0x1, v5  }
0x20d: {  	v42 =	vadd.s32 $0x1, v12;
	v7 =	vld.idx.msk [tilespmem:v37+s3+$0x0], $0xffff  }
0x20e: {  	v50 =	vadd.s32 $0x2, v10;
	[tilespmem:v51+s18+$0x0] =	vst.idx.add.f32.msk $0xffff, v49  }
0x20f: {  	v57 =	vadd.s32 $0x3, v19;
	[tilespmem:v52+s18+$0x0] =	vst.idx.add.f32.msk $0xffff, v22  }
0x210: {  	v2 =	vadd.s32 $0x3, v2;
	v8 =	vld.idx.msk [tilespmem:v8+s3+$0x0], $0xffff  }
0x211: {  	[tilespmem:v1+s18+$0x0] =	vst.idx.add.f32.msk $0xffff, v23;
	v1 =	vadd.s32 $0x2, v11  }
0x212: {  	[tilespmem:v42+s18+$0x0] =	vst.idx.add.f32.msk $0xffff, v7;
	v7 =	vadd.s32 $0x2, v14  }
0x213: {  	v46 =	vadd.s32 $0x2, v13;
	[tilespmem:v50+s18+$0x0] =	vst.idx.add.f32.msk $0xffff, v47  }
0x214: {  	v48 =	vadd.s32 $0x2, v21;
	v60 =	vld.idx.msk [tilespmem:v57+s3+$0x0], $0xffff  }
0x215: {  	v10 =	vadd.s32 $0x3, v10;
	[tilespmem:v2+s18+$0x0] =	vst.idx.add.f32.msk $0xffff, v8  }
0x216: {  	v53 =	vadd.s32 $0x2, v4;
	v1 =	vld.idx.msk [tilespmem:v1+s3+$0x0], $0xffff  }
0x217: {  	v55 =	vadd.s32 $0x2, v6;
	v7 =	vld.idx.msk [tilespmem:v7+s3+$0x0], $0xffff  }
0x218: {  	v54 =	vadd.s32 $0x2, v5;
	v16 =	vld.idx.msk [tilespmem:v46+s3+$0x0], $0xffff  }
0x219: {  	v56 =	vadd.s32 $0x2, v12;
	v17 =	vld.idx.msk [tilespmem:v48+s3+$0x0], $0xffff  }
0x21a: {  	v58 =	vadd.s32 $0x3, v11;
	[tilespmem:v10+s18+$0x0] =	vst.idx.add.f32.msk $0xffff, v60  }
0x21b: {  	[tilespmem:v53+s18+$0x0] =	vst.idx.add.f32.msk $0xffff, v1;
	v1 =	vadd.s32 $0x3, v9  }
0x21c: {  	[tilespmem:v55+s18+$0x0] =	vst.idx.add.f32.msk $0xffff, v7;
	v7 =	vadd.s32 $0x3, v13  }
0x21d: {  	v61 =	vadd.s32 $0x3, v21;
	[tilespmem:v54+s18+$0x0] =	vst.idx.add.f32.msk $0xffff, v16  }
0x21e: {  	v59 =	vadd.s32 $0x3, v14;
	[tilespmem:v56+s18+$0x0] =	vst.idx.add.f32.msk $0xffff, v17  }
0x21f: {  	v63 =	vadd.s32 $0x3, v4;
	v9 =	vld.idx.msk [tilespmem:v58+s3+$0x0], $0xffff  }
0x220: {  	v62 =	vadd.s32 $0x3, v3;
	v1 =	vld.idx.msk [tilespmem:v1+s3+$0x0], $0xffff  }
0x221: {  	v5 =	vadd.s32 $0x3, v5;
	v7 =	vld.idx.msk [tilespmem:v7+s3+$0x0], $0xffff  }
0x222: {  	v3 =	vld.idx.msk [tilespmem:v61+s3+$0x0], $0xffff  }
0x223: {  	v4 =	vld.idx.msk [tilespmem:v59+s3+$0x0], $0xffff  }
0x224: {  	[tilespmem:v63+s18+$0x0] =	vst.idx.add.f32.msk $0xffff, v9  }
0x225: {  	[tilespmem:v62+s18+$0x0] =	vst.idx.add.f32.msk $0xffff, v1  }
0x226: {  	s21 =	simm.s32 $0x139C0;
	s20 =	simm.s32 $0x0;
	v2 =	vadd.s32 $0x3, v6;
	v1 =	vadd.s32 $0x3, v12;
	[tilespmem:v5+s18+$0x0] =	vst.idx.add.f32.msk $0xffff, v7  }
.LBB2_10:
0x227: {  	v5 =	vld [tilespmem:s21+$0x30];
	s20 =	sadd.s32 $0x8, s20  }
0x228: {  	v6 =	vld [tilespmem:s21+$0xFFFFFFD0];
	p0 =	slt.u32 s20, $0x7C8  }
0x229: {  	v7 =	vld [tilespmem:s21+$0xFFFFFFE0]  }
0x22a: {  	v8 =	vld [tilespmem:s21+$0xFFFFFFF0]  }
0x22b: {  	v9 =	vld [tilespmem:s21+$0x0]  }
0x22c: {  	v10 =	vld [tilespmem:s21+$0x10];
	v11 =	vand.u32 $0xFFFF, v5  }
0x22d: {  	v12 =	vand.u32 $0xFFFF, v6;
	v6 =	vshrl.u32 v6, $0x10;
	v13 =	vld [tilespmem:s21+$0x20]  }
0x22e: {  	v14 =	vld [tilespmem:s21+$0xFFFFFFC0];
	v15 =	vadd.s32 $0x1, v12;
	v16 =	vand.u32 $0xFFFF, v7;
	v7 =	vshrl.u32 v7, $0x10  }
0x22f: {  	v17 =	vadd.s32 $0x1, v16;
	v18 =	vand.u32 $0xFFFF, v8;
	v8 =	vshrl.u32 v8, $0x10;
	[tilespmem:v2+s18+$0x0] =	vst.idx.add.f32.msk $0xffff, v4  }
0x230: {  	v4 =	vadd.s32 $0x1, v18;
	v2 =	vand.u32 $0xFFFF, v9;
	v9 =	vshrl.u32 v9, $0x10;
	[tilespmem:v1+s18+$0x0] =	vst.idx.add.f32.msk $0xffff, v3  }
0x231: {  	v3 =	vadd.s32 $0x1, v2;
	v1 =	vand.u32 $0xFFFF, v10;
	v10 =	vshrl.u32 v10, $0x10;
	v19 =	vld.idx.msk [tilespmem:v11+s3+$0x0], $0xffff  }
0x232: {  	v5 =	vshrl.u32 v5, $0x10;
	v20 =	vld.idx.msk [tilespmem:v12+s3+$0x0], $0xffff;
	v21 =	vand.u32 $0xFFFF, v13;
	v13 =	vshrl.u32 v13, $0x10  }
0x233: {  	v24 =	vadd.s32 $0x1, v11;
	v22 =	vand.u32 $0xFFFF, v14;
	v14 =	vshrl.u32 v14, $0x10;
	v23 =	vld.idx.msk [tilespmem:v16+s3+$0x0], $0xffff  }
0x234: {  	v27 =	vadd.s32 $0x1, v1;
	v28 =	vadd.s32 $0x1, v21;
	v25 =	vadd.s32 $0x1, v22;
	v26 =	vld.idx.msk [tilespmem:v18+s3+$0x0], $0xffff  }
0x235: {  	v30 =	vadd.s32 $0x1, v6;
	v31 =	vadd.s32 $0x1, v7;
	v29 =	vadd.s32 $0x1, v14;
	v32 =	vld.idx.msk [tilespmem:v2+s3+$0x0], $0xffff  }
0x236: {  	v33 =	vadd.s32 $0x1, v8;
	v34 =	vadd.s32 $0x1, v9;
	v36 =	vadd.s32 $0x1, v10;
	v35 =	vld.idx.msk [tilespmem:v1+s3+$0x0], $0xffff  }
0x237: {  	v38 =	vadd.s32 $0x2, v12;
	v39 =	vadd.s32 $0x1, v13;
	v37 =	vadd.s32 $0x2, v22;
	[tilespmem:v5+s18+$0x0] =	vst.idx.add.f32.msk $0xffff, v19  }
0x238: {  	v40 =	vadd.s32 $0x2, v18;
	v41 =	vadd.s32 $0x2, v2;
	v19 =	vadd.s32 $0x2, v16;
	v24 =	vld.idx.msk [tilespmem:v24+s3+$0x0], $0xffff  }
0x239: {  	v45 =	vadd.s32 $0x1, v5;
	v43 =	vadd.s32 $0x2, v1;
	v44 =	vadd.s32 $0x2, v21;
	v42 =	vld.idx.msk [tilespmem:v22+s3+$0x0], $0xffff  }
0x23a: {  	v49 =	vadd.s32 $0x2, v11;
	v47 =	vadd.s32 $0x2, v6;
	v46 =	vadd.s32 $0x2, v14;
	v48 =	vld.idx.msk [tilespmem:v21+s3+$0x0], $0xffff  }
0x23b: {  	v50 =	vadd.s32 $0x2, v8;
	v51 =	vadd.s32 $0x2, v9;
	[tilespmem:v6+s18+$0x0] =	vst.idx.add.f32.msk $0xffff, v20;
	v20 =	vadd.s32 $0x2, v7  }
0x23c: {  	v52 =	vadd.s32 $0x2, v13;
	v22 =	vadd.s32 $0x3, v22;
	[tilespmem:v7+s18+$0x0] =	vst.idx.add.f32.msk $0xffff, v23;
	v23 =	vadd.s32 $0x2, v10  }
0x23d: {  	v12 =	vadd.s32 $0x3, v12;
	v18 =	vadd.s32 $0x3, v18;
	v16 =	vadd.s32 $0x3, v16;
	[tilespmem:v8+s18+$0x0] =	vst.idx.add.f32.msk $0xffff, v26  }
0x23e: {  	v53 =	vadd.s32 $0x3, v1;
	v21 =	vadd.s32 $0x3, v21;
	v26 =	vadd.s32 $0x3, v2;
	[tilespmem:v45+s18+$0x0] =	vst.idx.add.f32.msk $0xffff, v24  }
0x23f: {  	v6 =	vadd.s32 $0x3, v6;
	v7 =	vadd.s32 $0x3, v7;
	v24 =	vadd.s32 $0x3, v14;
	v45 =	vld.idx.msk [tilespmem:v49+s3+$0x0], $0xffff  }
0x240: {  	v8 =	vadd.s32 $0x3, v8;
	[tilespmem:v14+s18+$0x0] =	vst.idx.add.f32.msk $0xffff, v42;
	v14 =	vadd.s32 $0x3, v9;
	v42 =	vadd.s32 $0x2, v5  }
0x241: {  	v1 =	vadd.s32 $0x3, v13;
	v2 =	vadd.s32 $0x3, v10;
	[tilespmem:v9+s18+$0x0] =	vst.idx.add.f32.msk $0xffff, v32;
	v9 =	vadd.s32 $0x3, v11  }
0x242: {  	[tilespmem:v10+s18+$0x0] =	vst.idx.add.f32.msk $0xffff, v35  }
0x243: {  	[tilespmem:v13+s18+$0x0] =	vst.idx.add.f32.msk $0xffff, v48  }
0x244: {  	v10 =	vld.idx.msk [tilespmem:v25+s3+$0x0], $0xffff  }
0x245: {  	[tilespmem:v42+s18+$0x0] =	vst.idx.add.f32.msk $0xffff, v45  }
0x246: {  	v9 =	vld.idx.msk [tilespmem:v9+s3+$0x0], $0xffff  }
0x247: {  	v5 =	vadd.s32 $0x3, v5;
	v11 =	vld.idx.msk [tilespmem:v15+s3+$0x0], $0xffff  }
0x248: {  	v13 =	vld.idx.msk [tilespmem:v17+s3+$0x0], $0xffff  }
0x249: {  	v4 =	vld.idx.msk [tilespmem:v4+s3+$0x0], $0xffff  }
0x24a: {  	v3 =	vld.idx.msk [tilespmem:v3+s3+$0x0], $0xffff  }
0x24b: {  	v15 =	vld.idx.msk [tilespmem:v27+s3+$0x0], $0xffff  }
0x24c: {  	[tilespmem:v5+s18+$0x0] =	vst.idx.add.f32.msk $0xffff, v9  }
0x24d: {  	v5 =	vld.idx.msk [tilespmem:v28+s3+$0x0], $0xffff  }
0x24e: {  	[tilespmem:v29+s18+$0x0] =	vst.idx.add.f32.msk $0xffff, v10  }
0x24f: {  	[tilespmem:v30+s18+$0x0] =	vst.idx.add.f32.msk $0xffff, v11  }
0x250: {  	[tilespmem:v31+s18+$0x0] =	vst.idx.add.f32.msk $0xffff, v13  }
0x251: {  	[tilespmem:v33+s18+$0x0] =	vst.idx.add.f32.msk $0xffff, v4  }
0x252: {  	[tilespmem:v34+s18+$0x0] =	vst.idx.add.f32.msk $0xffff, v3  }
0x253: {  	[tilespmem:v36+s18+$0x0] =	vst.idx.add.f32.msk $0xffff, v15  }
0x254: {  	[tilespmem:v39+s18+$0x0] =	vst.idx.add.f32.msk $0xffff, v5  }
0x255: {  	v3 =	vld.idx.msk [tilespmem:v37+s3+$0x0], $0xffff  }
0x256: {  	v4 =	vld.idx.msk [tilespmem:v38+s3+$0x0], $0xffff  }
0x257: {  	v5 =	vld.idx.msk [tilespmem:v19+s3+$0x0], $0xffff  }
0x258: {  	v9 =	vld.idx.msk [tilespmem:v40+s3+$0x0], $0xffff  }
0x259: {  	v10 =	vld.idx.msk [tilespmem:v41+s3+$0x0], $0xffff  }
0x25a: {  	v11 =	vld.idx.msk [tilespmem:v43+s3+$0x0], $0xffff  }
0x25b: {  	v13 =	vld.idx.msk [tilespmem:v44+s3+$0x0], $0xffff  }
0x25c: {  	[tilespmem:v46+s18+$0x0] =	vst.idx.add.f32.msk $0xffff, v3  }
0x25d: {  	[tilespmem:v47+s18+$0x0] =	vst.idx.add.f32.msk $0xffff, v4  }
0x25e: {  	[tilespmem:v20+s18+$0x0] =	vst.idx.add.f32.msk $0xffff, v5  }
0x25f: {  	[tilespmem:v50+s18+$0x0] =	vst.idx.add.f32.msk $0xffff, v9  }
0x260: {  	[tilespmem:v51+s18+$0x0] =	vst.idx.add.f32.msk $0xffff, v10  }
0x261: {  	[tilespmem:v23+s18+$0x0] =	vst.idx.add.f32.msk $0xffff, v11  }
0x262: {  	[tilespmem:v52+s18+$0x0] =	vst.idx.add.f32.msk $0xffff, v13  }
0x263: {  	v5 =	vld.idx.msk [tilespmem:v22+s3+$0x0], $0xffff  }
0x264: {  	v9 =	vld.idx.msk [tilespmem:v12+s3+$0x0], $0xffff  }
0x265: {  	v10 =	vld.idx.msk [tilespmem:v16+s3+$0x0], $0xffff  }
0x266: {  	v11 =	vld.idx.msk [tilespmem:v18+s3+$0x0], $0xffff  }
0x267: {  	v12 =	vld.idx.msk [tilespmem:v26+s3+$0x0], $0xffff  }
0x268: {  	v4 =	vld.idx.msk [tilespmem:v53+s3+$0x0], $0xffff  }
0x269: {  	v3 =	vld.idx.msk [tilespmem:v21+s3+$0x0], $0xffff  }
.Ltmp4:
0x26a: {  	[tilespmem:v24+s18+$0x0] =	vst.idx.add.f32.msk $0xffff, v5;
	(pc) =	sbr.rel @p0 .LBB2_10-.Ltmp4, $4  }
0x26b: {  	[tilespmem:v6+s18+$0x0] =	vst.idx.add.f32.msk $0xffff, v9  }
0x26c: {  	[tilespmem:v7+s18+$0x0] =	vst.idx.add.f32.msk $0xffff, v10  }
0x26d: {  	[tilespmem:v8+s18+$0x0] =	vst.idx.add.f32.msk $0xffff, v11  }
0x26e: {  	s21 =	sadd.s32 $0x80, s21;
	[tilespmem:v14+s18+$0x0] =	vst.idx.add.f32.msk $0xffff, v12  }
0x26f: {  	_ =	sdelay $0x3  }
0x270: {  	[tilespmem:v2+s18+$0x0] =	vst.idx.add.f32.msk $0xffff, v4  }
0x271: {  	[tilespmem:v1+s18+$0x0] =	vst.idx.add.f32.msk $0xffff, v3  }
0x272: {  	[tilespmem:s17], [sflag:$0x1] =	stream.linear.gather [hbm4b:s8+s3], $0x7D00, $0x38;
	[tilespmem:$0x1B600] =	vst v63  }
0x273: {  	_ =	swait.ge [sflag:s16], $0x7D00  }
0x274: {  	[sflag:s16] =	ssyncset.done $0x0  }
0x275: {  	s20 =	simm.s32 $0x13940;
	[sflag:s16] =	ssyncadd.s32 $0xFFFF8300  }
0x276: {  	v1 =	vld [tilespmem:s20+$0x30]  }
0x277: {  	v2 =	vld [tilespmem:s20+$0xFFFFFFD0]  }
0x278: {  	v3 =	vld [tilespmem:s20+$0xFFFFFFE0]  }
0x279: {  	v4 =	vld [tilespmem:s20+$0xFFFFFFF0]  }
0x27a: {  	v5 =	vld [tilespmem:s20+$0x0]  }
0x27b: {  	v6 =	vld [tilespmem:s20+$0x10];
	v7 =	vand.u32 $0xFFFF, v1  }
0x27c: {  	v10 =	vld [tilespmem:s20+$0xFFFFFFC0];
	v8 =	vand.u32 $0xFFFF, v2  }
0x27d: {  	v12 =	vld [tilespmem:s20+$0x20];
	v9 =	vand.u32 $0xFFFF, v3  }
0x27e: {  	v11 =	vand.u32 $0xFFFF, v4  }
0x27f: {  	v13 =	vand.u32 $0xFFFF, v5  }
0x280: {  	v14 =	vand.u32 $0xFFFF, v6;
	v15 =	vld.idx.msk [tilespmem:v7+s3+$0x0], $0xffff  }
0x281: {  	v19 =	vand.u32 $0xFFFF, v10;
	v16 =	vld.idx.msk [tilespmem:v8+s3+$0x0], $0xffff  }
0x282: {  	v21 =	vand.u32 $0xFFFF, v12;
	v17 =	vld.idx.msk [tilespmem:v9+s3+$0x0], $0xffff  }
0x283: {  	v1 =	vshrl.u32 v1, $0x10;
	v20 =	vld.idx.msk [tilespmem:v11+s3+$0x0], $0xffff  }
0x284: {  	v2 =	vshrl.u32 v2, $0x10;
	v22 =	vld.idx.msk [tilespmem:v13+s3+$0x0], $0xffff  }
0x285: {  	v3 =	vshrl.u32 v3, $0x10;
	v23 =	vld.idx.msk [tilespmem:v14+s3+$0x0], $0xffff  }
0x286: {  	v4 =	vshrl.u32 v4, $0x10;
	v63 =	vld.idx.msk [tilespmem:v19+s3+$0x0], $0xffff  }
0x287: {  	v10 =	vshrl.u32 v10, $0x10;
	v25 =	vld.idx.msk [tilespmem:v21+s3+$0x0], $0xffff  }
0x288: {  	v5 =	vshrl.u32 v5, $0x10;
	[tilespmem:v1+s18+$0x0] =	vst.idx.add.f32.msk $0xffff, v15  }
0x289: {  	v6 =	vshrl.u32 v6, $0x10;
	[tilespmem:v2+s18+$0x0] =	vst.idx.add.f32.msk $0xffff, v16  }
0x28a: {  	v12 =	vshrl.u32 v12, $0x10;
	[tilespmem:v3+s18+$0x0] =	vst.idx.add.f32.msk $0xffff, v17  }
0x28b: {  	v18 =	vadd.s32 $0x1, v7;
	[tilespmem:v4+s18+$0x0] =	vst.idx.add.f32.msk $0xffff, v20  }
0x28c: {  	v31 =	vadd.s32 $0x1, v8;
	[tilespmem:v10+s18+$0x0] =	vst.idx.add.f32.msk $0xffff, v63  }
0x28d: {  	v32 =	vadd.s32 $0x1, v9;
	[tilespmem:v5+s18+$0x0] =	vst.idx.add.f32.msk $0xffff, v22  }
0x28e: {  	v33 =	vadd.s32 $0x1, v11;
	[tilespmem:v6+s18+$0x0] =	vst.idx.add.f32.msk $0xffff, v23  }
0x28f: {  	v34 =	vadd.s32 $0x1, v13;
	[tilespmem:v12+s18+$0x0] =	vst.idx.add.f32.msk $0xffff, v25  }
0x290: {  	v35 =	vadd.s32 $0x1, v14;
	v15 =	vld.idx.msk [tilespmem:v18+s3+$0x0], $0xffff  }
0x291: {  	v24 =	vadd.s32 $0x1, v1;
	v36 =	vld.idx.msk [tilespmem:v31+s3+$0x0], $0xffff  }
0x292: {  	v28 =	vadd.s32 $0x1, v19;
	v20 =	vld.idx.msk [tilespmem:v32+s3+$0x0], $0xffff  }
0x293: {  	v26 =	vadd.s32 $0x2, v7;
	v22 =	vld.idx.msk [tilespmem:v33+s3+$0x0], $0xffff  }
0x294: {  	v39 =	vadd.s32 $0x1, v2;
	v23 =	vld.idx.msk [tilespmem:v34+s3+$0x0], $0xffff  }
0x295: {  	v40 =	vadd.s32 $0x1, v3;
	v16 =	vld.idx.msk [tilespmem:v35+s3+$0x0], $0xffff  }
0x296: {  	v27 =	vadd.s32 $0x1, v4;
	[tilespmem:v24+s18+$0x0] =	vst.idx.add.f32.msk $0xffff, v15  }
0x297: {  	v41 =	vadd.s32 $0x1, v6;
	v15 =	vld.idx.msk [tilespmem:v28+s3+$0x0], $0xffff  }
0x298: {  	v30 =	vadd.s32 $0x2, v1;
	v29 =	vld.idx.msk [tilespmem:v26+s3+$0x0], $0xffff  }
0x299: {  	v7 =	vadd.s32 $0x3, v7;
	[tilespmem:v39+s18+$0x0] =	vst.idx.add.f32.msk $0xffff, v36  }
0x29a: {  	v44 =	vadd.s32 $0x2, v8;
	[tilespmem:v40+s18+$0x0] =	vst.idx.add.f32.msk $0xffff, v20  }
0x29b: {  	v45 =	vadd.s32 $0x2, v9;
	[tilespmem:v27+s18+$0x0] =	vst.idx.add.f32.msk $0xffff, v22  }
0x29c: {  	v38 =	vadd.s32 $0x1, v10;
	[tilespmem:v41+s18+$0x0] =	vst.idx.add.f32.msk $0xffff, v16  }
0x29d: {  	v43 =	vadd.s32 $0x2, v19;
	[tilespmem:v30+s18+$0x0] =	vst.idx.add.f32.msk $0xffff, v29  }
0x29e: {  	v1 =	vadd.s32 $0x3, v1;
	v7 =	vld.idx.msk [tilespmem:v7+s3+$0x0], $0xffff  }
0x29f: {  	v37 =	vadd.s32 $0x1, v21;
	v49 =	vld.idx.msk [tilespmem:v44+s3+$0x0], $0xffff  }
0x2a0: {  	v51 =	vadd.s32 $0x2, v2;
	v22 =	vld.idx.msk [tilespmem:v45+s3+$0x0], $0xffff  }
0x2a1: {  	v52 =	vadd.s32 $0x2, v3;
	[tilespmem:v38+s18+$0x0] =	vst.idx.add.f32.msk $0xffff, v15  }
0x2a2: {  	v8 =	vadd.s32 $0x3, v8;
	v47 =	vld.idx.msk [tilespmem:v43+s3+$0x0], $0xffff  }
0x2a3: {  	[tilespmem:v1+s18+$0x0] =	vst.idx.add.f32.msk $0xffff, v7;
	v1 =	vadd.s32 $0x1, v5  }
0x2a4: {  	v42 =	vadd.s32 $0x1, v12;
	v7 =	vld.idx.msk [tilespmem:v37+s3+$0x0], $0xffff  }
0x2a5: {  	v50 =	vadd.s32 $0x2, v10;
	[tilespmem:v51+s18+$0x0] =	vst.idx.add.f32.msk $0xffff, v49  }
0x2a6: {  	v57 =	vadd.s32 $0x3, v19;
	[tilespmem:v52+s18+$0x0] =	vst.idx.add.f32.msk $0xffff, v22  }
0x2a7: {  	v2 =	vadd.s32 $0x3, v2;
	v8 =	vld.idx.msk [tilespmem:v8+s3+$0x0], $0xffff  }
0x2a8: {  	[tilespmem:v1+s18+$0x0] =	vst.idx.add.f32.msk $0xffff, v23;
	v1 =	vadd.s32 $0x2, v11  }
0x2a9: {  	[tilespmem:v42+s18+$0x0] =	vst.idx.add.f32.msk $0xffff, v7;
	v7 =	vadd.s32 $0x2, v14  }
0x2aa: {  	v46 =	vadd.s32 $0x2, v13;
	[tilespmem:v50+s18+$0x0] =	vst.idx.add.f32.msk $0xffff, v47  }
0x2ab: {  	v48 =	vadd.s32 $0x2, v21;
	v60 =	vld.idx.msk [tilespmem:v57+s3+$0x0], $0xffff  }
0x2ac: {  	v10 =	vadd.s32 $0x3, v10;
	[tilespmem:v2+s18+$0x0] =	vst.idx.add.f32.msk $0xffff, v8  }
0x2ad: {  	v53 =	vadd.s32 $0x2, v4;
	v1 =	vld.idx.msk [tilespmem:v1+s3+$0x0], $0xffff  }
0x2ae: {  	v55 =	vadd.s32 $0x2, v6;
	v7 =	vld.idx.msk [tilespmem:v7+s3+$0x0], $0xffff  }
0x2af: {  	v54 =	vadd.s32 $0x2, v5;
	v16 =	vld.idx.msk [tilespmem:v46+s3+$0x0], $0xffff  }
0x2b0: {  	v56 =	vadd.s32 $0x2, v12;
	v17 =	vld.idx.msk [tilespmem:v48+s3+$0x0], $0xffff  }
0x2b1: {  	v58 =	vadd.s32 $0x3, v11;
	[tilespmem:v10+s18+$0x0] =	vst.idx.add.f32.msk $0xffff, v60  }
0x2b2: {  	[tilespmem:v53+s18+$0x0] =	vst.idx.add.f32.msk $0xffff, v1;
	v1 =	vadd.s32 $0x3, v9  }
0x2b3: {  	[tilespmem:v55+s18+$0x0] =	vst.idx.add.f32.msk $0xffff, v7;
	v7 =	vadd.s32 $0x3, v13  }
0x2b4: {  	v61 =	vadd.s32 $0x3, v21;
	[tilespmem:v54+s18+$0x0] =	vst.idx.add.f32.msk $0xffff, v16  }
0x2b5: {  	v59 =	vadd.s32 $0x3, v14;
	[tilespmem:v56+s18+$0x0] =	vst.idx.add.f32.msk $0xffff, v17  }
0x2b6: {  	v63 =	vadd.s32 $0x3, v4;
	v9 =	vld.idx.msk [tilespmem:v58+s3+$0x0], $0xffff  }
0x2b7: {  	v62 =	vadd.s32 $0x3, v3;
	v1 =	vld.idx.msk [tilespmem:v1+s3+$0x0], $0xffff  }
0x2b8: {  	v5 =	vadd.s32 $0x3, v5;
	v7 =	vld.idx.msk [tilespmem:v7+s3+$0x0], $0xffff  }
0x2b9: {  	v3 =	vld.idx.msk [tilespmem:v61+s3+$0x0], $0xffff  }
0x2ba: {  	v4 =	vld.idx.msk [tilespmem:v59+s3+$0x0], $0xffff  }
0x2bb: {  	[tilespmem:v63+s18+$0x0] =	vst.idx.add.f32.msk $0xffff, v9  }
0x2bc: {  	[tilespmem:v62+s18+$0x0] =	vst.idx.add.f32.msk $0xffff, v1  }
0x2bd: {  	s21 =	simm.s32 $0x139C0;
	s20 =	simm.s32 $0x0;
	v2 =	vadd.s32 $0x3, v6;
	v1 =	vadd.s32 $0x3, v12;
	[tilespmem:v5+s18+$0x0] =	vst.idx.add.f32.msk $0xffff, v7  }
.LBB2_12:
0x2be: {  	v5 =	vld [tilespmem:s21+$0x30];
	s20 =	sadd.s32 $0x8, s20  }
0x2bf: {  	v6 =	vld [tilespmem:s21+$0xFFFFFFD0];
	p0 =	slt.u32 s20, $0x7C8  }
0x2c0: {  	v7 =	vld [tilespmem:s21+$0xFFFFFFE0]  }
0x2c1: {  	v8 =	vld [tilespmem:s21+$0xFFFFFFF0]  }
0x2c2: {  	v9 =	vld [tilespmem:s21+$0x0]  }
0x2c3: {  	v10 =	vld [tilespmem:s21+$0x10];
	v11 =	vand.u32 $0xFFFF, v5  }
0x2c4: {  	v12 =	vand.u32 $0xFFFF, v6;
	v6 =	vshrl.u32 v6, $0x10;
	v13 =	vld [tilespmem:s21+$0x20]  }
0x2c5: {  	v14 =	vld [tilespmem:s21+$0xFFFFFFC0];
	v15 =	vadd.s32 $0x1, v12;
	v16 =	vand.u32 $0xFFFF, v7;
	v7 =	vshrl.u32 v7, $0x10  }
0x2c6: {  	v17 =	vadd.s32 $0x1, v16;
	v18 =	vand.u32 $0xFFFF, v8;
	v8 =	vshrl.u32 v8, $0x10;
	[tilespmem:v2+s18+$0x0] =	vst.idx.add.f32.msk $0xffff, v4  }
0x2c7: {  	v4 =	vadd.s32 $0x1, v18;
	v2 =	vand.u32 $0xFFFF, v9;
	v9 =	vshrl.u32 v9, $0x10;
	[tilespmem:v1+s18+$0x0] =	vst.idx.add.f32.msk $0xffff, v3  }
0x2c8: {  	v3 =	vadd.s32 $0x1, v2;
	v1 =	vand.u32 $0xFFFF, v10;
	v10 =	vshrl.u32 v10, $0x10;
	v19 =	vld.idx.msk [tilespmem:v11+s3+$0x0], $0xffff  }
0x2c9: {  	v5 =	vshrl.u32 v5, $0x10;
	v20 =	vld.idx.msk [tilespmem:v12+s3+$0x0], $0xffff;
	v21 =	vand.u32 $0xFFFF, v13;
	v13 =	vshrl.u32 v13, $0x10  }
0x2ca: {  	v24 =	vadd.s32 $0x1, v11;
	v22 =	vand.u32 $0xFFFF, v14;
	v14 =	vshrl.u32 v14, $0x10;
	v23 =	vld.idx.msk [tilespmem:v16+s3+$0x0], $0xffff  }
0x2cb: {  	v27 =	vadd.s32 $0x1, v1;
	v28 =	vadd.s32 $0x1, v21;
	v25 =	vadd.s32 $0x1, v22;
	v26 =	vld.idx.msk [tilespmem:v18+s3+$0x0], $0xffff  }
0x2cc: {  	v30 =	vadd.s32 $0x1, v6;
	v31 =	vadd.s32 $0x1, v7;
	v29 =	vadd.s32 $0x1, v14;
	v32 =	vld.idx.msk [tilespmem:v2+s3+$0x0], $0xffff  }
0x2cd: {  	v33 =	vadd.s32 $0x1, v8;
	v34 =	vadd.s32 $0x1, v9;
	v36 =	vadd.s32 $0x1, v10;
	v35 =	vld.idx.msk [tilespmem:v1+s3+$0x0], $0xffff  }
0x2ce: {  	v38 =	vadd.s32 $0x2, v12;
	v39 =	vadd.s32 $0x1, v13;
	v37 =	vadd.s32 $0x2, v22;
	[tilespmem:v5+s18+$0x0] =	vst.idx.add.f32.msk $0xffff, v19  }
0x2cf: {  	v40 =	vadd.s32 $0x2, v18;
	v41 =	vadd.s32 $0x2, v2;
	v19 =	vadd.s32 $0x2, v16;
	v24 =	vld.idx.msk [tilespmem:v24+s3+$0x0], $0xffff  }
0x2d0: {  	v45 =	vadd.s32 $0x1, v5;
	v43 =	vadd.s32 $0x2, v1;
	v44 =	vadd.s32 $0x2, v21;
	v42 =	vld.idx.msk [tilespmem:v22+s3+$0x0], $0xffff  }
0x2d1: {  	v49 =	vadd.s32 $0x2, v11;
	v47 =	vadd.s32 $0x2, v6;
	v46 =	vadd.s32 $0x2, v14;
	v48 =	vld.idx.msk [tilespmem:v21+s3+$0x0], $0xffff  }
0x2d2: {  	v50 =	vadd.s32 $0x2, v8;
	v51 =	vadd.s32 $0x2, v9;
	[tilespmem:v6+s18+$0x0] =	vst.idx.add.f32.msk $0xffff, v20;
	v20 =	vadd.s32 $0x2, v7  }
0x2d3: {  	v52 =	vadd.s32 $0x2, v13;
	v22 =	vadd.s32 $0x3, v22;
	[tilespmem:v7+s18+$0x0] =	vst.idx.add.f32.msk $0xffff, v23;
	v23 =	vadd.s32 $0x2, v10  }
0x2d4: {  	v12 =	vadd.s32 $0x3, v12;
	v18 =	vadd.s32 $0x3, v18;
	v16 =	vadd.s32 $0x3, v16;
	[tilespmem:v8+s18+$0x0] =	vst.idx.add.f32.msk $0xffff, v26  }
0x2d5: {  	v53 =	vadd.s32 $0x3, v1;
	v21 =	vadd.s32 $0x3, v21;
	v26 =	vadd.s32 $0x3, v2;
	[tilespmem:v45+s18+$0x0] =	vst.idx.add.f32.msk $0xffff, v24  }
0x2d6: {  	v6 =	vadd.s32 $0x3, v6;
	v7 =	vadd.s32 $0x3, v7;
	v24 =	vadd.s32 $0x3, v14;
	v45 =	vld.idx.msk [tilespmem:v49+s3+$0x0], $0xffff  }
0x2d7: {  	v8 =	vadd.s32 $0x3, v8;
	[tilespmem:v14+s18+$0x0] =	vst.idx.add.f32.msk $0xffff, v42;
	v14 =	vadd.s32 $0x3, v9;
	v42 =	vadd.s32 $0x2, v5  }
0x2d8: {  	v1 =	vadd.s32 $0x3, v13;
	v2 =	vadd.s32 $0x3, v10;
	[tilespmem:v9+s18+$0x0] =	vst.idx.add.f32.msk $0xffff, v32;
	v9 =	vadd.s32 $0x3, v11  }
0x2d9: {  	[tilespmem:v10+s18+$0x0] =	vst.idx.add.f32.msk $0xffff, v35  }
0x2da: {  	[tilespmem:v13+s18+$0x0] =	vst.idx.add.f32.msk $0xffff, v48  }
0x2db: {  	v10 =	vld.idx.msk [tilespmem:v25+s3+$0x0], $0xffff  }
0x2dc: {  	[tilespmem:v42+s18+$0x0] =	vst.idx.add.f32.msk $0xffff, v45  }
0x2dd: {  	v9 =	vld.idx.msk [tilespmem:v9+s3+$0x0], $0xffff  }
0x2de: {  	v5 =	vadd.s32 $0x3, v5;
	v11 =	vld.idx.msk [tilespmem:v15+s3+$0x0], $0xffff  }
0x2df: {  	v13 =	vld.idx.msk [tilespmem:v17+s3+$0x0], $0xffff  }
0x2e0: {  	v4 =	vld.idx.msk [tilespmem:v4+s3+$0x0], $0xffff  }
0x2e1: {  	v3 =	vld.idx.msk [tilespmem:v3+s3+$0x0], $0xffff  }
0x2e2: {  	v15 =	vld.idx.msk [tilespmem:v27+s3+$0x0], $0xffff  }
0x2e3: {  	[tilespmem:v5+s18+$0x0] =	vst.idx.add.f32.msk $0xffff, v9  }
0x2e4: {  	v5 =	vld.idx.msk [tilespmem:v28+s3+$0x0], $0xffff  }
0x2e5: {  	[tilespmem:v29+s18+$0x0] =	vst.idx.add.f32.msk $0xffff, v10  }
0x2e6: {  	[tilespmem:v30+s18+$0x0] =	vst.idx.add.f32.msk $0xffff, v11  }
0x2e7: {  	[tilespmem:v31+s18+$0x0] =	vst.idx.add.f32.msk $0xffff, v13  }
0x2e8: {  	[tilespmem:v33+s18+$0x0] =	vst.idx.add.f32.msk $0xffff, v4  }
0x2e9: {  	[tilespmem:v34+s18+$0x0] =	vst.idx.add.f32.msk $0xffff, v3  }
0x2ea: {  	[tilespmem:v36+s18+$0x0] =	vst.idx.add.f32.msk $0xffff, v15  }
0x2eb: {  	[tilespmem:v39+s18+$0x0] =	vst.idx.add.f32.msk $0xffff, v5  }
0x2ec: {  	v3 =	vld.idx.msk [tilespmem:v37+s3+$0x0], $0xffff  }
0x2ed: {  	v4 =	vld.idx.msk [tilespmem:v38+s3+$0x0], $0xffff  }
0x2ee: {  	v5 =	vld.idx.msk [tilespmem:v19+s3+$0x0], $0xffff  }
0x2ef: {  	v9 =	vld.idx.msk [tilespmem:v40+s3+$0x0], $0xffff  }
0x2f0: {  	v10 =	vld.idx.msk [tilespmem:v41+s3+$0x0], $0xffff  }
0x2f1: {  	v11 =	vld.idx.msk [tilespmem:v43+s3+$0x0], $0xffff  }
0x2f2: {  	v13 =	vld.idx.msk [tilespmem:v44+s3+$0x0], $0xffff  }
0x2f3: {  	[tilespmem:v46+s18+$0x0] =	vst.idx.add.f32.msk $0xffff, v3  }
0x2f4: {  	[tilespmem:v47+s18+$0x0] =	vst.idx.add.f32.msk $0xffff, v4  }
0x2f5: {  	[tilespmem:v20+s18+$0x0] =	vst.idx.add.f32.msk $0xffff, v5  }
0x2f6: {  	[tilespmem:v50+s18+$0x0] =	vst.idx.add.f32.msk $0xffff, v9  }
0x2f7: {  	[tilespmem:v51+s18+$0x0] =	vst.idx.add.f32.msk $0xffff, v10  }
0x2f8: {  	[tilespmem:v23+s18+$0x0] =	vst.idx.add.f32.msk $0xffff, v11  }
0x2f9: {  	[tilespmem:v52+s18+$0x0] =	vst.idx.add.f32.msk $0xffff, v13  }
0x2fa: {  	v5 =	vld.idx.msk [tilespmem:v22+s3+$0x0], $0xffff  }
0x2fb: {  	v9 =	vld.idx.msk [tilespmem:v12+s3+$0x0], $0xffff  }
0x2fc: {  	v10 =	vld.idx.msk [tilespmem:v16+s3+$0x0], $0xffff  }
0x2fd: {  	v11 =	vld.idx.msk [tilespmem:v18+s3+$0x0], $0xffff  }
0x2fe: {  	v12 =	vld.idx.msk [tilespmem:v26+s3+$0x0], $0xffff  }
0x2ff: {  	v4 =	vld.idx.msk [tilespmem:v53+s3+$0x0], $0xffff  }
0x300: {  	v3 =	vld.idx.msk [tilespmem:v21+s3+$0x0], $0xffff  }
.Ltmp5:
0x301: {  	[tilespmem:v24+s18+$0x0] =	vst.idx.add.f32.msk $0xffff, v5;
	(pc) =	sbr.rel @p0 .LBB2_12-.Ltmp5, $4  }
0x302: {  	[tilespmem:v6+s18+$0x0] =	vst.idx.add.f32.msk $0xffff, v9  }
0x303: {  	[tilespmem:v7+s18+$0x0] =	vst.idx.add.f32.msk $0xffff, v10  }
0x304: {  	[tilespmem:v8+s18+$0x0] =	vst.idx.add.f32.msk $0xffff, v11  }
0x305: {  	s21 =	sadd.s32 $0x80, s21;
	[tilespmem:v14+s18+$0x0] =	vst.idx.add.f32.msk $0xffff, v12  }
0x306: {  	_ =	sdelay $0x3  }
0x307: {  	[tilespmem:v2+s18+$0x0] =	vst.idx.add.f32.msk $0xffff, v4  }
0x308: {  	[tilespmem:v1+s18+$0x0] =	vst.idx.add.f32.msk $0xffff, v3  }
0x309: {  	[tilespmem:s17], [sflag:$0x1] =	stream.linear.gather [hbm4b:s9+s3], $0x7D00, $0x38;
	[tilespmem:$0x1B600] =	vst v63  }
0x30a: {  	_ =	swait.ge [sflag:s16], $0x7D00  }
0x30b: {  	[sflag:s16] =	ssyncset.done $0x0  }
0x30c: {  	s20 =	simm.s32 $0x13940;
	[sflag:s16] =	ssyncadd.s32 $0xFFFF8300  }
0x30d: {  	v1 =	vld [tilespmem:s20+$0x30]  }
0x30e: {  	v2 =	vld [tilespmem:s20+$0xFFFFFFD0]  }
0x30f: {  	v3 =	vld [tilespmem:s20+$0xFFFFFFE0]  }
0x310: {  	v4 =	vld [tilespmem:s20+$0xFFFFFFF0]  }
0x311: {  	v5 =	vld [tilespmem:s20+$0x0]  }
0x312: {  	v6 =	vld [tilespmem:s20+$0x10];
	v7 =	vand.u32 $0xFFFF, v1  }
0x313: {  	v10 =	vld [tilespmem:s20+$0xFFFFFFC0];
	v8 =	vand.u32 $0xFFFF, v2  }
0x314: {  	v12 =	vld [tilespmem:s20+$0x20];
	v9 =	vand.u32 $0xFFFF, v3  }
0x315: {  	v11 =	vand.u32 $0xFFFF, v4  }
0x316: {  	v13 =	vand.u32 $0xFFFF, v5  }
0x317: {  	v14 =	vand.u32 $0xFFFF, v6;
	v15 =	vld.idx.msk [tilespmem:v7+s3+$0x0], $0xffff  }
0x318: {  	v19 =	vand.u32 $0xFFFF, v10;
	v16 =	vld.idx.msk [tilespmem:v8+s3+$0x0], $0xffff  }
0x319: {  	v21 =	vand.u32 $0xFFFF, v12;
	v17 =	vld.idx.msk [tilespmem:v9+s3+$0x0], $0xffff  }
0x31a: {  	v1 =	vshrl.u32 v1, $0x10;
	v20 =	vld.idx.msk [tilespmem:v11+s3+$0x0], $0xffff  }
0x31b: {  	v2 =	vshrl.u32 v2, $0x10;
	v22 =	vld.idx.msk [tilespmem:v13+s3+$0x0], $0xffff  }
0x31c: {  	v3 =	vshrl.u32 v3, $0x10;
	v23 =	vld.idx.msk [tilespmem:v14+s3+$0x0], $0xffff  }
0x31d: {  	v4 =	vshrl.u32 v4, $0x10;
	v63 =	vld.idx.msk [tilespmem:v19+s3+$0x0], $0xffff  }
0x31e: {  	v10 =	vshrl.u32 v10, $0x10;
	v25 =	vld.idx.msk [tilespmem:v21+s3+$0x0], $0xffff  }
0x31f: {  	v5 =	vshrl.u32 v5, $0x10;
	[tilespmem:v1+s18+$0x0] =	vst.idx.add.f32.msk $0xffff, v15  }
0x320: {  	v6 =	vshrl.u32 v6, $0x10;
	[tilespmem:v2+s18+$0x0] =	vst.idx.add.f32.msk $0xffff, v16  }
0x321: {  	v12 =	vshrl.u32 v12, $0x10;
	[tilespmem:v3+s18+$0x0] =	vst.idx.add.f32.msk $0xffff, v17  }
0x322: {  	v18 =	vadd.s32 $0x1, v7;
	[tilespmem:v4+s18+$0x0] =	vst.idx.add.f32.msk $0xffff, v20  }
0x323: {  	v31 =	vadd.s32 $0x1, v8;
	[tilespmem:v10+s18+$0x0] =	vst.idx.add.f32.msk $0xffff, v63  }
0x324: {  	v32 =	vadd.s32 $0x1, v9;
	[tilespmem:v5+s18+$0x0] =	vst.idx.add.f32.msk $0xffff, v22  }
0x325: {  	v33 =	vadd.s32 $0x1, v11;
	[tilespmem:v6+s18+$0x0] =	vst.idx.add.f32.msk $0xffff, v23  }
0x326: {  	v34 =	vadd.s32 $0x1, v13;
	[tilespmem:v12+s18+$0x0] =	vst.idx.add.f32.msk $0xffff, v25  }
0x327: {  	v35 =	vadd.s32 $0x1, v14;
	v15 =	vld.idx.msk [tilespmem:v18+s3+$0x0], $0xffff  }
0x328: {  	v24 =	vadd.s32 $0x1, v1;
	v36 =	vld.idx.msk [tilespmem:v31+s3+$0x0], $0xffff  }
0x329: {  	v28 =	vadd.s32 $0x1, v19;
	v20 =	vld.idx.msk [tilespmem:v32+s3+$0x0], $0xffff  }
0x32a: {  	v26 =	vadd.s32 $0x2, v7;
	v22 =	vld.idx.msk [tilespmem:v33+s3+$0x0], $0xffff  }
0x32b: {  	v39 =	vadd.s32 $0x1, v2;
	v23 =	vld.idx.msk [tilespmem:v34+s3+$0x0], $0xffff  }
0x32c: {  	v40 =	vadd.s32 $0x1, v3;
	v16 =	vld.idx.msk [tilespmem:v35+s3+$0x0], $0xffff  }
0x32d: {  	v27 =	vadd.s32 $0x1, v4;
	[tilespmem:v24+s18+$0x0] =	vst.idx.add.f32.msk $0xffff, v15  }
0x32e: {  	v41 =	vadd.s32 $0x1, v6;
	v15 =	vld.idx.msk [tilespmem:v28+s3+$0x0], $0xffff  }
0x32f: {  	v30 =	vadd.s32 $0x2, v1;
	v29 =	vld.idx.msk [tilespmem:v26+s3+$0x0], $0xffff  }
0x330: {  	v7 =	vadd.s32 $0x3, v7;
	[tilespmem:v39+s18+$0x0] =	vst.idx.add.f32.msk $0xffff, v36  }
0x331: {  	v44 =	vadd.s32 $0x2, v8;
	[tilespmem:v40+s18+$0x0] =	vst.idx.add.f32.msk $0xffff, v20  }
0x332: {  	v45 =	vadd.s32 $0x2, v9;
	[tilespmem:v27+s18+$0x0] =	vst.idx.add.f32.msk $0xffff, v22  }
0x333: {  	v38 =	vadd.s32 $0x1, v10;
	[tilespmem:v41+s18+$0x0] =	vst.idx.add.f32.msk $0xffff, v16  }
0x334: {  	v43 =	vadd.s32 $0x2, v19;
	[tilespmem:v30+s18+$0x0] =	vst.idx.add.f32.msk $0xffff, v29  }
0x335: {  	v1 =	vadd.s32 $0x3, v1;
	v7 =	vld.idx.msk [tilespmem:v7+s3+$0x0], $0xffff  }
0x336: {  	v37 =	vadd.s32 $0x1, v21;
	v49 =	vld.idx.msk [tilespmem:v44+s3+$0x0], $0xffff  }
0x337: {  	v51 =	vadd.s32 $0x2, v2;
	v22 =	vld.idx.msk [tilespmem:v45+s3+$0x0], $0xffff  }
0x338: {  	v52 =	vadd.s32 $0x2, v3;
	[tilespmem:v38+s18+$0x0] =	vst.idx.add.f32.msk $0xffff, v15  }
0x339: {  	v8 =	vadd.s32 $0x3, v8;
	v47 =	vld.idx.msk [tilespmem:v43+s3+$0x0], $0xffff  }
0x33a: {  	[tilespmem:v1+s18+$0x0] =	vst.idx.add.f32.msk $0xffff, v7;
	v1 =	vadd.s32 $0x1, v5  }
0x33b: {  	v42 =	vadd.s32 $0x1, v12;
	v7 =	vld.idx.msk [tilespmem:v37+s3+$0x0], $0xffff  }
0x33c: {  	v50 =	vadd.s32 $0x2, v10;
	[tilespmem:v51+s18+$0x0] =	vst.idx.add.f32.msk $0xffff, v49  }
0x33d: {  	v57 =	vadd.s32 $0x3, v19;
	[tilespmem:v52+s18+$0x0] =	vst.idx.add.f32.msk $0xffff, v22  }
0x33e: {  	v2 =	vadd.s32 $0x3, v2;
	v8 =	vld.idx.msk [tilespmem:v8+s3+$0x0], $0xffff  }
0x33f: {  	[tilespmem:v1+s18+$0x0] =	vst.idx.add.f32.msk $0xffff, v23;
	v1 =	vadd.s32 $0x2, v11  }
0x340: {  	[tilespmem:v42+s18+$0x0] =	vst.idx.add.f32.msk $0xffff, v7;
	v7 =	vadd.s32 $0x2, v14  }
0x341: {  	v46 =	vadd.s32 $0x2, v13;
	[tilespmem:v50+s18+$0x0] =	vst.idx.add.f32.msk $0xffff, v47  }
0x342: {  	v48 =	vadd.s32 $0x2, v21;
	v60 =	vld.idx.msk [tilespmem:v57+s3+$0x0], $0xffff  }
0x343: {  	v10 =	vadd.s32 $0x3, v10;
	[tilespmem:v2+s18+$0x0] =	vst.idx.add.f32.msk $0xffff, v8  }
0x344: {  	v53 =	vadd.s32 $0x2, v4;
	v1 =	vld.idx.msk [tilespmem:v1+s3+$0x0], $0xffff  }
0x345: {  	v55 =	vadd.s32 $0x2, v6;
	v7 =	vld.idx.msk [tilespmem:v7+s3+$0x0], $0xffff  }
0x346: {  	v54 =	vadd.s32 $0x2, v5;
	v16 =	vld.idx.msk [tilespmem:v46+s3+$0x0], $0xffff  }
0x347: {  	v56 =	vadd.s32 $0x2, v12;
	v17 =	vld.idx.msk [tilespmem:v48+s3+$0x0], $0xffff  }
0x348: {  	v58 =	vadd.s32 $0x3, v11;
	[tilespmem:v10+s18+$0x0] =	vst.idx.add.f32.msk $0xffff, v60  }
0x349: {  	[tilespmem:v53+s18+$0x0] =	vst.idx.add.f32.msk $0xffff, v1;
	v1 =	vadd.s32 $0x3, v9  }
0x34a: {  	[tilespmem:v55+s18+$0x0] =	vst.idx.add.f32.msk $0xffff, v7;
	v7 =	vadd.s32 $0x3, v13  }
0x34b: {  	v61 =	vadd.s32 $0x3, v21;
	[tilespmem:v54+s18+$0x0] =	vst.idx.add.f32.msk $0xffff, v16  }
0x34c: {  	v59 =	vadd.s32 $0x3, v14;
	[tilespmem:v56+s18+$0x0] =	vst.idx.add.f32.msk $0xffff, v17  }
0x34d: {  	v63 =	vadd.s32 $0x3, v4;
	v9 =	vld.idx.msk [tilespmem:v58+s3+$0x0], $0xffff  }
0x34e: {  	v62 =	vadd.s32 $0x3, v3;
	v1 =	vld.idx.msk [tilespmem:v1+s3+$0x0], $0xffff  }
0x34f: {  	v5 =	vadd.s32 $0x3, v5;
	v7 =	vld.idx.msk [tilespmem:v7+s3+$0x0], $0xffff  }
0x350: {  	v3 =	vld.idx.msk [tilespmem:v61+s3+$0x0], $0xffff  }
0x351: {  	v4 =	vld.idx.msk [tilespmem:v59+s3+$0x0], $0xffff  }
0x352: {  	[tilespmem:v63+s18+$0x0] =	vst.idx.add.f32.msk $0xffff, v9  }
0x353: {  	[tilespmem:v62+s18+$0x0] =	vst.idx.add.f32.msk $0xffff, v1  }
0x354: {  	s21 =	simm.s32 $0x139C0;
	s20 =	simm.s32 $0x0;
	v2 =	vadd.s32 $0x3, v6;
	v1 =	vadd.s32 $0x3, v12;
	[tilespmem:v5+s18+$0x0] =	vst.idx.add.f32.msk $0xffff, v7  }
.LBB2_14:
0x355: {  	v5 =	vld [tilespmem:s21+$0x30];
	s20 =	sadd.s32 $0x8, s20  }
0x356: {  	v6 =	vld [tilespmem:s21+$0xFFFFFFD0];
	p0 =	slt.u32 s20, $0x7C8  }
0x357: {  	v7 =	vld [tilespmem:s21+$0xFFFFFFE0]  }
0x358: {  	v8 =	vld [tilespmem:s21+$0xFFFFFFF0]  }
0x359: {  	v9 =	vld [tilespmem:s21+$0x0]  }
0x35a: {  	v10 =	vld [tilespmem:s21+$0x10];
	v11 =	vand.u32 $0xFFFF, v5  }
0x35b: {  	v12 =	vand.u32 $0xFFFF, v6;
	v6 =	vshrl.u32 v6, $0x10;
	v13 =	vld [tilespmem:s21+$0x20]  }
0x35c: {  	v14 =	vld [tilespmem:s21+$0xFFFFFFC0];
	v15 =	vadd.s32 $0x1, v12;
	v16 =	vand.u32 $0xFFFF, v7;
	v7 =	vshrl.u32 v7, $0x10  }
0x35d: {  	v17 =	vadd.s32 $0x1, v16;
	v18 =	vand.u32 $0xFFFF, v8;
	v8 =	vshrl.u32 v8, $0x10;
	[tilespmem:v2+s18+$0x0] =	vst.idx.add.f32.msk $0xffff, v4  }
0x35e: {  	v4 =	vadd.s32 $0x1, v18;
	v2 =	vand.u32 $0xFFFF, v9;
	v9 =	vshrl.u32 v9, $0x10;
	[tilespmem:v1+s18+$0x0] =	vst.idx.add.f32.msk $0xffff, v3  }
0x35f: {  	v3 =	vadd.s32 $0x1, v2;
	v1 =	vand.u32 $0xFFFF, v10;
	v10 =	vshrl.u32 v10, $0x10;
	v19 =	vld.idx.msk [tilespmem:v11+s3+$0x0], $0xffff  }
0x360: {  	v5 =	vshrl.u32 v5, $0x10;
	v20 =	vld.idx.msk [tilespmem:v12+s3+$0x0], $0xffff;
	v21 =	vand.u32 $0xFFFF, v13;
	v13 =	vshrl.u32 v13, $0x10  }
0x361: {  	v24 =	vadd.s32 $0x1, v11;
	v22 =	vand.u32 $0xFFFF, v14;
	v14 =	vshrl.u32 v14, $0x10;
	v23 =	vld.idx.msk [tilespmem:v16+s3+$0x0], $0xffff  }
0x362: {  	v27 =	vadd.s32 $0x1, v1;
	v28 =	vadd.s32 $0x1, v21;
	v25 =	vadd.s32 $0x1, v22;
	v26 =	vld.idx.msk [tilespmem:v18+s3+$0x0], $0xffff  }
0x363: {  	v30 =	vadd.s32 $0x1, v6;
	v31 =	vadd.s32 $0x1, v7;
	v29 =	vadd.s32 $0x1, v14;
	v32 =	vld.idx.msk [tilespmem:v2+s3+$0x0], $0xffff  }
0x364: {  	v33 =	vadd.s32 $0x1, v8;
	v34 =	vadd.s32 $0x1, v9;
	v36 =	vadd.s32 $0x1, v10;
	v35 =	vld.idx.msk [tilespmem:v1+s3+$0x0], $0xffff  }
0x365: {  	v38 =	vadd.s32 $0x2, v12;
	v39 =	vadd.s32 $0x1, v13;
	v37 =	vadd.s32 $0x2, v22;
	[tilespmem:v5+s18+$0x0] =	vst.idx.add.f32.msk $0xffff, v19  }
0x366: {  	v40 =	vadd.s32 $0x2, v18;
	v41 =	vadd.s32 $0x2, v2;
	v19 =	vadd.s32 $0x2, v16;
	v24 =	vld.idx.msk [tilespmem:v24+s3+$0x0], $0xffff  }
0x367: {  	v45 =	vadd.s32 $0x1, v5;
	v43 =	vadd.s32 $0x2, v1;
	v44 =	vadd.s32 $0x2, v21;
	v42 =	vld.idx.msk [tilespmem:v22+s3+$0x0], $0xffff  }
0x368: {  	v49 =	vadd.s32 $0x2, v11;
	v47 =	vadd.s32 $0x2, v6;
	v46 =	vadd.s32 $0x2, v14;
	v48 =	vld.idx.msk [tilespmem:v21+s3+$0x0], $0xffff  }
0x369: {  	v50 =	vadd.s32 $0x2, v8;
	v51 =	vadd.s32 $0x2, v9;
	[tilespmem:v6+s18+$0x0] =	vst.idx.add.f32.msk $0xffff, v20;
	v20 =	vadd.s32 $0x2, v7  }
0x36a: {  	v52 =	vadd.s32 $0x2, v13;
	v22 =	vadd.s32 $0x3, v22;
	[tilespmem:v7+s18+$0x0] =	vst.idx.add.f32.msk $0xffff, v23;
	v23 =	vadd.s32 $0x2, v10  }
0x36b: {  	v12 =	vadd.s32 $0x3, v12;
	v18 =	vadd.s32 $0x3, v18;
	v16 =	vadd.s32 $0x3, v16;
	[tilespmem:v8+s18+$0x0] =	vst.idx.add.f32.msk $0xffff, v26  }
0x36c: {  	v53 =	vadd.s32 $0x3, v1;
	v21 =	vadd.s32 $0x3, v21;
	v26 =	vadd.s32 $0x3, v2;
	[tilespmem:v45+s18+$0x0] =	vst.idx.add.f32.msk $0xffff, v24  }
0x36d: {  	v6 =	vadd.s32 $0x3, v6;
	v7 =	vadd.s32 $0x3, v7;
	v24 =	vadd.s32 $0x3, v14;
	v45 =	vld.idx.msk [tilespmem:v49+s3+$0x0], $0xffff  }
0x36e: {  	v8 =	vadd.s32 $0x3, v8;
	[tilespmem:v14+s18+$0x0] =	vst.idx.add.f32.msk $0xffff, v42;
	v14 =	vadd.s32 $0x3, v9;
	v42 =	vadd.s32 $0x2, v5  }
0x36f: {  	v1 =	vadd.s32 $0x3, v13;
	v2 =	vadd.s32 $0x3, v10;
	[tilespmem:v9+s18+$0x0] =	vst.idx.add.f32.msk $0xffff, v32;
	v9 =	vadd.s32 $0x3, v11  }
0x370: {  	[tilespmem:v10+s18+$0x0] =	vst.idx.add.f32.msk $0xffff, v35  }
0x371: {  	[tilespmem:v13+s18+$0x0] =	vst.idx.add.f32.msk $0xffff, v48  }
0x372: {  	v10 =	vld.idx.msk [tilespmem:v25+s3+$0x0], $0xffff  }
0x373: {  	[tilespmem:v42+s18+$0x0] =	vst.idx.add.f32.msk $0xffff, v45  }
0x374: {  	v9 =	vld.idx.msk [tilespmem:v9+s3+$0x0], $0xffff  }
0x375: {  	v5 =	vadd.s32 $0x3, v5;
	v11 =	vld.idx.msk [tilespmem:v15+s3+$0x0], $0xffff  }
0x376: {  	v13 =	vld.idx.msk [tilespmem:v17+s3+$0x0], $0xffff  }
0x377: {  	v4 =	vld.idx.msk [tilespmem:v4+s3+$0x0], $0xffff  }
0x378: {  	v3 =	vld.idx.msk [tilespmem:v3+s3+$0x0], $0xffff  }
0x379: {  	v15 =	vld.idx.msk [tilespmem:v27+s3+$0x0], $0xffff  }
0x37a: {  	[tilespmem:v5+s18+$0x0] =	vst.idx.add.f32.msk $0xffff, v9  }
0x37b: {  	v5 =	vld.idx.msk [tilespmem:v28+s3+$0x0], $0xffff  }
0x37c: {  	[tilespmem:v29+s18+$0x0] =	vst.idx.add.f32.msk $0xffff, v10  }
0x37d: {  	[tilespmem:v30+s18+$0x0] =	vst.idx.add.f32.msk $0xffff, v11  }
0x37e: {  	[tilespmem:v31+s18+$0x0] =	vst.idx.add.f32.msk $0xffff, v13  }
0x37f: {  	[tilespmem:v33+s18+$0x0] =	vst.idx.add.f32.msk $0xffff, v4  }
0x380: {  	[tilespmem:v34+s18+$0x0] =	vst.idx.add.f32.msk $0xffff, v3  }
0x381: {  	[tilespmem:v36+s18+$0x0] =	vst.idx.add.f32.msk $0xffff, v15  }
0x382: {  	[tilespmem:v39+s18+$0x0] =	vst.idx.add.f32.msk $0xffff, v5  }
0x383: {  	v3 =	vld.idx.msk [tilespmem:v37+s3+$0x0], $0xffff  }
0x384: {  	v4 =	vld.idx.msk [tilespmem:v38+s3+$0x0], $0xffff  }
0x385: {  	v5 =	vld.idx.msk [tilespmem:v19+s3+$0x0], $0xffff  }
0x386: {  	v9 =	vld.idx.msk [tilespmem:v40+s3+$0x0], $0xffff  }
0x387: {  	v10 =	vld.idx.msk [tilespmem:v41+s3+$0x0], $0xffff  }
0x388: {  	v11 =	vld.idx.msk [tilespmem:v43+s3+$0x0], $0xffff  }
0x389: {  	v13 =	vld.idx.msk [tilespmem:v44+s3+$0x0], $0xffff  }
0x38a: {  	[tilespmem:v46+s18+$0x0] =	vst.idx.add.f32.msk $0xffff, v3  }
0x38b: {  	[tilespmem:v47+s18+$0x0] =	vst.idx.add.f32.msk $0xffff, v4  }
0x38c: {  	[tilespmem:v20+s18+$0x0] =	vst.idx.add.f32.msk $0xffff, v5  }
0x38d: {  	[tilespmem:v50+s18+$0x0] =	vst.idx.add.f32.msk $0xffff, v9  }
0x38e: {  	[tilespmem:v51+s18+$0x0] =	vst.idx.add.f32.msk $0xffff, v10  }
0x38f: {  	[tilespmem:v23+s18+$0x0] =	vst.idx.add.f32.msk $0xffff, v11  }
0x390: {  	[tilespmem:v52+s18+$0x0] =	vst.idx.add.f32.msk $0xffff, v13  }
0x391: {  	v5 =	vld.idx.msk [tilespmem:v22+s3+$0x0], $0xffff  }
0x392: {  	v9 =	vld.idx.msk [tilespmem:v12+s3+$0x0], $0xffff  }
0x393: {  	v10 =	vld.idx.msk [tilespmem:v16+s3+$0x0], $0xffff  }
0x394: {  	v11 =	vld.idx.msk [tilespmem:v18+s3+$0x0], $0xffff  }
0x395: {  	v12 =	vld.idx.msk [tilespmem:v26+s3+$0x0], $0xffff  }
0x396: {  	v4 =	vld.idx.msk [tilespmem:v53+s3+$0x0], $0xffff  }
0x397: {  	v3 =	vld.idx.msk [tilespmem:v21+s3+$0x0], $0xffff  }
.Ltmp6:
0x398: {  	[tilespmem:v24+s18+$0x0] =	vst.idx.add.f32.msk $0xffff, v5;
	(pc) =	sbr.rel @p0 .LBB2_14-.Ltmp6, $4  }
0x399: {  	[tilespmem:v6+s18+$0x0] =	vst.idx.add.f32.msk $0xffff, v9  }
0x39a: {  	[tilespmem:v7+s18+$0x0] =	vst.idx.add.f32.msk $0xffff, v10  }
0x39b: {  	[tilespmem:v8+s18+$0x0] =	vst.idx.add.f32.msk $0xffff, v11  }
0x39c: {  	s21 =	sadd.s32 $0x80, s21;
	[tilespmem:v14+s18+$0x0] =	vst.idx.add.f32.msk $0xffff, v12  }
0x39d: {  	_ =	sdelay $0x3  }
0x39e: {  	[tilespmem:v2+s18+$0x0] =	vst.idx.add.f32.msk $0xffff, v4  }
0x39f: {  	[tilespmem:v1+s18+$0x0] =	vst.idx.add.f32.msk $0xffff, v3  }
0x3a0: {  	[tilespmem:s17], [sflag:$0x1] =	stream.linear.gather [hbm4b:s10+s3], $0x7D00, $0x38;
	[tilespmem:$0x1B600] =	vst v63  }
0x3a1: {  	_ =	swait.ge [sflag:s16], $0x7D00  }
0x3a2: {  	[sflag:s16] =	ssyncset.done $0x0  }
0x3a3: {  	s20 =	simm.s32 $0x13940;
	[sflag:s16] =	ssyncadd.s32 $0xFFFF8300  }
0x3a4: {  	v1 =	vld [tilespmem:s20+$0x30]  }
0x3a5: {  	v2 =	vld [tilespmem:s20+$0xFFFFFFD0]  }
0x3a6: {  	v3 =	vld [tilespmem:s20+$0xFFFFFFE0]  }
0x3a7: {  	v4 =	vld [tilespmem:s20+$0xFFFFFFF0]  }
0x3a8: {  	v5 =	vld [tilespmem:s20+$0x0]  }
0x3a9: {  	v6 =	vld [tilespmem:s20+$0x10];
	v7 =	vand.u32 $0xFFFF, v1  }
0x3aa: {  	v10 =	vld [tilespmem:s20+$0xFFFFFFC0];
	v8 =	vand.u32 $0xFFFF, v2  }
0x3ab: {  	v12 =	vld [tilespmem:s20+$0x20];
	v9 =	vand.u32 $0xFFFF, v3  }
0x3ac: {  	v11 =	vand.u32 $0xFFFF, v4  }
0x3ad: {  	v13 =	vand.u32 $0xFFFF, v5  }
0x3ae: {  	v14 =	vand.u32 $0xFFFF, v6;
	v15 =	vld.idx.msk [tilespmem:v7+s3+$0x0], $0xffff  }
0x3af: {  	v19 =	vand.u32 $0xFFFF, v10;
	v16 =	vld.idx.msk [tilespmem:v8+s3+$0x0], $0xffff  }
0x3b0: {  	v21 =	vand.u32 $0xFFFF, v12;
	v17 =	vld.idx.msk [tilespmem:v9+s3+$0x0], $0xffff  }
0x3b1: {  	v1 =	vshrl.u32 v1, $0x10;
	v20 =	vld.idx.msk [tilespmem:v11+s3+$0x0], $0xffff  }
0x3b2: {  	v2 =	vshrl.u32 v2, $0x10;
	v22 =	vld.idx.msk [tilespmem:v13+s3+$0x0], $0xffff  }
0x3b3: {  	v3 =	vshrl.u32 v3, $0x10;
	v23 =	vld.idx.msk [tilespmem:v14+s3+$0x0], $0xffff  }
0x3b4: {  	v4 =	vshrl.u32 v4, $0x10;
	v63 =	vld.idx.msk [tilespmem:v19+s3+$0x0], $0xffff  }
0x3b5: {  	v10 =	vshrl.u32 v10, $0x10;
	v25 =	vld.idx.msk [tilespmem:v21+s3+$0x0], $0xffff  }
0x3b6: {  	v5 =	vshrl.u32 v5, $0x10;
	[tilespmem:v1+s18+$0x0] =	vst.idx.add.f32.msk $0xffff, v15  }
0x3b7: {  	v6 =	vshrl.u32 v6, $0x10;
	[tilespmem:v2+s18+$0x0] =	vst.idx.add.f32.msk $0xffff, v16  }
0x3b8: {  	v12 =	vshrl.u32 v12, $0x10;
	[tilespmem:v3+s18+$0x0] =	vst.idx.add.f32.msk $0xffff, v17  }
0x3b9: {  	v18 =	vadd.s32 $0x1, v7;
	[tilespmem:v4+s18+$0x0] =	vst.idx.add.f32.msk $0xffff, v20  }
0x3ba: {  	v31 =	vadd.s32 $0x1, v8;
	[tilespmem:v10+s18+$0x0] =	vst.idx.add.f32.msk $0xffff, v63  }
0x3bb: {  	v32 =	vadd.s32 $0x1, v9;
	[tilespmem:v5+s18+$0x0] =	vst.idx.add.f32.msk $0xffff, v22  }
0x3bc: {  	v33 =	vadd.s32 $0x1, v11;
	[tilespmem:v6+s18+$0x0] =	vst.idx.add.f32.msk $0xffff, v23  }
0x3bd: {  	v34 =	vadd.s32 $0x1, v13;
	[tilespmem:v12+s18+$0x0] =	vst.idx.add.f32.msk $0xffff, v25  }
0x3be: {  	v35 =	vadd.s32 $0x1, v14;
	v15 =	vld.idx.msk [tilespmem:v18+s3+$0x0], $0xffff  }
0x3bf: {  	v24 =	vadd.s32 $0x1, v1;
	v36 =	vld.idx.msk [tilespmem:v31+s3+$0x0], $0xffff  }
0x3c0: {  	v28 =	vadd.s32 $0x1, v19;
	v20 =	vld.idx.msk [tilespmem:v32+s3+$0x0], $0xffff  }
0x3c1: {  	v26 =	vadd.s32 $0x2, v7;
	v22 =	vld.idx.msk [tilespmem:v33+s3+$0x0], $0xffff  }
0x3c2: {  	v39 =	vadd.s32 $0x1, v2;
	v23 =	vld.idx.msk [tilespmem:v34+s3+$0x0], $0xffff  }
0x3c3: {  	v40 =	vadd.s32 $0x1, v3;
	v16 =	vld.idx.msk [tilespmem:v35+s3+$0x0], $0xffff  }
0x3c4: {  	v27 =	vadd.s32 $0x1, v4;
	[tilespmem:v24+s18+$0x0] =	vst.idx.add.f32.msk $0xffff, v15  }
0x3c5: {  	v41 =	vadd.s32 $0x1, v6;
	v15 =	vld.idx.msk [tilespmem:v28+s3+$0x0], $0xffff  }
0x3c6: {  	v30 =	vadd.s32 $0x2, v1;
	v29 =	vld.idx.msk [tilespmem:v26+s3+$0x0], $0xffff  }
0x3c7: {  	v7 =	vadd.s32 $0x3, v7;
	[tilespmem:v39+s18+$0x0] =	vst.idx.add.f32.msk $0xffff, v36  }
0x3c8: {  	v44 =	vadd.s32 $0x2, v8;
	[tilespmem:v40+s18+$0x0] =	vst.idx.add.f32.msk $0xffff, v20  }
0x3c9: {  	v45 =	vadd.s32 $0x2, v9;
	[tilespmem:v27+s18+$0x0] =	vst.idx.add.f32.msk $0xffff, v22  }
0x3ca: {  	v38 =	vadd.s32 $0x1, v10;
	[tilespmem:v41+s18+$0x0] =	vst.idx.add.f32.msk $0xffff, v16  }
0x3cb: {  	v43 =	vadd.s32 $0x2, v19;
	[tilespmem:v30+s18+$0x0] =	vst.idx.add.f32.msk $0xffff, v29  }
0x3cc: {  	v1 =	vadd.s32 $0x3, v1;
	v7 =	vld.idx.msk [tilespmem:v7+s3+$0x0], $0xffff  }
0x3cd: {  	v37 =	vadd.s32 $0x1, v21;
	v49 =	vld.idx.msk [tilespmem:v44+s3+$0x0], $0xffff  }
0x3ce: {  	v51 =	vadd.s32 $0x2, v2;
	v22 =	vld.idx.msk [tilespmem:v45+s3+$0x0], $0xffff  }
0x3cf: {  	v52 =	vadd.s32 $0x2, v3;
	[tilespmem:v38+s18+$0x0] =	vst.idx.add.f32.msk $0xffff, v15  }
0x3d0: {  	v8 =	vadd.s32 $0x3, v8;
	v47 =	vld.idx.msk [tilespmem:v43+s3+$0x0], $0xffff  }
0x3d1: {  	[tilespmem:v1+s18+$0x0] =	vst.idx.add.f32.msk $0xffff, v7;
	v1 =	vadd.s32 $0x1, v5  }
0x3d2: {  	v42 =	vadd.s32 $0x1, v12;
	v7 =	vld.idx.msk [tilespmem:v37+s3+$0x0], $0xffff  }
0x3d3: {  	v50 =	vadd.s32 $0x2, v10;
	[tilespmem:v51+s18+$0x0] =	vst.idx.add.f32.msk $0xffff, v49  }
0x3d4: {  	v57 =	vadd.s32 $0x3, v19;
	[tilespmem:v52+s18+$0x0] =	vst.idx.add.f32.msk $0xffff, v22  }
0x3d5: {  	v2 =	vadd.s32 $0x3, v2;
	v8 =	vld.idx.msk [tilespmem:v8+s3+$0x0], $0xffff  }
0x3d6: {  	[tilespmem:v1+s18+$0x0] =	vst.idx.add.f32.msk $0xffff, v23;
	v1 =	vadd.s32 $0x2, v11  }
0x3d7: {  	[tilespmem:v42+s18+$0x0] =	vst.idx.add.f32.msk $0xffff, v7;
	v7 =	vadd.s32 $0x2, v14  }
0x3d8: {  	v46 =	vadd.s32 $0x2, v13;
	[tilespmem:v50+s18+$0x0] =	vst.idx.add.f32.msk $0xffff, v47  }
0x3d9: {  	v48 =	vadd.s32 $0x2, v21;
	v60 =	vld.idx.msk [tilespmem:v57+s3+$0x0], $0xffff  }
0x3da: {  	v10 =	vadd.s32 $0x3, v10;
	[tilespmem:v2+s18+$0x0] =	vst.idx.add.f32.msk $0xffff, v8  }
0x3db: {  	v53 =	vadd.s32 $0x2, v4;
	v1 =	vld.idx.msk [tilespmem:v1+s3+$0x0], $0xffff  }
0x3dc: {  	v55 =	vadd.s32 $0x2, v6;
	v7 =	vld.idx.msk [tilespmem:v7+s3+$0x0], $0xffff  }
0x3dd: {  	v54 =	vadd.s32 $0x2, v5;
	v16 =	vld.idx.msk [tilespmem:v46+s3+$0x0], $0xffff  }
0x3de: {  	v56 =	vadd.s32 $0x2, v12;
	v17 =	vld.idx.msk [tilespmem:v48+s3+$0x0], $0xffff  }
0x3df: {  	v58 =	vadd.s32 $0x3, v11;
	[tilespmem:v10+s18+$0x0] =	vst.idx.add.f32.msk $0xffff, v60  }
0x3e0: {  	[tilespmem:v53+s18+$0x0] =	vst.idx.add.f32.msk $0xffff, v1;
	v1 =	vadd.s32 $0x3, v9  }
0x3e1: {  	[tilespmem:v55+s18+$0x0] =	vst.idx.add.f32.msk $0xffff, v7;
	v7 =	vadd.s32 $0x3, v13  }
0x3e2: {  	v61 =	vadd.s32 $0x3, v21;
	[tilespmem:v54+s18+$0x0] =	vst.idx.add.f32.msk $0xffff, v16  }
0x3e3: {  	v59 =	vadd.s32 $0x3, v14;
	[tilespmem:v56+s18+$0x0] =	vst.idx.add.f32.msk $0xffff, v17  }
0x3e4: {  	v63 =	vadd.s32 $0x3, v4;
	v9 =	vld.idx.msk [tilespmem:v58+s3+$0x0], $0xffff  }
0x3e5: {  	v62 =	vadd.s32 $0x3, v3;
	v1 =	vld.idx.msk [tilespmem:v1+s3+$0x0], $0xffff  }
0x3e6: {  	v5 =	vadd.s32 $0x3, v5;
	v7 =	vld.idx.msk [tilespmem:v7+s3+$0x0], $0xffff  }
0x3e7: {  	v3 =	vld.idx.msk [tilespmem:v61+s3+$0x0], $0xffff  }
0x3e8: {  	v4 =	vld.idx.msk [tilespmem:v59+s3+$0x0], $0xffff  }
0x3e9: {  	[tilespmem:v63+s18+$0x0] =	vst.idx.add.f32.msk $0xffff, v9  }
0x3ea: {  	[tilespmem:v62+s18+$0x0] =	vst.idx.add.f32.msk $0xffff, v1  }
0x3eb: {  	s21 =	simm.s32 $0x139C0;
	s20 =	simm.s32 $0x0;
	v2 =	vadd.s32 $0x3, v6;
	v1 =	vadd.s32 $0x3, v12;
	[tilespmem:v5+s18+$0x0] =	vst.idx.add.f32.msk $0xffff, v7  }
.LBB2_16:
0x3ec: {  	v5 =	vld [tilespmem:s21+$0x30];
	s20 =	sadd.s32 $0x8, s20  }
0x3ed: {  	v6 =	vld [tilespmem:s21+$0xFFFFFFD0];
	p0 =	slt.u32 s20, $0x7C8  }
0x3ee: {  	v7 =	vld [tilespmem:s21+$0xFFFFFFE0]  }
0x3ef: {  	v8 =	vld [tilespmem:s21+$0xFFFFFFF0]  }
0x3f0: {  	v9 =	vld [tilespmem:s21+$0x0]  }
0x3f1: {  	v10 =	vld [tilespmem:s21+$0x10];
	v11 =	vand.u32 $0xFFFF, v5  }
0x3f2: {  	v12 =	vand.u32 $0xFFFF, v6;
	v6 =	vshrl.u32 v6, $0x10;
	v13 =	vld [tilespmem:s21+$0x20]  }
0x3f3: {  	v14 =	vld [tilespmem:s21+$0xFFFFFFC0];
	v15 =	vadd.s32 $0x1, v12;
	v16 =	vand.u32 $0xFFFF, v7;
	v7 =	vshrl.u32 v7, $0x10  }
0x3f4: {  	v17 =	vadd.s32 $0x1, v16;
	v18 =	vand.u32 $0xFFFF, v8;
	v8 =	vshrl.u32 v8, $0x10;
	[tilespmem:v2+s18+$0x0] =	vst.idx.add.f32.msk $0xffff, v4  }
0x3f5: {  	v4 =	vadd.s32 $0x1, v18;
	v2 =	vand.u32 $0xFFFF, v9;
	v9 =	vshrl.u32 v9, $0x10;
	[tilespmem:v1+s18+$0x0] =	vst.idx.add.f32.msk $0xffff, v3  }
0x3f6: {  	v3 =	vadd.s32 $0x1, v2;
	v1 =	vand.u32 $0xFFFF, v10;
	v10 =	vshrl.u32 v10, $0x10;
	v19 =	vld.idx.msk [tilespmem:v11+s3+$0x0], $0xffff  }
0x3f7: {  	v5 =	vshrl.u32 v5, $0x10;
	v20 =	vld.idx.msk [tilespmem:v12+s3+$0x0], $0xffff;
	v21 =	vand.u32 $0xFFFF, v13;
	v13 =	vshrl.u32 v13, $0x10  }
0x3f8: {  	v24 =	vadd.s32 $0x1, v11;
	v22 =	vand.u32 $0xFFFF, v14;
	v14 =	vshrl.u32 v14, $0x10;
	v23 =	vld.idx.msk [tilespmem:v16+s3+$0x0], $0xffff  }
0x3f9: {  	v27 =	vadd.s32 $0x1, v1;
	v28 =	vadd.s32 $0x1, v21;
	v25 =	vadd.s32 $0x1, v22;
	v26 =	vld.idx.msk [tilespmem:v18+s3+$0x0], $0xffff  }
0x3fa: {  	v30 =	vadd.s32 $0x1, v6;
	v31 =	vadd.s32 $0x1, v7;
	v29 =	vadd.s32 $0x1, v14;
	v32 =	vld.idx.msk [tilespmem:v2+s3+$0x0], $0xffff  }
0x3fb: {  	v33 =	vadd.s32 $0x1, v8;
	v34 =	vadd.s32 $0x1, v9;
	v36 =	vadd.s32 $0x1, v10;
	v35 =	vld.idx.msk [tilespmem:v1+s3+$0x0], $0xffff  }
0x3fc: {  	v38 =	vadd.s32 $0x2, v12;
	v39 =	vadd.s32 $0x1, v13;
	v37 =	vadd.s32 $0x2, v22;
	[tilespmem:v5+s18+$0x0] =	vst.idx.add.f32.msk $0xffff, v19  }
0x3fd: {  	v40 =	vadd.s32 $0x2, v18;
	v41 =	vadd.s32 $0x2, v2;
	v19 =	vadd.s32 $0x2, v16;
	v24 =	vld.idx.msk [tilespmem:v24+s3+$0x0], $0xffff  }
0x3fe: {  	v45 =	vadd.s32 $0x1, v5;
	v43 =	vadd.s32 $0x2, v1;
	v44 =	vadd.s32 $0x2, v21;
	v42 =	vld.idx.msk [tilespmem:v22+s3+$0x0], $0xffff  }
0x3ff: {  	v49 =	vadd.s32 $0x2, v11;
	v47 =	vadd.s32 $0x2, v6;
	v46 =	vadd.s32 $0x2, v14;
	v48 =	vld.idx.msk [tilespmem:v21+s3+$0x0], $0xffff  }
0x400: {  	v50 =	vadd.s32 $0x2, v8;
	v51 =	vadd.s32 $0x2, v9;
	[tilespmem:v6+s18+$0x0] =	vst.idx.add.f32.msk $0xffff, v20;
	v20 =	vadd.s32 $0x2, v7  }
0x401: {  	v52 =	vadd.s32 $0x2, v13;
	v22 =	vadd.s32 $0x3, v22;
	[tilespmem:v7+s18+$0x0] =	vst.idx.add.f32.msk $0xffff, v23;
	v23 =	vadd.s32 $0x2, v10  }
0x402: {  	v12 =	vadd.s32 $0x3, v12;
	v18 =	vadd.s32 $0x3, v18;
	v16 =	vadd.s32 $0x3, v16;
	[tilespmem:v8+s18+$0x0] =	vst.idx.add.f32.msk $0xffff, v26  }
0x403: {  	v53 =	vadd.s32 $0x3, v1;
	v21 =	vadd.s32 $0x3, v21;
	v26 =	vadd.s32 $0x3, v2;
	[tilespmem:v45+s18+$0x0] =	vst.idx.add.f32.msk $0xffff, v24  }
0x404: {  	v6 =	vadd.s32 $0x3, v6;
	v7 =	vadd.s32 $0x3, v7;
	v24 =	vadd.s32 $0x3, v14;
	v45 =	vld.idx.msk [tilespmem:v49+s3+$0x0], $0xffff  }
0x405: {  	v8 =	vadd.s32 $0x3, v8;
	[tilespmem:v14+s18+$0x0] =	vst.idx.add.f32.msk $0xffff, v42;
	v14 =	vadd.s32 $0x3, v9;
	v42 =	vadd.s32 $0x2, v5  }
0x406: {  	v1 =	vadd.s32 $0x3, v13;
	v2 =	vadd.s32 $0x3, v10;
	[tilespmem:v9+s18+$0x0] =	vst.idx.add.f32.msk $0xffff, v32;
	v9 =	vadd.s32 $0x3, v11  }
0x407: {  	[tilespmem:v10+s18+$0x0] =	vst.idx.add.f32.msk $0xffff, v35  }
0x408: {  	[tilespmem:v13+s18+$0x0] =	vst.idx.add.f32.msk $0xffff, v48  }
0x409: {  	v10 =	vld.idx.msk [tilespmem:v25+s3+$0x0], $0xffff  }
0x40a: {  	[tilespmem:v42+s18+$0x0] =	vst.idx.add.f32.msk $0xffff, v45  }
0x40b: {  	v9 =	vld.idx.msk [tilespmem:v9+s3+$0x0], $0xffff  }
0x40c: {  	v5 =	vadd.s32 $0x3, v5;
	v11 =	vld.idx.msk [tilespmem:v15+s3+$0x0], $0xffff  }
0x40d: {  	v13 =	vld.idx.msk [tilespmem:v17+s3+$0x0], $0xffff  }
0x40e: {  	v4 =	vld.idx.msk [tilespmem:v4+s3+$0x0], $0xffff  }
0x40f: {  	v3 =	vld.idx.msk [tilespmem:v3+s3+$0x0], $0xffff  }
0x410: {  	v15 =	vld.idx.msk [tilespmem:v27+s3+$0x0], $0xffff  }
0x411: {  	[tilespmem:v5+s18+$0x0] =	vst.idx.add.f32.msk $0xffff, v9  }
0x412: {  	v5 =	vld.idx.msk [tilespmem:v28+s3+$0x0], $0xffff  }
0x413: {  	[tilespmem:v29+s18+$0x0] =	vst.idx.add.f32.msk $0xffff, v10  }
0x414: {  	[tilespmem:v30+s18+$0x0] =	vst.idx.add.f32.msk $0xffff, v11  }
0x415: {  	[tilespmem:v31+s18+$0x0] =	vst.idx.add.f32.msk $0xffff, v13  }
0x416: {  	[tilespmem:v33+s18+$0x0] =	vst.idx.add.f32.msk $0xffff, v4  }
0x417: {  	[tilespmem:v34+s18+$0x0] =	vst.idx.add.f32.msk $0xffff, v3  }
0x418: {  	[tilespmem:v36+s18+$0x0] =	vst.idx.add.f32.msk $0xffff, v15  }
0x419: {  	[tilespmem:v39+s18+$0x0] =	vst.idx.add.f32.msk $0xffff, v5  }
0x41a: {  	v3 =	vld.idx.msk [tilespmem:v37+s3+$0x0], $0xffff  }
0x41b: {  	v4 =	vld.idx.msk [tilespmem:v38+s3+$0x0], $0xffff  }
0x41c: {  	v5 =	vld.idx.msk [tilespmem:v19+s3+$0x0], $0xffff  }
0x41d: {  	v9 =	vld.idx.msk [tilespmem:v40+s3+$0x0], $0xffff  }
0x41e: {  	v10 =	vld.idx.msk [tilespmem:v41+s3+$0x0], $0xffff  }
0x41f: {  	v11 =	vld.idx.msk [tilespmem:v43+s3+$0x0], $0xffff  }
0x420: {  	v13 =	vld.idx.msk [tilespmem:v44+s3+$0x0], $0xffff  }
0x421: {  	[tilespmem:v46+s18+$0x0] =	vst.idx.add.f32.msk $0xffff, v3  }
0x422: {  	[tilespmem:v47+s18+$0x0] =	vst.idx.add.f32.msk $0xffff, v4  }
0x423: {  	[tilespmem:v20+s18+$0x0] =	vst.idx.add.f32.msk $0xffff, v5  }
0x424: {  	[tilespmem:v50+s18+$0x0] =	vst.idx.add.f32.msk $0xffff, v9  }
0x425: {  	[tilespmem:v51+s18+$0x0] =	vst.idx.add.f32.msk $0xffff, v10  }
0x426: {  	[tilespmem:v23+s18+$0x0] =	vst.idx.add.f32.msk $0xffff, v11  }
0x427: {  	[tilespmem:v52+s18+$0x0] =	vst.idx.add.f32.msk $0xffff, v13  }
0x428: {  	v5 =	vld.idx.msk [tilespmem:v22+s3+$0x0], $0xffff  }
0x429: {  	v9 =	vld.idx.msk [tilespmem:v12+s3+$0x0], $0xffff  }
0x42a: {  	v10 =	vld.idx.msk [tilespmem:v16+s3+$0x0], $0xffff  }
0x42b: {  	v11 =	vld.idx.msk [tilespmem:v18+s3+$0x0], $0xffff  }
0x42c: {  	v12 =	vld.idx.msk [tilespmem:v26+s3+$0x0], $0xffff  }
0x42d: {  	v4 =	vld.idx.msk [tilespmem:v53+s3+$0x0], $0xffff  }
0x42e: {  	v3 =	vld.idx.msk [tilespmem:v21+s3+$0x0], $0xffff  }
.Ltmp7:
0x42f: {  	[tilespmem:v24+s18+$0x0] =	vst.idx.add.f32.msk $0xffff, v5;
	(pc) =	sbr.rel @p0 .LBB2_16-.Ltmp7, $4  }
0x430: {  	[tilespmem:v6+s18+$0x0] =	vst.idx.add.f32.msk $0xffff, v9  }
0x431: {  	[tilespmem:v7+s18+$0x0] =	vst.idx.add.f32.msk $0xffff, v10  }
0x432: {  	[tilespmem:v8+s18+$0x0] =	vst.idx.add.f32.msk $0xffff, v11  }
0x433: {  	s21 =	sadd.s32 $0x80, s21;
	[tilespmem:v14+s18+$0x0] =	vst.idx.add.f32.msk $0xffff, v12  }
0x434: {  	_ =	sdelay $0x3  }
0x435: {  	[tilespmem:v2+s18+$0x0] =	vst.idx.add.f32.msk $0xffff, v4  }
0x436: {  	[tilespmem:v1+s18+$0x0] =	vst.idx.add.f32.msk $0xffff, v3  }
0x437: {  	[tilespmem:s17], [sflag:$0x1] =	stream.linear.gather [hbm4b:s11+s3], $0x7D00, $0x38;
	[tilespmem:$0x1B600] =	vst v63  }
0x438: {  	_ =	swait.ge [sflag:s16], $0x7D00  }
0x439: {  	[sflag:s16] =	ssyncset.done $0x0  }
0x43a: {  	s20 =	simm.s32 $0x13940;
	[sflag:s16] =	ssyncadd.s32 $0xFFFF8300  }
0x43b: {  	v1 =	vld [tilespmem:s20+$0x30]  }
0x43c: {  	v2 =	vld [tilespmem:s20+$0xFFFFFFD0]  }
0x43d: {  	v3 =	vld [tilespmem:s20+$0xFFFFFFE0]  }
0x43e: {  	v4 =	vld [tilespmem:s20+$0xFFFFFFF0]  }
0x43f: {  	v5 =	vld [tilespmem:s20+$0x0]  }
0x440: {  	v6 =	vld [tilespmem:s20+$0x10];
	v7 =	vand.u32 $0xFFFF, v1  }
0x441: {  	v10 =	vld [tilespmem:s20+$0xFFFFFFC0];
	v8 =	vand.u32 $0xFFFF, v2  }
0x442: {  	v12 =	vld [tilespmem:s20+$0x20];
	v9 =	vand.u32 $0xFFFF, v3  }
0x443: {  	v11 =	vand.u32 $0xFFFF, v4  }
0x444: {  	v13 =	vand.u32 $0xFFFF, v5  }
0x445: {  	v14 =	vand.u32 $0xFFFF, v6;
	v15 =	vld.idx.msk [tilespmem:v7+s3+$0x0], $0xffff  }
0x446: {  	v19 =	vand.u32 $0xFFFF, v10;
	v16 =	vld.idx.msk [tilespmem:v8+s3+$0x0], $0xffff  }
0x447: {  	v21 =	vand.u32 $0xFFFF, v12;
	v17 =	vld.idx.msk [tilespmem:v9+s3+$0x0], $0xffff  }
0x448: {  	v1 =	vshrl.u32 v1, $0x10;
	v20 =	vld.idx.msk [tilespmem:v11+s3+$0x0], $0xffff  }
0x449: {  	v2 =	vshrl.u32 v2, $0x10;
	v22 =	vld.idx.msk [tilespmem:v13+s3+$0x0], $0xffff  }
0x44a: {  	v3 =	vshrl.u32 v3, $0x10;
	v23 =	vld.idx.msk [tilespmem:v14+s3+$0x0], $0xffff  }
0x44b: {  	v4 =	vshrl.u32 v4, $0x10;
	v63 =	vld.idx.msk [tilespmem:v19+s3+$0x0], $0xffff  }
0x44c: {  	v10 =	vshrl.u32 v10, $0x10;
	v25 =	vld.idx.msk [tilespmem:v21+s3+$0x0], $0xffff  }
0x44d: {  	v5 =	vshrl.u32 v5, $0x10;
	[tilespmem:v1+s18+$0x0] =	vst.idx.add.f32.msk $0xffff, v15  }
0x44e: {  	v6 =	vshrl.u32 v6, $0x10;
	[tilespmem:v2+s18+$0x0] =	vst.idx.add.f32.msk $0xffff, v16  }
0x44f: {  	v12 =	vshrl.u32 v12, $0x10;
	[tilespmem:v3+s18+$0x0] =	vst.idx.add.f32.msk $0xffff, v17  }
0x450: {  	v18 =	vadd.s32 $0x1, v7;
	[tilespmem:v4+s18+$0x0] =	vst.idx.add.f32.msk $0xffff, v20  }
0x451: {  	v31 =	vadd.s32 $0x1, v8;
	[tilespmem:v10+s18+$0x0] =	vst.idx.add.f32.msk $0xffff, v63  }
0x452: {  	v32 =	vadd.s32 $0x1, v9;
	[tilespmem:v5+s18+$0x0] =	vst.idx.add.f32.msk $0xffff, v22  }
0x453: {  	v33 =	vadd.s32 $0x1, v11;
	[tilespmem:v6+s18+$0x0] =	vst.idx.add.f32.msk $0xffff, v23  }
0x454: {  	v34 =	vadd.s32 $0x1, v13;
	[tilespmem:v12+s18+$0x0] =	vst.idx.add.f32.msk $0xffff, v25  }
0x455: {  	v35 =	vadd.s32 $0x1, v14;
	v15 =	vld.idx.msk [tilespmem:v18+s3+$0x0], $0xffff  }
0x456: {  	v24 =	vadd.s32 $0x1, v1;
	v36 =	vld.idx.msk [tilespmem:v31+s3+$0x0], $0xffff  }
0x457: {  	v28 =	vadd.s32 $0x1, v19;
	v20 =	vld.idx.msk [tilespmem:v32+s3+$0x0], $0xffff  }
0x458: {  	v26 =	vadd.s32 $0x2, v7;
	v22 =	vld.idx.msk [tilespmem:v33+s3+$0x0], $0xffff  }
0x459: {  	v39 =	vadd.s32 $0x1, v2;
	v23 =	vld.idx.msk [tilespmem:v34+s3+$0x0], $0xffff  }
0x45a: {  	v40 =	vadd.s32 $0x1, v3;
	v16 =	vld.idx.msk [tilespmem:v35+s3+$0x0], $0xffff  }
0x45b: {  	v27 =	vadd.s32 $0x1, v4;
	[tilespmem:v24+s18+$0x0] =	vst.idx.add.f32.msk $0xffff, v15  }
0x45c: {  	v41 =	vadd.s32 $0x1, v6;
	v15 =	vld.idx.msk [tilespmem:v28+s3+$0x0], $0xffff  }
0x45d: {  	v30 =	vadd.s32 $0x2, v1;
	v29 =	vld.idx.msk [tilespmem:v26+s3+$0x0], $0xffff  }
0x45e: {  	v7 =	vadd.s32 $0x3, v7;
	[tilespmem:v39+s18+$0x0] =	vst.idx.add.f32.msk $0xffff, v36  }
0x45f: {  	v44 =	vadd.s32 $0x2, v8;
	[tilespmem:v40+s18+$0x0] =	vst.idx.add.f32.msk $0xffff, v20  }
0x460: {  	v45 =	vadd.s32 $0x2, v9;
	[tilespmem:v27+s18+$0x0] =	vst.idx.add.f32.msk $0xffff, v22  }
0x461: {  	v38 =	vadd.s32 $0x1, v10;
	[tilespmem:v41+s18+$0x0] =	vst.idx.add.f32.msk $0xffff, v16  }
0x462: {  	v43 =	vadd.s32 $0x2, v19;
	[tilespmem:v30+s18+$0x0] =	vst.idx.add.f32.msk $0xffff, v29  }
0x463: {  	v1 =	vadd.s32 $0x3, v1;
	v7 =	vld.idx.msk [tilespmem:v7+s3+$0x0], $0xffff  }
0x464: {  	v37 =	vadd.s32 $0x1, v21;
	v49 =	vld.idx.msk [tilespmem:v44+s3+$0x0], $0xffff  }
0x465: {  	v51 =	vadd.s32 $0x2, v2;
	v22 =	vld.idx.msk [tilespmem:v45+s3+$0x0], $0xffff  }
0x466: {  	v52 =	vadd.s32 $0x2, v3;
	[tilespmem:v38+s18+$0x0] =	vst.idx.add.f32.msk $0xffff, v15  }
0x467: {  	v8 =	vadd.s32 $0x3, v8;
	v47 =	vld.idx.msk [tilespmem:v43+s3+$0x0], $0xffff  }
0x468: {  	[tilespmem:v1+s18+$0x0] =	vst.idx.add.f32.msk $0xffff, v7;
	v1 =	vadd.s32 $0x1, v5  }
0x469: {  	v42 =	vadd.s32 $0x1, v12;
	v7 =	vld.idx.msk [tilespmem:v37+s3+$0x0], $0xffff  }
0x46a: {  	v50 =	vadd.s32 $0x2, v10;
	[tilespmem:v51+s18+$0x0] =	vst.idx.add.f32.msk $0xffff, v49  }
0x46b: {  	v57 =	vadd.s32 $0x3, v19;
	[tilespmem:v52+s18+$0x0] =	vst.idx.add.f32.msk $0xffff, v22  }
0x46c: {  	v2 =	vadd.s32 $0x3, v2;
	v8 =	vld.idx.msk [tilespmem:v8+s3+$0x0], $0xffff  }
0x46d: {  	[tilespmem:v1+s18+$0x0] =	vst.idx.add.f32.msk $0xffff, v23;
	v1 =	vadd.s32 $0x2, v11  }
0x46e: {  	[tilespmem:v42+s18+$0x0] =	vst.idx.add.f32.msk $0xffff, v7;
	v7 =	vadd.s32 $0x2, v14  }
0x46f: {  	v46 =	vadd.s32 $0x2, v13;
	[tilespmem:v50+s18+$0x0] =	vst.idx.add.f32.msk $0xffff, v47  }
0x470: {  	v48 =	vadd.s32 $0x2, v21;
	v60 =	vld.idx.msk [tilespmem:v57+s3+$0x0], $0xffff  }
0x471: {  	v10 =	vadd.s32 $0x3, v10;
	[tilespmem:v2+s18+$0x0] =	vst.idx.add.f32.msk $0xffff, v8  }
0x472: {  	v53 =	vadd.s32 $0x2, v4;
	v1 =	vld.idx.msk [tilespmem:v1+s3+$0x0], $0xffff  }
0x473: {  	v55 =	vadd.s32 $0x2, v6;
	v7 =	vld.idx.msk [tilespmem:v7+s3+$0x0], $0xffff  }
0x474: {  	v54 =	vadd.s32 $0x2, v5;
	v16 =	vld.idx.msk [tilespmem:v46+s3+$0x0], $0xffff  }
0x475: {  	v56 =	vadd.s32 $0x2, v12;
	v17 =	vld.idx.msk [tilespmem:v48+s3+$0x0], $0xffff  }
0x476: {  	v58 =	vadd.s32 $0x3, v11;
	[tilespmem:v10+s18+$0x0] =	vst.idx.add.f32.msk $0xffff, v60  }
0x477: {  	[tilespmem:v53+s18+$0x0] =	vst.idx.add.f32.msk $0xffff, v1;
	v1 =	vadd.s32 $0x3, v9  }
0x478: {  	[tilespmem:v55+s18+$0x0] =	vst.idx.add.f32.msk $0xffff, v7;
	v7 =	vadd.s32 $0x3, v13  }
0x479: {  	v61 =	vadd.s32 $0x3, v21;
	[tilespmem:v54+s18+$0x0] =	vst.idx.add.f32.msk $0xffff, v16  }
0x47a: {  	v59 =	vadd.s32 $0x3, v14;
	[tilespmem:v56+s18+$0x0] =	vst.idx.add.f32.msk $0xffff, v17  }
0x47b: {  	v63 =	vadd.s32 $0x3, v4;
	v9 =	vld.idx.msk [tilespmem:v58+s3+$0x0], $0xffff  }
0x47c: {  	v62 =	vadd.s32 $0x3, v3;
	v1 =	vld.idx.msk [tilespmem:v1+s3+$0x0], $0xffff  }
0x47d: {  	v5 =	vadd.s32 $0x3, v5;
	v7 =	vld.idx.msk [tilespmem:v7+s3+$0x0], $0xffff  }
0x47e: {  	v3 =	vld.idx.msk [tilespmem:v61+s3+$0x0], $0xffff  }
0x47f: {  	v4 =	vld.idx.msk [tilespmem:v59+s3+$0x0], $0xffff  }
0x480: {  	[tilespmem:v63+s18+$0x0] =	vst.idx.add.f32.msk $0xffff, v9  }
0x481: {  	[tilespmem:v62+s18+$0x0] =	vst.idx.add.f32.msk $0xffff, v1  }
0x482: {  	s21 =	simm.s32 $0x139C0;
	s20 =	simm.s32 $0x0;
	v2 =	vadd.s32 $0x3, v6;
	v1 =	vadd.s32 $0x3, v12;
	[tilespmem:v5+s18+$0x0] =	vst.idx.add.f32.msk $0xffff, v7  }
.LBB2_18:
0x483: {  	v5 =	vld [tilespmem:s21+$0x30];
	s20 =	sadd.s32 $0x8, s20  }
0x484: {  	v6 =	vld [tilespmem:s21+$0xFFFFFFD0];
	p0 =	slt.u32 s20, $0x7C8  }
0x485: {  	v7 =	vld [tilespmem:s21+$0xFFFFFFE0]  }
0x486: {  	v8 =	vld [tilespmem:s21+$0xFFFFFFF0]  }
0x487: {  	v9 =	vld [tilespmem:s21+$0x0]  }
0x488: {  	v10 =	vld [tilespmem:s21+$0x10];
	v11 =	vand.u32 $0xFFFF, v5  }
0x489: {  	v12 =	vand.u32 $0xFFFF, v6;
	v6 =	vshrl.u32 v6, $0x10;
	v13 =	vld [tilespmem:s21+$0x20]  }
0x48a: {  	v14 =	vld [tilespmem:s21+$0xFFFFFFC0];
	v15 =	vadd.s32 $0x1, v12;
	v16 =	vand.u32 $0xFFFF, v7;
	v7 =	vshrl.u32 v7, $0x10  }
0x48b: {  	v17 =	vadd.s32 $0x1, v16;
	v18 =	vand.u32 $0xFFFF, v8;
	v8 =	vshrl.u32 v8, $0x10;
	[tilespmem:v2+s18+$0x0] =	vst.idx.add.f32.msk $0xffff, v4  }
0x48c: {  	v4 =	vadd.s32 $0x1, v18;
	v2 =	vand.u32 $0xFFFF, v9;
	v9 =	vshrl.u32 v9, $0x10;
	[tilespmem:v1+s18+$0x0] =	vst.idx.add.f32.msk $0xffff, v3  }
0x48d: {  	v3 =	vadd.s32 $0x1, v2;
	v1 =	vand.u32 $0xFFFF, v10;
	v10 =	vshrl.u32 v10, $0x10;
	v19 =	vld.idx.msk [tilespmem:v11+s3+$0x0], $0xffff  }
0x48e: {  	v5 =	vshrl.u32 v5, $0x10;
	v20 =	vld.idx.msk [tilespmem:v12+s3+$0x0], $0xffff;
	v21 =	vand.u32 $0xFFFF, v13;
	v13 =	vshrl.u32 v13, $0x10  }
0x48f: {  	v24 =	vadd.s32 $0x1, v11;
	v22 =	vand.u32 $0xFFFF, v14;
	v14 =	vshrl.u32 v14, $0x10;
	v23 =	vld.idx.msk [tilespmem:v16+s3+$0x0], $0xffff  }
0x490: {  	v27 =	vadd.s32 $0x1, v1;
	v28 =	vadd.s32 $0x1, v21;
	v25 =	vadd.s32 $0x1, v22;
	v26 =	vld.idx.msk [tilespmem:v18+s3+$0x0], $0xffff  }
0x491: {  	v30 =	vadd.s32 $0x1, v6;
	v31 =	vadd.s32 $0x1, v7;
	v29 =	vadd.s32 $0x1, v14;
	v32 =	vld.idx.msk [tilespmem:v2+s3+$0x0], $0xffff  }
0x492: {  	v33 =	vadd.s32 $0x1, v8;
	v34 =	vadd.s32 $0x1, v9;
	v36 =	vadd.s32 $0x1, v10;
	v35 =	vld.idx.msk [tilespmem:v1+s3+$0x0], $0xffff  }
0x493: {  	v38 =	vadd.s32 $0x2, v12;
	v39 =	vadd.s32 $0x1, v13;
	v37 =	vadd.s32 $0x2, v22;
	[tilespmem:v5+s18+$0x0] =	vst.idx.add.f32.msk $0xffff, v19  }
0x494: {  	v40 =	vadd.s32 $0x2, v18;
	v41 =	vadd.s32 $0x2, v2;
	v19 =	vadd.s32 $0x2, v16;
	v24 =	vld.idx.msk [tilespmem:v24+s3+$0x0], $0xffff  }
0x495: {  	v45 =	vadd.s32 $0x1, v5;
	v43 =	vadd.s32 $0x2, v1;
	v44 =	vadd.s32 $0x2, v21;
	v42 =	vld.idx.msk [tilespmem:v22+s3+$0x0], $0xffff  }
0x496: {  	v49 =	vadd.s32 $0x2, v11;
	v47 =	vadd.s32 $0x2, v6;
	v46 =	vadd.s32 $0x2, v14;
	v48 =	vld.idx.msk [tilespmem:v21+s3+$0x0], $0xffff  }
0x497: {  	v50 =	vadd.s32 $0x2, v8;
	v51 =	vadd.s32 $0x2, v9;
	[tilespmem:v6+s18+$0x0] =	vst.idx.add.f32.msk $0xffff, v20;
	v20 =	vadd.s32 $0x2, v7  }
0x498: {  	v52 =	vadd.s32 $0x2, v13;
	v22 =	vadd.s32 $0x3, v22;
	[tilespmem:v7+s18+$0x0] =	vst.idx.add.f32.msk $0xffff, v23;
	v23 =	vadd.s32 $0x2, v10  }
0x499: {  	v12 =	vadd.s32 $0x3, v12;
	v18 =	vadd.s32 $0x3, v18;
	v16 =	vadd.s32 $0x3, v16;
	[tilespmem:v8+s18+$0x0] =	vst.idx.add.f32.msk $0xffff, v26  }
0x49a: {  	v53 =	vadd.s32 $0x3, v1;
	v21 =	vadd.s32 $0x3, v21;
	v26 =	vadd.s32 $0x3, v2;
	[tilespmem:v45+s18+$0x0] =	vst.idx.add.f32.msk $0xffff, v24  }
0x49b: {  	v6 =	vadd.s32 $0x3, v6;
	v7 =	vadd.s32 $0x3, v7;
	v24 =	vadd.s32 $0x3, v14;
	v45 =	vld.idx.msk [tilespmem:v49+s3+$0x0], $0xffff  }
0x49c: {  	v8 =	vadd.s32 $0x3, v8;
	[tilespmem:v14+s18+$0x0] =	vst.idx.add.f32.msk $0xffff, v42;
	v14 =	vadd.s32 $0x3, v9;
	v42 =	vadd.s32 $0x2, v5  }
0x49d: {  	v1 =	vadd.s32 $0x3, v13;
	v2 =	vadd.s32 $0x3, v10;
	[tilespmem:v9+s18+$0x0] =	vst.idx.add.f32.msk $0xffff, v32;
	v9 =	vadd.s32 $0x3, v11  }
0x49e: {  	[tilespmem:v10+s18+$0x0] =	vst.idx.add.f32.msk $0xffff, v35  }
0x49f: {  	[tilespmem:v13+s18+$0x0] =	vst.idx.add.f32.msk $0xffff, v48  }
0x4a0: {  	v10 =	vld.idx.msk [tilespmem:v25+s3+$0x0], $0xffff  }
0x4a1: {  	[tilespmem:v42+s18+$0x0] =	vst.idx.add.f32.msk $0xffff, v45  }
0x4a2: {  	v9 =	vld.idx.msk [tilespmem:v9+s3+$0x0], $0xffff  }
0x4a3: {  	v5 =	vadd.s32 $0x3, v5;
	v11 =	vld.idx.msk [tilespmem:v15+s3+$0x0], $0xffff  }
0x4a4: {  	v13 =	vld.idx.msk [tilespmem:v17+s3+$0x0], $0xffff  }
0x4a5: {  	v4 =	vld.idx.msk [tilespmem:v4+s3+$0x0], $0xffff  }
0x4a6: {  	v3 =	vld.idx.msk [tilespmem:v3+s3+$0x0], $0xffff  }
0x4a7: {  	v15 =	vld.idx.msk [tilespmem:v27+s3+$0x0], $0xffff  }
0x4a8: {  	[tilespmem:v5+s18+$0x0] =	vst.idx.add.f32.msk $0xffff, v9  }
0x4a9: {  	v5 =	vld.idx.msk [tilespmem:v28+s3+$0x0], $0xffff  }
0x4aa: {  	[tilespmem:v29+s18+$0x0] =	vst.idx.add.f32.msk $0xffff, v10  }
0x4ab: {  	[tilespmem:v30+s18+$0x0] =	vst.idx.add.f32.msk $0xffff, v11  }
0x4ac: {  	[tilespmem:v31+s18+$0x0] =	vst.idx.add.f32.msk $0xffff, v13  }
0x4ad: {  	[tilespmem:v33+s18+$0x0] =	vst.idx.add.f32.msk $0xffff, v4  }
0x4ae: {  	[tilespmem:v34+s18+$0x0] =	vst.idx.add.f32.msk $0xffff, v3  }
0x4af: {  	[tilespmem:v36+s18+$0x0] =	vst.idx.add.f32.msk $0xffff, v15  }
0x4b0: {  	[tilespmem:v39+s18+$0x0] =	vst.idx.add.f32.msk $0xffff, v5  }
0x4b1: {  	v3 =	vld.idx.msk [tilespmem:v37+s3+$0x0], $0xffff  }
0x4b2: {  	v4 =	vld.idx.msk [tilespmem:v38+s3+$0x0], $0xffff  }
0x4b3: {  	v5 =	vld.idx.msk [tilespmem:v19+s3+$0x0], $0xffff  }
0x4b4: {  	v9 =	vld.idx.msk [tilespmem:v40+s3+$0x0], $0xffff  }
0x4b5: {  	v10 =	vld.idx.msk [tilespmem:v41+s3+$0x0], $0xffff  }
0x4b6: {  	v11 =	vld.idx.msk [tilespmem:v43+s3+$0x0], $0xffff  }
0x4b7: {  	v13 =	vld.idx.msk [tilespmem:v44+s3+$0x0], $0xffff  }
0x4b8: {  	[tilespmem:v46+s18+$0x0] =	vst.idx.add.f32.msk $0xffff, v3  }
0x4b9: {  	[tilespmem:v47+s18+$0x0] =	vst.idx.add.f32.msk $0xffff, v4  }
0x4ba: {  	[tilespmem:v20+s18+$0x0] =	vst.idx.add.f32.msk $0xffff, v5  }
0x4bb: {  	[tilespmem:v50+s18+$0x0] =	vst.idx.add.f32.msk $0xffff, v9  }
0x4bc: {  	[tilespmem:v51+s18+$0x0] =	vst.idx.add.f32.msk $0xffff, v10  }
0x4bd: {  	[tilespmem:v23+s18+$0x0] =	vst.idx.add.f32.msk $0xffff, v11  }
0x4be: {  	[tilespmem:v52+s18+$0x0] =	vst.idx.add.f32.msk $0xffff, v13  }
0x4bf: {  	v5 =	vld.idx.msk [tilespmem:v22+s3+$0x0], $0xffff  }
0x4c0: {  	v9 =	vld.idx.msk [tilespmem:v12+s3+$0x0], $0xffff  }
0x4c1: {  	v10 =	vld.idx.msk [tilespmem:v16+s3+$0x0], $0xffff  }
0x4c2: {  	v11 =	vld.idx.msk [tilespmem:v18+s3+$0x0], $0xffff  }
0x4c3: {  	v12 =	vld.idx.msk [tilespmem:v26+s3+$0x0], $0xffff  }
0x4c4: {  	v4 =	vld.idx.msk [tilespmem:v53+s3+$0x0], $0xffff  }
0x4c5: {  	v3 =	vld.idx.msk [tilespmem:v21+s3+$0x0], $0xffff  }
.Ltmp8:
0x4c6: {  	[tilespmem:v24+s18+$0x0] =	vst.idx.add.f32.msk $0xffff, v5;
	(pc) =	sbr.rel @p0 .LBB2_18-.Ltmp8, $4  }
0x4c7: {  	[tilespmem:v6+s18+$0x0] =	vst.idx.add.f32.msk $0xffff, v9  }
0x4c8: {  	[tilespmem:v7+s18+$0x0] =	vst.idx.add.f32.msk $0xffff, v10  }
0x4c9: {  	[tilespmem:v8+s18+$0x0] =	vst.idx.add.f32.msk $0xffff, v11  }
0x4ca: {  	s21 =	sadd.s32 $0x80, s21;
	[tilespmem:v14+s18+$0x0] =	vst.idx.add.f32.msk $0xffff, v12  }
0x4cb: {  	_ =	sdelay $0x3  }
0x4cc: {  	[tilespmem:v2+s18+$0x0] =	vst.idx.add.f32.msk $0xffff, v4  }
0x4cd: {  	[tilespmem:v1+s18+$0x0] =	vst.idx.add.f32.msk $0xffff, v3  }
0x4ce: {  	[tilespmem:s17], [sflag:$0x1] =	stream.linear.gather [hbm4b:s12+s3], $0x7D00, $0x38;
	[tilespmem:$0x1B600] =	vst v63  }
0x4cf: {  	_ =	swait.ge [sflag:s16], $0x7D00  }
0x4d0: {  	[sflag:s16] =	ssyncset.done $0x0  }
0x4d1: {  	s20 =	simm.s32 $0x13940;
	[sflag:s16] =	ssyncadd.s32 $0xFFFF8300  }
0x4d2: {  	v1 =	vld [tilespmem:s20+$0x30]  }
0x4d3: {  	v2 =	vld [tilespmem:s20+$0xFFFFFFD0]  }
0x4d4: {  	v3 =	vld [tilespmem:s20+$0xFFFFFFE0]  }
0x4d5: {  	v4 =	vld [tilespmem:s20+$0xFFFFFFF0]  }
0x4d6: {  	v5 =	vld [tilespmem:s20+$0x0]  }
0x4d7: {  	v6 =	vld [tilespmem:s20+$0x10];
	v7 =	vand.u32 $0xFFFF, v1  }
0x4d8: {  	v10 =	vld [tilespmem:s20+$0xFFFFFFC0];
	v8 =	vand.u32 $0xFFFF, v2  }
0x4d9: {  	v12 =	vld [tilespmem:s20+$0x20];
	v9 =	vand.u32 $0xFFFF, v3  }
0x4da: {  	v11 =	vand.u32 $0xFFFF, v4  }
0x4db: {  	v13 =	vand.u32 $0xFFFF, v5  }
0x4dc: {  	v14 =	vand.u32 $0xFFFF, v6;
	v15 =	vld.idx.msk [tilespmem:v7+s3+$0x0], $0xffff  }
0x4dd: {  	v19 =	vand.u32 $0xFFFF, v10;
	v16 =	vld.idx.msk [tilespmem:v8+s3+$0x0], $0xffff  }
0x4de: {  	v21 =	vand.u32 $0xFFFF, v12;
	v17 =	vld.idx.msk [tilespmem:v9+s3+$0x0], $0xffff  }
0x4df: {  	v1 =	vshrl.u32 v1, $0x10;
	v20 =	vld.idx.msk [tilespmem:v11+s3+$0x0], $0xffff  }
0x4e0: {  	v2 =	vshrl.u32 v2, $0x10;
	v22 =	vld.idx.msk [tilespmem:v13+s3+$0x0], $0xffff  }
0x4e1: {  	v3 =	vshrl.u32 v3, $0x10;
	v23 =	vld.idx.msk [tilespmem:v14+s3+$0x0], $0xffff  }
0x4e2: {  	v4 =	vshrl.u32 v4, $0x10;
	v63 =	vld.idx.msk [tilespmem:v19+s3+$0x0], $0xffff  }
0x4e3: {  	v10 =	vshrl.u32 v10, $0x10;
	v25 =	vld.idx.msk [tilespmem:v21+s3+$0x0], $0xffff  }
0x4e4: {  	v5 =	vshrl.u32 v5, $0x10;
	[tilespmem:v1+s18+$0x0] =	vst.idx.add.f32.msk $0xffff, v15  }
0x4e5: {  	v6 =	vshrl.u32 v6, $0x10;
	[tilespmem:v2+s18+$0x0] =	vst.idx.add.f32.msk $0xffff, v16  }
0x4e6: {  	v12 =	vshrl.u32 v12, $0x10;
	[tilespmem:v3+s18+$0x0] =	vst.idx.add.f32.msk $0xffff, v17  }
0x4e7: {  	v18 =	vadd.s32 $0x1, v7;
	[tilespmem:v4+s18+$0x0] =	vst.idx.add.f32.msk $0xffff, v20  }
0x4e8: {  	v31 =	vadd.s32 $0x1, v8;
	[tilespmem:v10+s18+$0x0] =	vst.idx.add.f32.msk $0xffff, v63  }
0x4e9: {  	v32 =	vadd.s32 $0x1, v9;
	[tilespmem:v5+s18+$0x0] =	vst.idx.add.f32.msk $0xffff, v22  }
0x4ea: {  	v33 =	vadd.s32 $0x1, v11;
	[tilespmem:v6+s18+$0x0] =	vst.idx.add.f32.msk $0xffff, v23  }
0x4eb: {  	v34 =	vadd.s32 $0x1, v13;
	[tilespmem:v12+s18+$0x0] =	vst.idx.add.f32.msk $0xffff, v25  }
0x4ec: {  	v35 =	vadd.s32 $0x1, v14;
	v15 =	vld.idx.msk [tilespmem:v18+s3+$0x0], $0xffff  }
0x4ed: {  	v24 =	vadd.s32 $0x1, v1;
	v36 =	vld.idx.msk [tilespmem:v31+s3+$0x0], $0xffff  }
0x4ee: {  	v28 =	vadd.s32 $0x1, v19;
	v20 =	vld.idx.msk [tilespmem:v32+s3+$0x0], $0xffff  }
0x4ef: {  	v26 =	vadd.s32 $0x2, v7;
	v22 =	vld.idx.msk [tilespmem:v33+s3+$0x0], $0xffff  }
0x4f0: {  	v39 =	vadd.s32 $0x1, v2;
	v23 =	vld.idx.msk [tilespmem:v34+s3+$0x0], $0xffff  }
0x4f1: {  	v40 =	vadd.s32 $0x1, v3;
	v16 =	vld.idx.msk [tilespmem:v35+s3+$0x0], $0xffff  }
0x4f2: {  	v27 =	vadd.s32 $0x1, v4;
	[tilespmem:v24+s18+$0x0] =	vst.idx.add.f32.msk $0xffff, v15  }
0x4f3: {  	v41 =	vadd.s32 $0x1, v6;
	v15 =	vld.idx.msk [tilespmem:v28+s3+$0x0], $0xffff  }
0x4f4: {  	v30 =	vadd.s32 $0x2, v1;
	v29 =	vld.idx.msk [tilespmem:v26+s3+$0x0], $0xffff  }
0x4f5: {  	v7 =	vadd.s32 $0x3, v7;
	[tilespmem:v39+s18+$0x0] =	vst.idx.add.f32.msk $0xffff, v36  }
0x4f6: {  	v44 =	vadd.s32 $0x2, v8;
	[tilespmem:v40+s18+$0x0] =	vst.idx.add.f32.msk $0xffff, v20  }
0x4f7: {  	v45 =	vadd.s32 $0x2, v9;
	[tilespmem:v27+s18+$0x0] =	vst.idx.add.f32.msk $0xffff, v22  }
0x4f8: {  	v38 =	vadd.s32 $0x1, v10;
	[tilespmem:v41+s18+$0x0] =	vst.idx.add.f32.msk $0xffff, v16  }
0x4f9: {  	v43 =	vadd.s32 $0x2, v19;
	[tilespmem:v30+s18+$0x0] =	vst.idx.add.f32.msk $0xffff, v29  }
0x4fa: {  	v1 =	vadd.s32 $0x3, v1;
	v7 =	vld.idx.msk [tilespmem:v7+s3+$0x0], $0xffff  }
0x4fb: {  	v37 =	vadd.s32 $0x1, v21;
	v49 =	vld.idx.msk [tilespmem:v44+s3+$0x0], $0xffff  }
0x4fc: {  	v51 =	vadd.s32 $0x2, v2;
	v22 =	vld.idx.msk [tilespmem:v45+s3+$0x0], $0xffff  }
0x4fd: {  	v52 =	vadd.s32 $0x2, v3;
	[tilespmem:v38+s18+$0x0] =	vst.idx.add.f32.msk $0xffff, v15  }
0x4fe: {  	v8 =	vadd.s32 $0x3, v8;
	v47 =	vld.idx.msk [tilespmem:v43+s3+$0x0], $0xffff  }
0x4ff: {  	[tilespmem:v1+s18+$0x0] =	vst.idx.add.f32.msk $0xffff, v7;
	v1 =	vadd.s32 $0x1, v5  }
0x500: {  	v42 =	vadd.s32 $0x1, v12;
	v7 =	vld.idx.msk [tilespmem:v37+s3+$0x0], $0xffff  }
0x501: {  	v50 =	vadd.s32 $0x2, v10;
	[tilespmem:v51+s18+$0x0] =	vst.idx.add.f32.msk $0xffff, v49  }
0x502: {  	v57 =	vadd.s32 $0x3, v19;
	[tilespmem:v52+s18+$0x0] =	vst.idx.add.f32.msk $0xffff, v22  }
0x503: {  	v2 =	vadd.s32 $0x3, v2;
	v8 =	vld.idx.msk [tilespmem:v8+s3+$0x0], $0xffff  }
0x504: {  	[tilespmem:v1+s18+$0x0] =	vst.idx.add.f32.msk $0xffff, v23;
	v1 =	vadd.s32 $0x2, v11  }
0x505: {  	[tilespmem:v42+s18+$0x0] =	vst.idx.add.f32.msk $0xffff, v7;
	v7 =	vadd.s32 $0x2, v14  }
0x506: {  	v46 =	vadd.s32 $0x2, v13;
	[tilespmem:v50+s18+$0x0] =	vst.idx.add.f32.msk $0xffff, v47  }
0x507: {  	v48 =	vadd.s32 $0x2, v21;
	v60 =	vld.idx.msk [tilespmem:v57+s3+$0x0], $0xffff  }
0x508: {  	v10 =	vadd.s32 $0x3, v10;
	[tilespmem:v2+s18+$0x0] =	vst.idx.add.f32.msk $0xffff, v8  }
0x509: {  	v53 =	vadd.s32 $0x2, v4;
	v1 =	vld.idx.msk [tilespmem:v1+s3+$0x0], $0xffff  }
0x50a: {  	v55 =	vadd.s32 $0x2, v6;
	v7 =	vld.idx.msk [tilespmem:v7+s3+$0x0], $0xffff  }
0x50b: {  	v54 =	vadd.s32 $0x2, v5;
	v16 =	vld.idx.msk [tilespmem:v46+s3+$0x0], $0xffff  }
0x50c: {  	v56 =	vadd.s32 $0x2, v12;
	v17 =	vld.idx.msk [tilespmem:v48+s3+$0x0], $0xffff  }
0x50d: {  	v58 =	vadd.s32 $0x3, v11;
	[tilespmem:v10+s18+$0x0] =	vst.idx.add.f32.msk $0xffff, v60  }
0x50e: {  	[tilespmem:v53+s18+$0x0] =	vst.idx.add.f32.msk $0xffff, v1;
	v1 =	vadd.s32 $0x3, v9  }
0x50f: {  	[tilespmem:v55+s18+$0x0] =	vst.idx.add.f32.msk $0xffff, v7;
	v7 =	vadd.s32 $0x3, v13  }
0x510: {  	v61 =	vadd.s32 $0x3, v21;
	[tilespmem:v54+s18+$0x0] =	vst.idx.add.f32.msk $0xffff, v16  }
0x511: {  	v59 =	vadd.s32 $0x3, v14;
	[tilespmem:v56+s18+$0x0] =	vst.idx.add.f32.msk $0xffff, v17  }
0x512: {  	v63 =	vadd.s32 $0x3, v4;
	v9 =	vld.idx.msk [tilespmem:v58+s3+$0x0], $0xffff  }
0x513: {  	v62 =	vadd.s32 $0x3, v3;
	v1 =	vld.idx.msk [tilespmem:v1+s3+$0x0], $0xffff  }
0x514: {  	v5 =	vadd.s32 $0x3, v5;
	v7 =	vld.idx.msk [tilespmem:v7+s3+$0x0], $0xffff  }
0x515: {  	v3 =	vld.idx.msk [tilespmem:v61+s3+$0x0], $0xffff  }
0x516: {  	v4 =	vld.idx.msk [tilespmem:v59+s3+$0x0], $0xffff  }
0x517: {  	[tilespmem:v63+s18+$0x0] =	vst.idx.add.f32.msk $0xffff, v9  }
0x518: {  	[tilespmem:v62+s18+$0x0] =	vst.idx.add.f32.msk $0xffff, v1  }
0x519: {  	s21 =	simm.s32 $0x139C0;
	s20 =	simm.s32 $0x0;
	v2 =	vadd.s32 $0x3, v6;
	v1 =	vadd.s32 $0x3, v12;
	[tilespmem:v5+s18+$0x0] =	vst.idx.add.f32.msk $0xffff, v7  }
.LBB2_20:
0x51a: {  	v5 =	vld [tilespmem:s21+$0x30];
	s20 =	sadd.s32 $0x8, s20  }
0x51b: {  	v6 =	vld [tilespmem:s21+$0xFFFFFFD0];
	p0 =	slt.u32 s20, $0x7C8  }
0x51c: {  	v7 =	vld [tilespmem:s21+$0xFFFFFFE0]  }
0x51d: {  	v8 =	vld [tilespmem:s21+$0xFFFFFFF0]  }
0x51e: {  	v9 =	vld [tilespmem:s21+$0x0]  }
0x51f: {  	v10 =	vld [tilespmem:s21+$0x10];
	v11 =	vand.u32 $0xFFFF, v5  }
0x520: {  	v12 =	vand.u32 $0xFFFF, v6;
	v6 =	vshrl.u32 v6, $0x10;
	v13 =	vld [tilespmem:s21+$0x20]  }
0x521: {  	v14 =	vld [tilespmem:s21+$0xFFFFFFC0];
	v15 =	vadd.s32 $0x1, v12;
	v16 =	vand.u32 $0xFFFF, v7;
	v7 =	vshrl.u32 v7, $0x10  }
0x522: {  	v17 =	vadd.s32 $0x1, v16;
	v18 =	vand.u32 $0xFFFF, v8;
	v8 =	vshrl.u32 v8, $0x10;
	[tilespmem:v2+s18+$0x0] =	vst.idx.add.f32.msk $0xffff, v4  }
0x523: {  	v4 =	vadd.s32 $0x1, v18;
	v2 =	vand.u32 $0xFFFF, v9;
	v9 =	vshrl.u32 v9, $0x10;
	[tilespmem:v1+s18+$0x0] =	vst.idx.add.f32.msk $0xffff, v3  }
0x524: {  	v3 =	vadd.s32 $0x1, v2;
	v1 =	vand.u32 $0xFFFF, v10;
	v10 =	vshrl.u32 v10, $0x10;
	v19 =	vld.idx.msk [tilespmem:v11+s3+$0x0], $0xffff  }
0x525: {  	v5 =	vshrl.u32 v5, $0x10;
	v20 =	vld.idx.msk [tilespmem:v12+s3+$0x0], $0xffff;
	v21 =	vand.u32 $0xFFFF, v13;
	v13 =	vshrl.u32 v13, $0x10  }
0x526: {  	v24 =	vadd.s32 $0x1, v11;
	v22 =	vand.u32 $0xFFFF, v14;
	v14 =	vshrl.u32 v14, $0x10;
	v23 =	vld.idx.msk [tilespmem:v16+s3+$0x0], $0xffff  }
0x527: {  	v27 =	vadd.s32 $0x1, v1;
	v28 =	vadd.s32 $0x1, v21;
	v25 =	vadd.s32 $0x1, v22;
	v26 =	vld.idx.msk [tilespmem:v18+s3+$0x0], $0xffff  }
0x528: {  	v30 =	vadd.s32 $0x1, v6;
	v31 =	vadd.s32 $0x1, v7;
	v29 =	vadd.s32 $0x1, v14;
	v32 =	vld.idx.msk [tilespmem:v2+s3+$0x0], $0xffff  }
0x529: {  	v33 =	vadd.s32 $0x1, v8;
	v34 =	vadd.s32 $0x1, v9;
	v36 =	vadd.s32 $0x1, v10;
	v35 =	vld.idx.msk [tilespmem:v1+s3+$0x0], $0xffff  }
0x52a: {  	v38 =	vadd.s32 $0x2, v12;
	v39 =	vadd.s32 $0x1, v13;
	v37 =	vadd.s32 $0x2, v22;
	[tilespmem:v5+s18+$0x0] =	vst.idx.add.f32.msk $0xffff, v19  }
0x52b: {  	v40 =	vadd.s32 $0x2, v18;
	v41 =	vadd.s32 $0x2, v2;
	v19 =	vadd.s32 $0x2, v16;
	v24 =	vld.idx.msk [tilespmem:v24+s3+$0x0], $0xffff  }
0x52c: {  	v45 =	vadd.s32 $0x1, v5;
	v43 =	vadd.s32 $0x2, v1;
	v44 =	vadd.s32 $0x2, v21;
	v42 =	vld.idx.msk [tilespmem:v22+s3+$0x0], $0xffff  }
0x52d: {  	v49 =	vadd.s32 $0x2, v11;
	v47 =	vadd.s32 $0x2, v6;
	v46 =	vadd.s32 $0x2, v14;
	v48 =	vld.idx.msk [tilespmem:v21+s3+$0x0], $0xffff  }
0x52e: {  	v50 =	vadd.s32 $0x2, v8;
	v51 =	vadd.s32 $0x2, v9;
	[tilespmem:v6+s18+$0x0] =	vst.idx.add.f32.msk $0xffff, v20;
	v20 =	vadd.s32 $0x2, v7  }
0x52f: {  	v52 =	vadd.s32 $0x2, v13;
	v22 =	vadd.s32 $0x3, v22;
	[tilespmem:v7+s18+$0x0] =	vst.idx.add.f32.msk $0xffff, v23;
	v23 =	vadd.s32 $0x2, v10  }
0x530: {  	v12 =	vadd.s32 $0x3, v12;
	v18 =	vadd.s32 $0x3, v18;
	v16 =	vadd.s32 $0x3, v16;
	[tilespmem:v8+s18+$0x0] =	vst.idx.add.f32.msk $0xffff, v26  }
0x531: {  	v53 =	vadd.s32 $0x3, v1;
	v21 =	vadd.s32 $0x3, v21;
	v26 =	vadd.s32 $0x3, v2;
	[tilespmem:v45+s18+$0x0] =	vst.idx.add.f32.msk $0xffff, v24  }
0x532: {  	v6 =	vadd.s32 $0x3, v6;
	v7 =	vadd.s32 $0x3, v7;
	v24 =	vadd.s32 $0x3, v14;
	v45 =	vld.idx.msk [tilespmem:v49+s3+$0x0], $0xffff  }
0x533: {  	v8 =	vadd.s32 $0x3, v8;
	[tilespmem:v14+s18+$0x0] =	vst.idx.add.f32.msk $0xffff, v42;
	v14 =	vadd.s32 $0x3, v9;
	v42 =	vadd.s32 $0x2, v5  }
0x534: {  	v1 =	vadd.s32 $0x3, v13;
	v2 =	vadd.s32 $0x3, v10;
	[tilespmem:v9+s18+$0x0] =	vst.idx.add.f32.msk $0xffff, v32;
	v9 =	vadd.s32 $0x3, v11  }
0x535: {  	[tilespmem:v10+s18+$0x0] =	vst.idx.add.f32.msk $0xffff, v35  }
0x536: {  	[tilespmem:v13+s18+$0x0] =	vst.idx.add.f32.msk $0xffff, v48  }
0x537: {  	v10 =	vld.idx.msk [tilespmem:v25+s3+$0x0], $0xffff  }
0x538: {  	[tilespmem:v42+s18+$0x0] =	vst.idx.add.f32.msk $0xffff, v45  }
0x539: {  	v9 =	vld.idx.msk [tilespmem:v9+s3+$0x0], $0xffff  }
0x53a: {  	v5 =	vadd.s32 $0x3, v5;
	v11 =	vld.idx.msk [tilespmem:v15+s3+$0x0], $0xffff  }
0x53b: {  	v13 =	vld.idx.msk [tilespmem:v17+s3+$0x0], $0xffff  }
0x53c: {  	v4 =	vld.idx.msk [tilespmem:v4+s3+$0x0], $0xffff  }
0x53d: {  	v3 =	vld.idx.msk [tilespmem:v3+s3+$0x0], $0xffff  }
0x53e: {  	v15 =	vld.idx.msk [tilespmem:v27+s3+$0x0], $0xffff  }
0x53f: {  	[tilespmem:v5+s18+$0x0] =	vst.idx.add.f32.msk $0xffff, v9  }
0x540: {  	v5 =	vld.idx.msk [tilespmem:v28+s3+$0x0], $0xffff  }
0x541: {  	[tilespmem:v29+s18+$0x0] =	vst.idx.add.f32.msk $0xffff, v10  }
0x542: {  	[tilespmem:v30+s18+$0x0] =	vst.idx.add.f32.msk $0xffff, v11  }
0x543: {  	[tilespmem:v31+s18+$0x0] =	vst.idx.add.f32.msk $0xffff, v13  }
0x544: {  	[tilespmem:v33+s18+$0x0] =	vst.idx.add.f32.msk $0xffff, v4  }
0x545: {  	[tilespmem:v34+s18+$0x0] =	vst.idx.add.f32.msk $0xffff, v3  }
0x546: {  	[tilespmem:v36+s18+$0x0] =	vst.idx.add.f32.msk $0xffff, v15  }
0x547: {  	[tilespmem:v39+s18+$0x0] =	vst.idx.add.f32.msk $0xffff, v5  }
0x548: {  	v3 =	vld.idx.msk [tilespmem:v37+s3+$0x0], $0xffff  }
0x549: {  	v4 =	vld.idx.msk [tilespmem:v38+s3+$0x0], $0xffff  }
0x54a: {  	v5 =	vld.idx.msk [tilespmem:v19+s3+$0x0], $0xffff  }
0x54b: {  	v9 =	vld.idx.msk [tilespmem:v40+s3+$0x0], $0xffff  }
0x54c: {  	v10 =	vld.idx.msk [tilespmem:v41+s3+$0x0], $0xffff  }
0x54d: {  	v11 =	vld.idx.msk [tilespmem:v43+s3+$0x0], $0xffff  }
0x54e: {  	v13 =	vld.idx.msk [tilespmem:v44+s3+$0x0], $0xffff  }
0x54f: {  	[tilespmem:v46+s18+$0x0] =	vst.idx.add.f32.msk $0xffff, v3  }
0x550: {  	[tilespmem:v47+s18+$0x0] =	vst.idx.add.f32.msk $0xffff, v4  }
0x551: {  	[tilespmem:v20+s18+$0x0] =	vst.idx.add.f32.msk $0xffff, v5  }
0x552: {  	[tilespmem:v50+s18+$0x0] =	vst.idx.add.f32.msk $0xffff, v9  }
0x553: {  	[tilespmem:v51+s18+$0x0] =	vst.idx.add.f32.msk $0xffff, v10  }
0x554: {  	[tilespmem:v23+s18+$0x0] =	vst.idx.add.f32.msk $0xffff, v11  }
0x555: {  	[tilespmem:v52+s18+$0x0] =	vst.idx.add.f32.msk $0xffff, v13  }
0x556: {  	v5 =	vld.idx.msk [tilespmem:v22+s3+$0x0], $0xffff  }
0x557: {  	v9 =	vld.idx.msk [tilespmem:v12+s3+$0x0], $0xffff  }
0x558: {  	v10 =	vld.idx.msk [tilespmem:v16+s3+$0x0], $0xffff  }
0x559: {  	v11 =	vld.idx.msk [tilespmem:v18+s3+$0x0], $0xffff  }
0x55a: {  	v12 =	vld.idx.msk [tilespmem:v26+s3+$0x0], $0xffff  }
0x55b: {  	v4 =	vld.idx.msk [tilespmem:v53+s3+$0x0], $0xffff  }
0x55c: {  	v3 =	vld.idx.msk [tilespmem:v21+s3+$0x0], $0xffff  }
.Ltmp9:
0x55d: {  	[tilespmem:v24+s18+$0x0] =	vst.idx.add.f32.msk $0xffff, v5;
	(pc) =	sbr.rel @p0 .LBB2_20-.Ltmp9, $4  }
0x55e: {  	[tilespmem:v6+s18+$0x0] =	vst.idx.add.f32.msk $0xffff, v9  }
0x55f: {  	[tilespmem:v7+s18+$0x0] =	vst.idx.add.f32.msk $0xffff, v10  }
0x560: {  	[tilespmem:v8+s18+$0x0] =	vst.idx.add.f32.msk $0xffff, v11  }
0x561: {  	s21 =	sadd.s32 $0x80, s21;
	[tilespmem:v14+s18+$0x0] =	vst.idx.add.f32.msk $0xffff, v12  }
0x562: {  	_ =	sdelay $0x3  }
0x563: {  	[tilespmem:v2+s18+$0x0] =	vst.idx.add.f32.msk $0xffff, v4  }
0x564: {  	[tilespmem:v1+s18+$0x0] =	vst.idx.add.f32.msk $0xffff, v3  }
0x565: {  	[tilespmem:s17], [sflag:$0x1] =	stream.linear.gather [hbm4b:s13+s3], $0x7D00, $0x38;
	[tilespmem:$0x1B600] =	vst v63  }
0x566: {  	_ =	swait.ge [sflag:s16], $0x7D00  }
0x567: {  	[sflag:s16] =	ssyncset.done $0x0  }
0x568: {  	s20 =	simm.s32 $0x13940;
	[sflag:s16] =	ssyncadd.s32 $0xFFFF8300  }
0x569: {  	v1 =	vld [tilespmem:s20+$0x30]  }
0x56a: {  	v2 =	vld [tilespmem:s20+$0xFFFFFFD0]  }
0x56b: {  	v3 =	vld [tilespmem:s20+$0xFFFFFFE0]  }
0x56c: {  	v4 =	vld [tilespmem:s20+$0xFFFFFFF0]  }
0x56d: {  	v5 =	vld [tilespmem:s20+$0x0]  }
0x56e: {  	v6 =	vld [tilespmem:s20+$0x10];
	v7 =	vand.u32 $0xFFFF, v1  }
0x56f: {  	v10 =	vld [tilespmem:s20+$0xFFFFFFC0];
	v8 =	vand.u32 $0xFFFF, v2  }
0x570: {  	v12 =	vld [tilespmem:s20+$0x20];
	v9 =	vand.u32 $0xFFFF, v3  }
0x571: {  	v11 =	vand.u32 $0xFFFF, v4  }
0x572: {  	v13 =	vand.u32 $0xFFFF, v5  }
0x573: {  	v14 =	vand.u32 $0xFFFF, v6;
	v15 =	vld.idx.msk [tilespmem:v7+s3+$0x0], $0xffff  }
0x574: {  	v19 =	vand.u32 $0xFFFF, v10;
	v16 =	vld.idx.msk [tilespmem:v8+s3+$0x0], $0xffff  }
0x575: {  	v21 =	vand.u32 $0xFFFF, v12;
	v17 =	vld.idx.msk [tilespmem:v9+s3+$0x0], $0xffff  }
0x576: {  	v1 =	vshrl.u32 v1, $0x10;
	v20 =	vld.idx.msk [tilespmem:v11+s3+$0x0], $0xffff  }
0x577: {  	v2 =	vshrl.u32 v2, $0x10;
	v22 =	vld.idx.msk [tilespmem:v13+s3+$0x0], $0xffff  }
0x578: {  	v3 =	vshrl.u32 v3, $0x10;
	v23 =	vld.idx.msk [tilespmem:v14+s3+$0x0], $0xffff  }
0x579: {  	v4 =	vshrl.u32 v4, $0x10;
	v63 =	vld.idx.msk [tilespmem:v19+s3+$0x0], $0xffff  }
0x57a: {  	v10 =	vshrl.u32 v10, $0x10;
	v25 =	vld.idx.msk [tilespmem:v21+s3+$0x0], $0xffff  }
0x57b: {  	v5 =	vshrl.u32 v5, $0x10;
	[tilespmem:v1+s18+$0x0] =	vst.idx.add.f32.msk $0xffff, v15  }
0x57c: {  	v6 =	vshrl.u32 v6, $0x10;
	[tilespmem:v2+s18+$0x0] =	vst.idx.add.f32.msk $0xffff, v16  }
0x57d: {  	v12 =	vshrl.u32 v12, $0x10;
	[tilespmem:v3+s18+$0x0] =	vst.idx.add.f32.msk $0xffff, v17  }
0x57e: {  	v18 =	vadd.s32 $0x1, v7;
	[tilespmem:v4+s18+$0x0] =	vst.idx.add.f32.msk $0xffff, v20  }
0x57f: {  	v31 =	vadd.s32 $0x1, v8;
	[tilespmem:v10+s18+$0x0] =	vst.idx.add.f32.msk $0xffff, v63  }
0x580: {  	v32 =	vadd.s32 $0x1, v9;
	[tilespmem:v5+s18+$0x0] =	vst.idx.add.f32.msk $0xffff, v22  }
0x581: {  	v33 =	vadd.s32 $0x1, v11;
	[tilespmem:v6+s18+$0x0] =	vst.idx.add.f32.msk $0xffff, v23  }
0x582: {  	v34 =	vadd.s32 $0x1, v13;
	[tilespmem:v12+s18+$0x0] =	vst.idx.add.f32.msk $0xffff, v25  }
0x583: {  	v35 =	vadd.s32 $0x1, v14;
	v15 =	vld.idx.msk [tilespmem:v18+s3+$0x0], $0xffff  }
0x584: {  	v24 =	vadd.s32 $0x1, v1;
	v36 =	vld.idx.msk [tilespmem:v31+s3+$0x0], $0xffff  }
0x585: {  	v28 =	vadd.s32 $0x1, v19;
	v20 =	vld.idx.msk [tilespmem:v32+s3+$0x0], $0xffff  }
0x586: {  	v26 =	vadd.s32 $0x2, v7;
	v22 =	vld.idx.msk [tilespmem:v33+s3+$0x0], $0xffff  }
0x587: {  	v39 =	vadd.s32 $0x1, v2;
	v23 =	vld.idx.msk [tilespmem:v34+s3+$0x0], $0xffff  }
0x588: {  	v40 =	vadd.s32 $0x1, v3;
	v16 =	vld.idx.msk [tilespmem:v35+s3+$0x0], $0xffff  }
0x589: {  	v27 =	vadd.s32 $0x1, v4;
	[tilespmem:v24+s18+$0x0] =	vst.idx.add.f32.msk $0xffff, v15  }
0x58a: {  	v41 =	vadd.s32 $0x1, v6;
	v15 =	vld.idx.msk [tilespmem:v28+s3+$0x0], $0xffff  }
0x58b: {  	v30 =	vadd.s32 $0x2, v1;
	v29 =	vld.idx.msk [tilespmem:v26+s3+$0x0], $0xffff  }
0x58c: {  	v7 =	vadd.s32 $0x3, v7;
	[tilespmem:v39+s18+$0x0] =	vst.idx.add.f32.msk $0xffff, v36  }
0x58d: {  	v44 =	vadd.s32 $0x2, v8;
	[tilespmem:v40+s18+$0x0] =	vst.idx.add.f32.msk $0xffff, v20  }
0x58e: {  	v45 =	vadd.s32 $0x2, v9;
	[tilespmem:v27+s18+$0x0] =	vst.idx.add.f32.msk $0xffff, v22  }
0x58f: {  	v38 =	vadd.s32 $0x1, v10;
	[tilespmem:v41+s18+$0x0] =	vst.idx.add.f32.msk $0xffff, v16  }
0x590: {  	v43 =	vadd.s32 $0x2, v19;
	[tilespmem:v30+s18+$0x0] =	vst.idx.add.f32.msk $0xffff, v29  }
0x591: {  	v1 =	vadd.s32 $0x3, v1;
	v7 =	vld.idx.msk [tilespmem:v7+s3+$0x0], $0xffff  }
0x592: {  	v37 =	vadd.s32 $0x1, v21;
	v49 =	vld.idx.msk [tilespmem:v44+s3+$0x0], $0xffff  }
0x593: {  	v51 =	vadd.s32 $0x2, v2;
	v22 =	vld.idx.msk [tilespmem:v45+s3+$0x0], $0xffff  }
0x594: {  	v52 =	vadd.s32 $0x2, v3;
	[tilespmem:v38+s18+$0x0] =	vst.idx.add.f32.msk $0xffff, v15  }
0x595: {  	v8 =	vadd.s32 $0x3, v8;
	v47 =	vld.idx.msk [tilespmem:v43+s3+$0x0], $0xffff  }
0x596: {  	[tilespmem:v1+s18+$0x0] =	vst.idx.add.f32.msk $0xffff, v7;
	v1 =	vadd.s32 $0x1, v5  }
0x597: {  	v42 =	vadd.s32 $0x1, v12;
	v7 =	vld.idx.msk [tilespmem:v37+s3+$0x0], $0xffff  }
0x598: {  	v50 =	vadd.s32 $0x2, v10;
	[tilespmem:v51+s18+$0x0] =	vst.idx.add.f32.msk $0xffff, v49  }
0x599: {  	v57 =	vadd.s32 $0x3, v19;
	[tilespmem:v52+s18+$0x0] =	vst.idx.add.f32.msk $0xffff, v22  }
0x59a: {  	v2 =	vadd.s32 $0x3, v2;
	v8 =	vld.idx.msk [tilespmem:v8+s3+$0x0], $0xffff  }
0x59b: {  	[tilespmem:v1+s18+$0x0] =	vst.idx.add.f32.msk $0xffff, v23;
	v1 =	vadd.s32 $0x2, v11  }
0x59c: {  	[tilespmem:v42+s18+$0x0] =	vst.idx.add.f32.msk $0xffff, v7;
	v7 =	vadd.s32 $0x2, v14  }
0x59d: {  	v46 =	vadd.s32 $0x2, v13;
	[tilespmem:v50+s18+$0x0] =	vst.idx.add.f32.msk $0xffff, v47  }
0x59e: {  	v48 =	vadd.s32 $0x2, v21;
	v60 =	vld.idx.msk [tilespmem:v57+s3+$0x0], $0xffff  }
0x59f: {  	v10 =	vadd.s32 $0x3, v10;
	[tilespmem:v2+s18+$0x0] =	vst.idx.add.f32.msk $0xffff, v8  }
0x5a0: {  	v53 =	vadd.s32 $0x2, v4;
	v1 =	vld.idx.msk [tilespmem:v1+s3+$0x0], $0xffff  }
0x5a1: {  	v55 =	vadd.s32 $0x2, v6;
	v7 =	vld.idx.msk [tilespmem:v7+s3+$0x0], $0xffff  }
0x5a2: {  	v54 =	vadd.s32 $0x2, v5;
	v16 =	vld.idx.msk [tilespmem:v46+s3+$0x0], $0xffff  }
0x5a3: {  	v56 =	vadd.s32 $0x2, v12;
	v17 =	vld.idx.msk [tilespmem:v48+s3+$0x0], $0xffff  }
0x5a4: {  	v58 =	vadd.s32 $0x3, v11;
	[tilespmem:v10+s18+$0x0] =	vst.idx.add.f32.msk $0xffff, v60  }
0x5a5: {  	[tilespmem:v53+s18+$0x0] =	vst.idx.add.f32.msk $0xffff, v1;
	v1 =	vadd.s32 $0x3, v9  }
0x5a6: {  	[tilespmem:v55+s18+$0x0] =	vst.idx.add.f32.msk $0xffff, v7;
	v7 =	vadd.s32 $0x3, v13  }
0x5a7: {  	v61 =	vadd.s32 $0x3, v21;
	[tilespmem:v54+s18+$0x0] =	vst.idx.add.f32.msk $0xffff, v16  }
0x5a8: {  	v59 =	vadd.s32 $0x3, v14;
	[tilespmem:v56+s18+$0x0] =	vst.idx.add.f32.msk $0xffff, v17  }
0x5a9: {  	v63 =	vadd.s32 $0x3, v4;
	v9 =	vld.idx.msk [tilespmem:v58+s3+$0x0], $0xffff  }
0x5aa: {  	v62 =	vadd.s32 $0x3, v3;
	v1 =	vld.idx.msk [tilespmem:v1+s3+$0x0], $0xffff  }
0x5ab: {  	v5 =	vadd.s32 $0x3, v5;
	v7 =	vld.idx.msk [tilespmem:v7+s3+$0x0], $0xffff  }
0x5ac: {  	v3 =	vld.idx.msk [tilespmem:v61+s3+$0x0], $0xffff  }
0x5ad: {  	v4 =	vld.idx.msk [tilespmem:v59+s3+$0x0], $0xffff  }
0x5ae: {  	[tilespmem:v63+s18+$0x0] =	vst.idx.add.f32.msk $0xffff, v9  }
0x5af: {  	[tilespmem:v62+s18+$0x0] =	vst.idx.add.f32.msk $0xffff, v1  }
0x5b0: {  	s21 =	simm.s32 $0x139C0;
	s20 =	simm.s32 $0x0;
	v2 =	vadd.s32 $0x3, v6;
	v1 =	vadd.s32 $0x3, v12;
	[tilespmem:v5+s18+$0x0] =	vst.idx.add.f32.msk $0xffff, v7  }
.LBB2_22:
0x5b1: {  	v5 =	vld [tilespmem:s21+$0x30];
	s20 =	sadd.s32 $0x8, s20  }
0x5b2: {  	v6 =	vld [tilespmem:s21+$0xFFFFFFD0];
	p0 =	slt.u32 s20, $0x7C8  }
0x5b3: {  	v7 =	vld [tilespmem:s21+$0xFFFFFFE0]  }
0x5b4: {  	v8 =	vld [tilespmem:s21+$0xFFFFFFF0]  }
0x5b5: {  	v9 =	vld [tilespmem:s21+$0x0]  }
0x5b6: {  	v10 =	vld [tilespmem:s21+$0x10];
	v11 =	vand.u32 $0xFFFF, v5  }
0x5b7: {  	v12 =	vand.u32 $0xFFFF, v6;
	v6 =	vshrl.u32 v6, $0x10;
	v13 =	vld [tilespmem:s21+$0x20]  }
0x5b8: {  	v14 =	vld [tilespmem:s21+$0xFFFFFFC0];
	v15 =	vadd.s32 $0x1, v12;
	v16 =	vand.u32 $0xFFFF, v7;
	v7 =	vshrl.u32 v7, $0x10  }
0x5b9: {  	v17 =	vadd.s32 $0x1, v16;
	v18 =	vand.u32 $0xFFFF, v8;
	v8 =	vshrl.u32 v8, $0x10;
	[tilespmem:v2+s18+$0x0] =	vst.idx.add.f32.msk $0xffff, v4  }
0x5ba: {  	v4 =	vadd.s32 $0x1, v18;
	v2 =	vand.u32 $0xFFFF, v9;
	v9 =	vshrl.u32 v9, $0x10;
	[tilespmem:v1+s18+$0x0] =	vst.idx.add.f32.msk $0xffff, v3  }
0x5bb: {  	v3 =	vadd.s32 $0x1, v2;
	v1 =	vand.u32 $0xFFFF, v10;
	v10 =	vshrl.u32 v10, $0x10;
	v19 =	vld.idx.msk [tilespmem:v11+s3+$0x0], $0xffff  }
0x5bc: {  	v5 =	vshrl.u32 v5, $0x10;
	v20 =	vld.idx.msk [tilespmem:v12+s3+$0x0], $0xffff;
	v21 =	vand.u32 $0xFFFF, v13;
	v13 =	vshrl.u32 v13, $0x10  }
0x5bd: {  	v24 =	vadd.s32 $0x1, v11;
	v22 =	vand.u32 $0xFFFF, v14;
	v14 =	vshrl.u32 v14, $0x10;
	v23 =	vld.idx.msk [tilespmem:v16+s3+$0x0], $0xffff  }
0x5be: {  	v27 =	vadd.s32 $0x1, v1;
	v28 =	vadd.s32 $0x1, v21;
	v25 =	vadd.s32 $0x1, v22;
	v26 =	vld.idx.msk [tilespmem:v18+s3+$0x0], $0xffff  }
0x5bf: {  	v30 =	vadd.s32 $0x1, v6;
	v31 =	vadd.s32 $0x1, v7;
	v29 =	vadd.s32 $0x1, v14;
	v32 =	vld.idx.msk [tilespmem:v2+s3+$0x0], $0xffff  }
0x5c0: {  	v33 =	vadd.s32 $0x1, v8;
	v34 =	vadd.s32 $0x1, v9;
	v36 =	vadd.s32 $0x1, v10;
	v35 =	vld.idx.msk [tilespmem:v1+s3+$0x0], $0xffff  }
0x5c1: {  	v38 =	vadd.s32 $0x2, v12;
	v39 =	vadd.s32 $0x1, v13;
	v37 =	vadd.s32 $0x2, v22;
	[tilespmem:v5+s18+$0x0] =	vst.idx.add.f32.msk $0xffff, v19  }
0x5c2: {  	v40 =	vadd.s32 $0x2, v18;
	v41 =	vadd.s32 $0x2, v2;
	v19 =	vadd.s32 $0x2, v16;
	v24 =	vld.idx.msk [tilespmem:v24+s3+$0x0], $0xffff  }
0x5c3: {  	v45 =	vadd.s32 $0x1, v5;
	v43 =	vadd.s32 $0x2, v1;
	v44 =	vadd.s32 $0x2, v21;
	v42 =	vld.idx.msk [tilespmem:v22+s3+$0x0], $0xffff  }
0x5c4: {  	v49 =	vadd.s32 $0x2, v11;
	v47 =	vadd.s32 $0x2, v6;
	v46 =	vadd.s32 $0x2, v14;
	v48 =	vld.idx.msk [tilespmem:v21+s3+$0x0], $0xffff  }
0x5c5: {  	v50 =	vadd.s32 $0x2, v8;
	v51 =	vadd.s32 $0x2, v9;
	[tilespmem:v6+s18+$0x0] =	vst.idx.add.f32.msk $0xffff, v20;
	v20 =	vadd.s32 $0x2, v7  }
0x5c6: {  	v52 =	vadd.s32 $0x2, v13;
	v22 =	vadd.s32 $0x3, v22;
	[tilespmem:v7+s18+$0x0] =	vst.idx.add.f32.msk $0xffff, v23;
	v23 =	vadd.s32 $0x2, v10  }
0x5c7: {  	v12 =	vadd.s32 $0x3, v12;
	v18 =	vadd.s32 $0x3, v18;
	v16 =	vadd.s32 $0x3, v16;
	[tilespmem:v8+s18+$0x0] =	vst.idx.add.f32.msk $0xffff, v26  }
0x5c8: {  	v53 =	vadd.s32 $0x3, v1;
	v21 =	vadd.s32 $0x3, v21;
	v26 =	vadd.s32 $0x3, v2;
	[tilespmem:v45+s18+$0x0] =	vst.idx.add.f32.msk $0xffff, v24  }
0x5c9: {  	v6 =	vadd.s32 $0x3, v6;
	v7 =	vadd.s32 $0x3, v7;
	v24 =	vadd.s32 $0x3, v14;
	v45 =	vld.idx.msk [tilespmem:v49+s3+$0x0], $0xffff  }
0x5ca: {  	v8 =	vadd.s32 $0x3, v8;
	[tilespmem:v14+s18+$0x0] =	vst.idx.add.f32.msk $0xffff, v42;
	v14 =	vadd.s32 $0x3, v9;
	v42 =	vadd.s32 $0x2, v5  }
0x5cb: {  	v1 =	vadd.s32 $0x3, v13;
	v2 =	vadd.s32 $0x3, v10;
	[tilespmem:v9+s18+$0x0] =	vst.idx.add.f32.msk $0xffff, v32;
	v9 =	vadd.s32 $0x3, v11  }
0x5cc: {  	[tilespmem:v10+s18+$0x0] =	vst.idx.add.f32.msk $0xffff, v35  }
0x5cd: {  	[tilespmem:v13+s18+$0x0] =	vst.idx.add.f32.msk $0xffff, v48  }
0x5ce: {  	v10 =	vld.idx.msk [tilespmem:v25+s3+$0x0], $0xffff  }
0x5cf: {  	[tilespmem:v42+s18+$0x0] =	vst.idx.add.f32.msk $0xffff, v45  }
0x5d0: {  	v9 =	vld.idx.msk [tilespmem:v9+s3+$0x0], $0xffff  }
0x5d1: {  	v5 =	vadd.s32 $0x3, v5;
	v11 =	vld.idx.msk [tilespmem:v15+s3+$0x0], $0xffff  }
0x5d2: {  	v13 =	vld.idx.msk [tilespmem:v17+s3+$0x0], $0xffff  }
0x5d3: {  	v4 =	vld.idx.msk [tilespmem:v4+s3+$0x0], $0xffff  }
0x5d4: {  	v3 =	vld.idx.msk [tilespmem:v3+s3+$0x0], $0xffff  }
0x5d5: {  	v15 =	vld.idx.msk [tilespmem:v27+s3+$0x0], $0xffff  }
0x5d6: {  	[tilespmem:v5+s18+$0x0] =	vst.idx.add.f32.msk $0xffff, v9  }
0x5d7: {  	v5 =	vld.idx.msk [tilespmem:v28+s3+$0x0], $0xffff  }
0x5d8: {  	[tilespmem:v29+s18+$0x0] =	vst.idx.add.f32.msk $0xffff, v10  }
0x5d9: {  	[tilespmem:v30+s18+$0x0] =	vst.idx.add.f32.msk $0xffff, v11  }
0x5da: {  	[tilespmem:v31+s18+$0x0] =	vst.idx.add.f32.msk $0xffff, v13  }
0x5db: {  	[tilespmem:v33+s18+$0x0] =	vst.idx.add.f32.msk $0xffff, v4  }
0x5dc: {  	[tilespmem:v34+s18+$0x0] =	vst.idx.add.f32.msk $0xffff, v3  }
0x5dd: {  	[tilespmem:v36+s18+$0x0] =	vst.idx.add.f32.msk $0xffff, v15  }
0x5de: {  	[tilespmem:v39+s18+$0x0] =	vst.idx.add.f32.msk $0xffff, v5  }
0x5df: {  	v3 =	vld.idx.msk [tilespmem:v37+s3+$0x0], $0xffff  }
0x5e0: {  	v4 =	vld.idx.msk [tilespmem:v38+s3+$0x0], $0xffff  }
0x5e1: {  	v5 =	vld.idx.msk [tilespmem:v19+s3+$0x0], $0xffff  }
0x5e2: {  	v9 =	vld.idx.msk [tilespmem:v40+s3+$0x0], $0xffff  }
0x5e3: {  	v10 =	vld.idx.msk [tilespmem:v41+s3+$0x0], $0xffff  }
0x5e4: {  	v11 =	vld.idx.msk [tilespmem:v43+s3+$0x0], $0xffff  }
0x5e5: {  	v13 =	vld.idx.msk [tilespmem:v44+s3+$0x0], $0xffff  }
0x5e6: {  	[tilespmem:v46+s18+$0x0] =	vst.idx.add.f32.msk $0xffff, v3  }
0x5e7: {  	[tilespmem:v47+s18+$0x0] =	vst.idx.add.f32.msk $0xffff, v4  }
0x5e8: {  	[tilespmem:v20+s18+$0x0] =	vst.idx.add.f32.msk $0xffff, v5  }
0x5e9: {  	[tilespmem:v50+s18+$0x0] =	vst.idx.add.f32.msk $0xffff, v9  }
0x5ea: {  	[tilespmem:v51+s18+$0x0] =	vst.idx.add.f32.msk $0xffff, v10  }
0x5eb: {  	[tilespmem:v23+s18+$0x0] =	vst.idx.add.f32.msk $0xffff, v11  }
0x5ec: {  	[tilespmem:v52+s18+$0x0] =	vst.idx.add.f32.msk $0xffff, v13  }
0x5ed: {  	v5 =	vld.idx.msk [tilespmem:v22+s3+$0x0], $0xffff  }
0x5ee: {  	v9 =	vld.idx.msk [tilespmem:v12+s3+$0x0], $0xffff  }
0x5ef: {  	v10 =	vld.idx.msk [tilespmem:v16+s3+$0x0], $0xffff  }
0x5f0: {  	v11 =	vld.idx.msk [tilespmem:v18+s3+$0x0], $0xffff  }
0x5f1: {  	v12 =	vld.idx.msk [tilespmem:v26+s3+$0x0], $0xffff  }
0x5f2: {  	v4 =	vld.idx.msk [tilespmem:v53+s3+$0x0], $0xffff  }
0x5f3: {  	v3 =	vld.idx.msk [tilespmem:v21+s3+$0x0], $0xffff  }
.Ltmp10:
0x5f4: {  	[tilespmem:v24+s18+$0x0] =	vst.idx.add.f32.msk $0xffff, v5;
	(pc) =	sbr.rel @p0 .LBB2_22-.Ltmp10, $4  }
0x5f5: {  	[tilespmem:v6+s18+$0x0] =	vst.idx.add.f32.msk $0xffff, v9  }
0x5f6: {  	[tilespmem:v7+s18+$0x0] =	vst.idx.add.f32.msk $0xffff, v10  }
0x5f7: {  	[tilespmem:v8+s18+$0x0] =	vst.idx.add.f32.msk $0xffff, v11  }
0x5f8: {  	s21 =	sadd.s32 $0x80, s21;
	[tilespmem:v14+s18+$0x0] =	vst.idx.add.f32.msk $0xffff, v12  }
0x5f9: {  	_ =	sdelay $0x2  }
0x5fa: {  	s19 =	sadd.s32 $0x1, s19  }
0x5fb: {  	[tilespmem:v2+s18+$0x0] =	vst.idx.add.f32.msk $0xffff, v4;
	p0 =	sne.s32 s19, s15  }
.Ltmp11:
0x5fc: {  	[tilespmem:v1+s18+$0x0] =	vst.idx.add.f32.msk $0xffff, v3;
	(pc) =	sbr.rel @p0 .LBB2_1-.Ltmp11, $4  }
0x5fd: {  	[hbm4b:s14+s3] =	stream.linear.scatter [tilespmem:s18], [sflag:$0x1], $0x9C80, $0x38;
	[tilespmem:$0x1B600] =	vst v63  }
0x5fe: {  	_ =	swait.ge [sflag:s16], $0x9C80  }
0x5ff: {  	[sflag:s16] =	ssyncset.done $0x0  }
0x600: {  	[sflag:s16] =	ssyncadd.s32 $0xFFFF6380  }
0x601: {  	_ =	sfence.sel $0x180000  }
0x602: {  	[bflag:$0x0] =	sbarrier.arrive $0xFFFF  }
0x603: {  	p0 =	sne.s32 s1, $0x0;
	_ =	strace $0x90000047  }
0x604: {  	s0 =	sadd.s32 @!p0 $0x100000, s0;
	[bflag:$0x2] =	sbarrier.arrive $0xFFFF  }
0x605: {  	[sflag:s0] =	ssyncadd.tile.s32 @!p0 $0x1;
	_ =	shalt  }
.Lfunc_end2:
_tile_overlayer_lowered:
.L_overlay_start_2:
0x606: {  	(tag) =	ssettag $0x2  }
0x607: {  	s0 =	rddreg [dreg:$0x0];
	s2 =	stileid.u32  }
0x608: {  	s1 =	rddreg [dreg:$0x1];
	p0 =	sne.s32 s2, $0x0  }
0x609: {  	s3 =	rddreg [dreg:$0x2];
	[bflag:$0x3] =	sbarrier.arrive $0xFFFF;
	s2 =	simm.s32 @!p0 $0x1C01  }
0x60a: {  	[timem:s3], [sflag:s2] =	dma.local @!p0 [hbm:s0], s1  }
0x60b: {  	s0 =	simm.s32 @!p0 $0x1  }
0x60c: {  	_ =	swait.ge @!p0 [sflag:s0], s1  }
0x60d: {  	s1 =	ssub.s32 @!p0 $0x0, s1;
	[sflag:s0] =	ssyncset.done @!p0 $0x0  }
0x60e: {  	[sflag:s0] =	ssyncadd.s32 @!p0 s1  }
0x60f: {  	[bflag:$0x3] =	sbarrier.arrive $0xFFFF  }
0x610: {  	_ =	shalt  }

</sc_bundles>
